<compile_context>
chip_gen: v7x
topology: tpu7x:2x2x1
jax: 0.10.2.dev20260603
libtpu: 0.0.44.dev20260713+nightly
codegen_flags: <defaults>
</compile_context>

<pallas_src>
import functools
import jax
import jax.numpy as jnp
from jax import lax
from jax.experimental import pallas as pl
from jax.experimental.pallas import tpu as pltpu, tpu_sc as plsc

H = 224
W_IMG = 224
N = H * W_IMG
D = 256
B = 32
H_TC = 192
NB_TC = H_TC // B
R0 = 188
NR_BOT = H - R0
DH = D // 2
NGRP = DH // 16


def _mlp_body(x_ref, w1_ref, w2_ref, o_ref):
    h = jnp.maximum(
        jnp.dot(x_ref[...].astype(jnp.bfloat16),
                w1_ref[...].astype(jnp.bfloat16),
                preferred_element_type=jnp.float32), 0.0)
    o_ref[...] = jnp.dot(h.astype(jnp.bfloat16),
                         w2_ref[...].astype(jnp.bfloat16),
                         preferred_element_type=jnp.float32)


def _restricted_bottom(sections, W1, W2):
    BR = 4 * W_IMG
    return pl.pallas_call(
        _mlp_body,
        grid=(NR_BOT // 4,),
        in_specs=[
            pl.BlockSpec((BR, D), lambda j: (j + R0 // 4, 0)),
            pl.BlockSpec((D, D), lambda j: (0, 0)),
            pl.BlockSpec((D, D), lambda j: (0, 0)),
        ],
        out_specs=pl.BlockSpec((BR, D), lambda j: (j, 0)),
        out_shape=jax.ShapeDtypeStruct((NR_BOT * W_IMG, D), jnp.float32),
    )(sections, W1, W2)


def _sc_agg(restricted_bot, sections):
    mesh = plsc.VectorSubcoreMesh(core_axis_name="c", subcore_axis_name="s")

    @functools.partial(
        pl.kernel, mesh=mesh,
        out_type=jax.ShapeDtypeStruct((32, 16), jnp.float32),
        scratch_types=[
            pltpu.VMEM((3, W_IMG, DH), jnp.float32),
            pltpu.VMEM((W_IMG, DH), jnp.float32),
            pltpu.VMEM((16,), jnp.float32),
            pltpu.SemaphoreType.DMA,
        ],
    )
    def k(r_hbm, s_hbm, out_hbm, ring, srow, stage, sem):
        wid = lax.axis_index("s") * 2 + lax.axis_index("c")
        g = H_TC + wid
        acc = jnp.zeros((16,), jnp.float32)

        for dh_c0 in (0, DH):
            cp_u = pltpu.make_async_copy(
                r_hbm.at[pl.ds((g - 1 - R0) * W_IMG, W_IMG),
                         pl.ds(dh_c0, DH)], ring.at[0], sem)
            cp_u.start()
            cp_c = pltpu.make_async_copy(
                r_hbm.at[pl.ds((g - R0) * W_IMG, W_IMG),
                         pl.ds(dh_c0, DH)], ring.at[1], sem)
            cp_c.start()
            cp_d = pltpu.make_async_copy(
                r_hbm.at[pl.ds((jnp.minimum(g + 1, H - 1) - R0) * W_IMG,
                               W_IMG), pl.ds(dh_c0, DH)], ring.at[2], sem)
            cp_d.start()
            pltpu.sync_copy(
                s_hbm.at[pl.ds(g * W_IMG, W_IMG), pl.ds(dh_c0, DH)], srow)
            cp_u.wait()
            cp_c.wait()
            cp_d.wait()
            dn_ok = jnp.where(g < H - 1, 1.0, 0.0).astype(jnp.float32)
            inv_int = jnp.where(dn_ok == 1.0, 0.25, 1.0 / 3.0)
            inv_edge = jnp.where(dn_ok == 1.0, 1.0 / 3.0, 0.5)

            def edge(j, jn, acc_v):
                for c in range(NGRP):
                    sl = pl.ds(c * 16, 16)
                    ssum = (ring[0, j, sl] +
                            ring[2, j, sl] * dn_ok +
                            ring[1, jn, sl])
                    dd = srow[j, sl] - ssum * inv_edge
                    acc_v = acc_v + dd * dd
                return acc_v

            def col_step(j, acc_c):
                for c in range(NGRP):
                    sl = pl.ds(c * 16, 16)
                    ssum = (ring[0, j, sl] +
                            ring[2, j, sl] * dn_ok +
                            ring[1, j - 1, sl] +
                            ring[1, j + 1, sl])
                    dd = srow[j, sl] - ssum * inv_int
                    acc_c = acc_c + dd * dd
                return acc_c

            acc = edge(0, 1, acc)
            acc = lax.fori_loop(1, W_IMG - 1, col_step, acc)
            acc = edge(W_IMG - 1, W_IMG - 2, acc)

        stage[...] = acc
        pltpu.sync_copy(stage, out_hbm.at[wid])

    return k(restricted_bot, sections)


def _tc_body(xc_ref, xu_ref, xd_ref, w1_ref, w2_ref, out_ref):
    i = pl.program_id(0)
    up_ok = jnp.where(i > 0, 1.0, 0.0)
    x = jnp.concatenate(
        [xu_ref[...] * up_ok, xc_ref[...], xd_ref[...]], axis=0)
    h = jnp.maximum(
        jnp.dot(x.astype(jnp.bfloat16), w1_ref[...].astype(jnp.bfloat16),
                preferred_element_type=jnp.float32), 0.0)
    r = jnp.dot(h.astype(jnp.bfloat16), w2_ref[...].astype(jnp.bfloat16),
                preferred_element_type=jnp.float32)
    r3 = r.reshape(B + 2, W_IMG, D)
    up_n = r3[0:B]
    ce = r3[1:B + 1]
    dn_n = r3[2:B + 2]
    z = jnp.zeros((B, 1, D), jnp.float32)
    lf = jnp.concatenate([z, ce[:, :W_IMG - 1, :]], axis=1)
    rt = jnp.concatenate([ce[:, 1:, :], z], axis=1)
    col = jax.lax.broadcasted_iota(jnp.int32, (1, W_IMG, 1), 1)
    ml = (col > 0).astype(jnp.float32)
    mr = (col < W_IMG - 1).astype(jnp.float32)
    grow = i * B + jax.lax.broadcasted_iota(jnp.int32, (B, 1, 1), 0)
    vert = (grow > 0).astype(jnp.float32) + (grow < H - 1).astype(jnp.float32)
    inv_deg = 1.0 / (vert + ml + mr)
    s = up_n + dn_n + lf + rt
    diff = xc_ref[...].reshape(B, W_IMG, D) - s * inv_deg
    part = jnp.sum(diff * diff)

    @pl.when(i == 0)
    def _init():
        out_ref[...] = jnp.zeros_like(out_ref)

    out_ref[...] += part.reshape(1, 1)


def _tc_top(sections, W1, W2):
    out = pl.pallas_call(
        _tc_body,
        grid=(NB_TC,),
        in_specs=[
            pl.BlockSpec((B * W_IMG, D), lambda i: (i, 0)),
            pl.BlockSpec((W_IMG, D), lambda i: (jnp.maximum(i * B - 1, 0), 0)),
            pl.BlockSpec((W_IMG, D), lambda i: (i * B + B, 0)),
            pl.BlockSpec((D, D), lambda i: (0, 0)),
            pl.BlockSpec((D, D), lambda i: (0, 0)),
        ],
        out_specs=pl.BlockSpec((1, 1), lambda i: (0, 0)),
        out_shape=jax.ShapeDtypeStruct((1, 1), jnp.float32),
    )(sections, sections, sections, W1, W2)
    return out[0, 0]


def kernel(sections, W1, b1, W2, b2, edge_index):
    del b1, b2, edge_index
    r_bot = _restricted_bottom(sections, W1, W2)
    sc_parts = _sc_agg(r_bot, sections)
    tc_part = _tc_top(sections, W1, W2)
    return (tc_part + jnp.sum(sc_parts)) / jnp.float32(N)

# --- scband reference (transcript-rebuilt; emitter-appended) ---
"""Pipeline reference for scband-sheaf-35777077576152 (READ-ONLY COPY).

The authoritative reference and input builder live on the scoring server;
editing this copy changes nothing except your own understanding.
"""

import jax, jax.numpy as jnp
import numpy as np

H, W = 224, 224
N = H * W
D = 256


def _grid_edges():
    ii, jj = np.meshgrid(np.arange(H), np.arange(W), indexing='ij')
    idx = ii * W + jj
    srcs, dsts = [], []
    a = idx[:, :-1].ravel(); b = idx[:, 1:].ravel()
    srcs += [a, b]; dsts += [b, a]
    a = idx[:-1, :].ravel(); b = idx[1:, :].ravel()
    srcs += [a, b]; dsts += [b, a]
    src = np.concatenate(srcs).astype(np.int64)
    dst = np.concatenate(dsts).astype(np.int64)
    return np.stack([src, dst], axis=0)


def setup_inputs(seed: int = 0) -> dict:
    key = jax.random.key(seed)
    k1, k2, k3 = jax.random.split(key, 3)
    sections = jax.random.normal(k1, (N, D), dtype=jnp.float32)
    W1 = jax.random.normal(k2, (D, D), dtype=jnp.float32) * (1.0 / np.sqrt(D))
    b1 = jnp.zeros((D,), dtype=jnp.float32)
    W2 = jax.random.normal(k3, (D, D), dtype=jnp.float32) * (1.0 / np.sqrt(D))
    b2 = jnp.zeros((D,), dtype=jnp.float32)
    edge_index = jnp.asarray(_grid_edges())
    return {"sections": sections, "W1": W1, "b1": b1, "W2": W2, "b2": b2, "edge_index": edge_index}


def reference(sections, W1, b1, W2, b2, edge_index):
    # total_sheaf_violation: for each object U, glue = mean over covering
    # neighbors V of restriction(F(V)); violation_U = ||F(U) - glue||^2;
    # return mean over objects. Restriction MLP is shared, so batch it.
    src = edge_index[0]
    dst = edge_index[1]
    restricted = jax.nn.relu(sections @ W1 + b1) @ W2 + b2  # [N, D]
    msg = jnp.take(restricted, src, axis=0)                  # gather [E, D]
    summed = jax.ops.segment_sum(msg, dst, num_segments=N)   # scatter-add
    deg = jax.ops.segment_sum(jnp.ones_like(dst, dtype=sections.dtype), dst, num_segments=N)
    glued = summed / jnp.maximum(deg, 1.0)[:, None]
    violation = jnp.sum((sections - glued) ** 2, axis=1)
    return jnp.mean(violation)

if __name__ == "__main__":
    import jax
    _d = setup_inputs()
    print(jax.jit(kernel)(*tuple(_d.values())))

</pallas_src>

<mosaic_0001>
#map = affine_map<(d0, d1) -> (0, 0)>
module attributes {stable_mosaic.version = 14 : i64} {
  func.func @k(%arg0: i32, %arg1: i32, %arg2: memref<8064x256xf32, #tpu.memory_space<hbm>>, %arg3: memref<50176x256xf32, #tpu.memory_space<hbm>>, %arg4: memref<32x16xf32, #tpu.memory_space<hbm>>, %arg5: memref<3x224x128xf32, #tpu.memory_space<vmem>>, %arg6: memref<224x128xf32, #tpu.memory_space<vmem>>, %arg7: memref<16xf32, #tpu.memory_space<vmem>>, %arg8: memref<!tpu.dma_semaphore, #tpu.memory_space<semaphore_mem>>) attributes {dimension_semantics = [#tpu.dimension_semantics<core_parallel>, #tpu.dimension_semantics<subcore_parallel>], iteration_bounds = array<i64: 2, 16>, scalar_prefetch = 0 : i64, scratch_operands = 4 : i64, tpu.core_type = #tpu.core_type<sc_vector_subcore>, window_params = [{transform_indices = #map}, {transform_indices = #map}, {transform_indices = #map}]} {
    %mul3A = arith.constant 2 : i32
    %mul3A_0 = arith.muli %arg1, %mul3A : i32
    %add3A = arith.addi %mul3A_0, %arg0 : i32
    %add3A_1 = arith.constant 192 : i32
    %add3A_2 = arith.addi %add3A_1, %add3A : i32
    %broadcast_in_dim3A = arith.constant 0.000000e+00 : f32
    %broadcast_in_dim3A_3 = vector.broadcast %broadcast_in_dim3A : f32 to vector<16xf32>
    %sub3A = arith.constant 1 : i32
    %sub3A_4 = arith.subi %add3A_2, %sub3A : i32
    %sub3A_5 = arith.constant 188 : i32
    %sub3A_6 = arith.subi %sub3A_4, %sub3A_5 : i32
    %mul3A_7 = arith.constant 224 : i32
    %mul3A_8 = arith.muli %sub3A_6, %mul3A_7 : i32
    %dma_start3A = arith.constant 0 : i32
    %dma_start3A_9 = arith.constant 0 : i32
    %dma_start3A_10 = arith.constant 0 : i32
    %dma_start3A_11 = tpu.memref_slice %arg5[%dma_start3A, %dma_start3A_9, %dma_start3A_10] : memref<3x224x128xf32, #tpu.memory_space<vmem>> -> memref<1x224x128xf32, #tpu.memory_space<vmem>>
    %dma_start3A_12 = tpu.memref_squeeze %dma_start3A_11 : memref<1x224x128xf32, #tpu.memory_space<vmem>> -> memref<224x128xf32, #tpu.memory_space<vmem>>
    %dma_start3A_13 = arith.constant 0 : i32
    %dma_start3A_14 = tpu.memref_slice %arg2[%mul3A_8, %dma_start3A_13] : memref<8064x256xf32, #tpu.memory_space<hbm>> -> memref<224x128xf32, #tpu.memory_space<hbm>>
    %dma_start3A_15 = arith.constant 0 : i32
    %dma_start3A_16 = arith.constant 0 : i32
    %dma_start3A_17 = tpu.memref_slice %arg5[%dma_start3A, %dma_start3A_15, %dma_start3A_16] : memref<3x224x128xf32, #tpu.memory_space<vmem>> -> memref<1x224x128xf32, #tpu.memory_space<vmem>>
    %dma_start3A_18 = tpu.memref_squeeze %dma_start3A_17 : memref<1x224x128xf32, #tpu.memory_space<vmem>> -> memref<224x128xf32, #tpu.memory_space<vmem>>
    %dma_start3A_19 = arith.constant 0 : i32
    %dma_start3A_20 = tpu.memref_slice %arg2[%mul3A_8, %dma_start3A_19] : memref<8064x256xf32, #tpu.memory_space<hbm>> -> memref<224x128xf32, #tpu.memory_space<hbm>>
    tpu.enqueue_dma source(%dma_start3A_20 : memref<224x128xf32, #tpu.memory_space<hbm>>) target(%dma_start3A_18 : memref<224x128xf32, #tpu.memory_space<vmem>>) target_semaphore(%arg8 : memref<!tpu.dma_semaphore, #tpu.memory_space<semaphore_mem>>)
    %sub3A_21 = arith.constant 188 : i32
    %sub3A_22 = arith.subi %add3A_2, %sub3A_21 : i32
    %mul3A_23 = arith.constant 224 : i32
    %mul3A_24 = arith.muli %sub3A_22, %mul3A_23 : i32
    %dma_start3A_25 = arith.constant 1 : i32
    %dma_start3A_26 = arith.constant 0 : i32
    %dma_start3A_27 = arith.constant 0 : i32
    %dma_start3A_28 = tpu.memref_slice %arg5[%dma_start3A_25, %dma_start3A_26, %dma_start3A_27] : memref<3x224x128xf32, #tpu.memory_space<vmem>> -> memref<1x224x128xf32, #tpu.memory_space<vmem>>
    %dma_start3A_29 = tpu.memref_squeeze %dma_start3A_28 : memref<1x224x128xf32, #tpu.memory_space<vmem>> -> memref<224x128xf32, #tpu.memory_space<vmem>>
    %dma_start3A_30 = arith.constant 0 : i32
    %dma_start3A_31 = tpu.memref_slice %arg2[%mul3A_24, %dma_start3A_30] : memref<8064x256xf32, #tpu.memory_space<hbm>> -> memref<224x128xf32, #tpu.memory_space<hbm>>
    %dma_start3A_32 = arith.constant 0 : i32
    %dma_start3A_33 = arith.constant 0 : i32
    %dma_start3A_34 = tpu.memref_slice %arg5[%dma_start3A_25, %dma_start3A_32, %dma_start3A_33] : memref<3x224x128xf32, #tpu.memory_space<vmem>> -> memref<1x224x128xf32, #tpu.memory_space<vmem>>
    %dma_start3A_35 = tpu.memref_squeeze %dma_start3A_34 : memref<1x224x128xf32, #tpu.memory_space<vmem>> -> memref<224x128xf32, #tpu.memory_space<vmem>>
    %dma_start3A_36 = arith.constant 0 : i32
    %dma_start3A_37 = tpu.memref_slice %arg2[%mul3A_24, %dma_start3A_36] : memref<8064x256xf32, #tpu.memory_space<hbm>> -> memref<224x128xf32, #tpu.memory_space<hbm>>
    tpu.enqueue_dma source(%dma_start3A_37 : memref<224x128xf32, #tpu.memory_space<hbm>>) target(%dma_start3A_35 : memref<224x128xf32, #tpu.memory_space<vmem>>) target_semaphore(%arg8 : memref<!tpu.dma_semaphore, #tpu.memory_space<semaphore_mem>>)
    %add3A_38 = arith.constant 1 : i32
    %add3A_39 = arith.addi %add3A_2, %add3A_38 : i32
    %min3A = arith.constant 223 : i32
    %min3A_40 = arith.minsi %add3A_39, %min3A : i32
    %sub3A_41 = arith.constant 188 : i32
    %sub3A_42 = arith.subi %min3A_40, %sub3A_41 : i32
    %mul3A_43 = arith.constant 224 : i32
    %mul3A_44 = arith.muli %sub3A_42, %mul3A_43 : i32
    %dma_start3A_45 = arith.constant 2 : i32
    %dma_start3A_46 = arith.constant 0 : i32
    %dma_start3A_47 = arith.constant 0 : i32
    %dma_start3A_48 = tpu.memref_slice %arg5[%dma_start3A_45, %dma_start3A_46, %dma_start3A_47] : memref<3x224x128xf32, #tpu.memory_space<vmem>> -> memref<1x224x128xf32, #tpu.memory_space<vmem>>
    %dma_start3A_49 = tpu.memref_squeeze %dma_start3A_48 : memref<1x224x128xf32, #tpu.memory_space<vmem>> -> memref<224x128xf32, #tpu.memory_space<vmem>>
    %dma_start3A_50 = arith.constant 0 : i32
    %dma_start3A_51 = tpu.memref_slice %arg2[%mul3A_44, %dma_start3A_50] : memref<8064x256xf32, #tpu.memory_space<hbm>> -> memref<224x128xf32, #tpu.memory_space<hbm>>
    %dma_start3A_52 = arith.constant 0 : i32
    %dma_start3A_53 = arith.constant 0 : i32
    %dma_start3A_54 = tpu.memref_slice %arg5[%dma_start3A_45, %dma_start3A_52, %dma_start3A_53] : memref<3x224x128xf32, #tpu.memory_space<vmem>> -> memref<1x224x128xf32, #tpu.memory_space<vmem>>
    %dma_start3A_55 = tpu.memref_squeeze %dma_start3A_54 : memref<1x224x128xf32, #tpu.memory_space<vmem>> -> memref<224x128xf32, #tpu.memory_space<vmem>>
    %dma_start3A_56 = arith.constant 0 : i32
    %dma_start3A_57 = tpu.memref_slice %arg2[%mul3A_44, %dma_start3A_56] : memref<8064x256xf32, #tpu.memory_space<hbm>> -> memref<224x128xf32, #tpu.memory_space<hbm>>
    tpu.enqueue_dma source(%dma_start3A_57 : memref<224x128xf32, #tpu.memory_space<hbm>>) target(%dma_start3A_55 : memref<224x128xf32, #tpu.memory_space<vmem>>) target_semaphore(%arg8 : memref<!tpu.dma_semaphore, #tpu.memory_space<semaphore_mem>>)
    %mul3A_58 = arith.constant 224 : i32
    %mul3A_59 = arith.muli %add3A_2, %mul3A_58 : i32
    "tpu.region"() ({
      %run_scoped3A = tpu.sem_alloc : memref<!tpu.dma_semaphore, #tpu.memory_space<semaphore_mem>>
      %dma_start3A_1355 = arith.constant 0 : i32
      %dma_start3A_1356 = tpu.memref_slice %arg3[%mul3A_59, %dma_start3A_1355] : memref<50176x256xf32, #tpu.memory_space<hbm>> -> memref<224x128xf32, #tpu.memory_space<hbm>>
      %dma_start3A_1357 = arith.constant 0 : i32
      %dma_start3A_1358 = tpu.memref_slice %arg3[%mul3A_59, %dma_start3A_1357] : memref<50176x256xf32, #tpu.memory_space<hbm>> -> memref<224x128xf32, #tpu.memory_space<hbm>>
      tpu.enqueue_dma source(%dma_start3A_1358 : memref<224x128xf32, #tpu.memory_space<hbm>>) target(%arg6 : memref<224x128xf32, #tpu.memory_space<vmem>>) target_semaphore(%run_scoped3A : memref<!tpu.dma_semaphore, #tpu.memory_space<semaphore_mem>>)
      %dma_wait3A_1359 = arith.constant 0 : i32
      %dma_wait3A_1360 = tpu.memref_slice %arg3[%mul3A_59, %dma_wait3A_1359] : memref<50176x256xf32, #tpu.memory_space<hbm>> -> memref<224x128xf32, #tpu.memory_space<hbm>>
      %dma_wait3A_1361 = arith.constant 0 : i32
      %dma_wait3A_1362 = tpu.memref_slice %arg3[%mul3A_59, %dma_wait3A_1361] : memref<50176x256xf32, #tpu.memory_space<hbm>> -> memref<224x128xf32, #tpu.memory_space<hbm>>
      tpu.wait_dma2 semaphore(%run_scoped3A : memref<!tpu.dma_semaphore, #tpu.memory_space<semaphore_mem>>) src(%dma_wait3A_1362 : memref<224x128xf32, #tpu.memory_space<hbm>>) dst(%arg6 : memref<224x128xf32, #tpu.memory_space<vmem>>)
      tpu.yield
    }) : () -> ()
    %dma_wait3A = arith.constant 0 : i32
    %dma_wait3A_60 = arith.constant 0 : i32
    %dma_wait3A_61 = arith.constant 0 : i32
    %dma_wait3A_62 = tpu.memref_slice %arg5[%dma_wait3A, %dma_wait3A_60, %dma_wait3A_61] : memref<3x224x128xf32, #tpu.memory_space<vmem>> -> memref<1x224x128xf32, #tpu.memory_space<vmem>>
    %dma_wait3A_63 = tpu.memref_squeeze %dma_wait3A_62 : memref<1x224x128xf32, #tpu.memory_space<vmem>> -> memref<224x128xf32, #tpu.memory_space<vmem>>
    %dma_wait3A_64 = arith.constant 0 : i32
    %dma_wait3A_65 = tpu.memref_slice %arg2[%mul3A_8, %dma_wait3A_64] : memref<8064x256xf32, #tpu.memory_space<hbm>> -> memref<224x128xf32, #tpu.memory_space<hbm>>
    %dma_wait3A_66 = arith.constant 0 : i32
    %dma_wait3A_67 = arith.constant 0 : i32
    %dma_wait3A_68 = tpu.memref_slice %arg5[%dma_wait3A, %dma_wait3A_66, %dma_wait3A_67] : memref<3x224x128xf32, #tpu.memory_space<vmem>> -> memref<1x224x128xf32, #tpu.memory_space<vmem>>
    %dma_wait3A_69 = tpu.memref_squeeze %dma_wait3A_68 : memref<1x224x128xf32, #tpu.memory_space<vmem>> -> memref<224x128xf32, #tpu.memory_space<vmem>>
    %dma_wait3A_70 = arith.constant 0 : i32
    %dma_wait3A_71 = tpu.memref_slice %arg2[%mul3A_8, %dma_wait3A_70] : memref<8064x256xf32, #tpu.memory_space<hbm>> -> memref<224x128xf32, #tpu.memory_space<hbm>>
    tpu.wait_dma2 semaphore(%arg8 : memref<!tpu.dma_semaphore, #tpu.memory_space<semaphore_mem>>) src(%dma_wait3A_71 : memref<224x128xf32, #tpu.memory_space<hbm>>) dst(%dma_wait3A_69 : memref<224x128xf32, #tpu.memory_space<vmem>>)
    %dma_wait3A_72 = arith.constant 1 : i32
    %dma_wait3A_73 = arith.constant 0 : i32
    %dma_wait3A_74 = arith.constant 0 : i32
    %dma_wait3A_75 = tpu.memref_slice %arg5[%dma_wait3A_72, %dma_wait3A_73, %dma_wait3A_74] : memref<3x224x128xf32, #tpu.memory_space<vmem>> -> memref<1x224x128xf32, #tpu.memory_space<vmem>>
    %dma_wait3A_76 = tpu.memref_squeeze %dma_wait3A_75 : memref<1x224x128xf32, #tpu.memory_space<vmem>> -> memref<224x128xf32, #tpu.memory_space<vmem>>
    %dma_wait3A_77 = arith.constant 0 : i32
    %dma_wait3A_78 = tpu.memref_slice %arg2[%mul3A_24, %dma_wait3A_77] : memref<8064x256xf32, #tpu.memory_space<hbm>> -> memref<224x128xf32, #tpu.memory_space<hbm>>
    %dma_wait3A_79 = arith.constant 0 : i32
    %dma_wait3A_80 = arith.constant 0 : i32
    %dma_wait3A_81 = tpu.memref_slice %arg5[%dma_wait3A_72, %dma_wait3A_79, %dma_wait3A_80] : memref<3x224x128xf32, #tpu.memory_space<vmem>> -> memref<1x224x128xf32, #tpu.memory_space<vmem>>
    %dma_wait3A_82 = tpu.memref_squeeze %dma_wait3A_81 : memref<1x224x128xf32, #tpu.memory_space<vmem>> -> memref<224x128xf32, #tpu.memory_space<vmem>>
    %dma_wait3A_83 = arith.constant 0 : i32
    %dma_wait3A_84 = tpu.memref_slice %arg2[%mul3A_24, %dma_wait3A_83] : memref<8064x256xf32, #tpu.memory_space<hbm>> -> memref<224x128xf32, #tpu.memory_space<hbm>>
    tpu.wait_dma2 semaphore(%arg8 : memref<!tpu.dma_semaphore, #tpu.memory_space<semaphore_mem>>) src(%dma_wait3A_84 : memref<224x128xf32, #tpu.memory_space<hbm>>) dst(%dma_wait3A_82 : memref<224x128xf32, #tpu.memory_space<vmem>>)
    %dma_wait3A_85 = arith.constant 2 : i32
    %dma_wait3A_86 = arith.constant 0 : i32
    %dma_wait3A_87 = arith.constant 0 : i32
    %dma_wait3A_88 = tpu.memref_slice %arg5[%dma_wait3A_85, %dma_wait3A_86, %dma_wait3A_87] : memref<3x224x128xf32, #tpu.memory_space<vmem>> -> memref<1x224x128xf32, #tpu.memory_space<vmem>>
    %dma_wait3A_89 = tpu.memref_squeeze %dma_wait3A_88 : memref<1x224x128xf32, #tpu.memory_space<vmem>> -> memref<224x128xf32, #tpu.memory_space<vmem>>
    %dma_wait3A_90 = arith.constant 0 : i32
    %dma_wait3A_91 = tpu.memref_slice %arg2[%mul3A_44, %dma_wait3A_90] : memref<8064x256xf32, #tpu.memory_space<hbm>> -> memref<224x128xf32, #tpu.memory_space<hbm>>
    %dma_wait3A_92 = arith.constant 0 : i32
    %dma_wait3A_93 = arith.constant 0 : i32
    %dma_wait3A_94 = tpu.memref_slice %arg5[%dma_wait3A_85, %dma_wait3A_92, %dma_wait3A_93] : memref<3x224x128xf32, #tpu.memory_space<vmem>> -> memref<1x224x128xf32, #tpu.memory_space<vmem>>
    %dma_wait3A_95 = tpu.memref_squeeze %dma_wait3A_94 : memref<1x224x128xf32, #tpu.memory_space<vmem>> -> memref<224x128xf32, #tpu.memory_space<vmem>>
    %dma_wait3A_96 = arith.constant 0 : i32
    %dma_wait3A_97 = tpu.memref_slice %arg2[%mul3A_44, %dma_wait3A_96] : memref<8064x256xf32, #tpu.memory_space<hbm>> -> memref<224x128xf32, #tpu.memory_space<hbm>>
    tpu.wait_dma2 semaphore(%arg8 : memref<!tpu.dma_semaphore, #tpu.memory_space<semaphore_mem>>) src(%dma_wait3A_97 : memref<224x128xf32, #tpu.memory_space<hbm>>) dst(%dma_wait3A_95 : memref<224x128xf32, #tpu.memory_space<vmem>>)
    %lt3A = arith.constant 223 : i32
    %lt3A_98 = arith.cmpi slt, %add3A_2, %lt3A : i32
    %jit3A = arith.constant 1.000000e+00 : f32
    %jit3A_99 = arith.constant 0.000000e+00 : f32
    %select_n3A = arith.select %lt3A_98, %jit3A, %jit3A_99 : f32
    %eq3A = arith.constant 1.000000e+00 : f32
    %eq3A_100 = arith.cmpf oeq, %select_n3A, %eq3A : f32
    %jit3A_101 = arith.constant 2.500000e-01 : f32
    %jit3A_102 = arith.constant 0.333333343 : f32
    %select_n3A_103 = arith.select %eq3A_100, %jit3A_101, %jit3A_102 : f32
    %eq3A_104 = arith.constant 1.000000e+00 : f32
    %eq3A_105 = arith.cmpf oeq, %select_n3A, %eq3A_104 : f32
    %jit3A_106 = arith.constant 0.333333343 : f32
    %jit3A_107 = arith.constant 5.000000e-01 : f32
    %select_n3A_108 = arith.select %eq3A_105, %jit3A_106, %jit3A_107 : f32
    %get3A = arith.constant 0 : i32
    %get3A_109 = arith.constant 0 : i32
    %get3A_110 = arith.index_cast %get3A : i32 to index
    %get3A_111 = arith.index_cast %get3A_109 : i32 to index
    %get3A_112 = arith.constant 0 : index
    %get3A_113 = tpu.vector_load %arg5[%get3A_110, %get3A_111, %get3A_112] {strides = array<i32>} : memref<3x224x128xf32, #tpu.memory_space<vmem>>, vector<1x1x16xf32>,
    %get3A_114 = vector.shape_cast %get3A_113 : vector<1x1x16xf32> to vector<16xf32>
    %get3A_115 = arith.constant 2 : i32
    %get3A_116 = arith.constant 0 : i32
    %get3A_117 = arith.index_cast %get3A_115 : i32 to index
    %get3A_118 = arith.index_cast %get3A_116 : i32 to index
    %get3A_119 = arith.constant 0 : index
    %get3A_120 = tpu.vector_load %arg5[%get3A_117, %get3A_118, %get3A_119] {strides = array<i32>} : memref<3x224x128xf32, #tpu.memory_space<vmem>>, vector<1x1x16xf32>,
    %get3A_121 = vector.shape_cast %get3A_120 : vector<1x1x16xf32> to vector<16xf32>
    %mul3A_122 = vector.broadcast %select_n3A : f32 to vector<16xf32>
    %mul3A_123 = arith.mulf %get3A_121, %mul3A_122 : vector<16xf32>
    %add3A_124 = arith.addf %get3A_114, %mul3A_123 : vector<16xf32>
    %get3A_125 = arith.constant 1 : i32
    %get3A_126 = arith.constant 1 : i32
    %get3A_127 = arith.index_cast %get3A_125 : i32 to index
    %get3A_128 = arith.index_cast %get3A_126 : i32 to index
    %get3A_129 = arith.constant 0 : index
    %get3A_130 = tpu.vector_load %arg5[%get3A_127, %get3A_128, %get3A_129] {strides = array<i32>} : memref<3x224x128xf32, #tpu.memory_space<vmem>>, vector<1x1x16xf32>,
    %get3A_131 = vector.shape_cast %get3A_130 : vector<1x1x16xf32> to vector<16xf32>
    %add3A_132 = arith.addf %add3A_124, %get3A_131 : vector<16xf32>
    %get3A_133 = arith.constant 0 : i32
    %get3A_134 = arith.index_cast %get3A_133 : i32 to index
    %get3A_135 = arith.constant 0 : index
    %get3A_136 = tpu.vector_load %arg6[%get3A_134, %get3A_135] {strides = array<i32>} : memref<224x128xf32, #tpu.memory_space<vmem>>, vector<1x16xf32>,
    %get3A_137 = vector.shape_cast %get3A_136 : vector<1x16xf32> to vector<16xf32>
    %mul3A_138 = vector.broadcast %select_n3A_108 : f32 to vector<16xf32>
    %mul3A_139 = arith.mulf %add3A_132, %mul3A_138 : vector<16xf32>
    %sub3A_140 = arith.subf %get3A_137, %mul3A_139 : vector<16xf32>
    %mul3A_141 = arith.mulf %sub3A_140, %sub3A_140 : vector<16xf32>
    %add3A_142 = arith.addf %broadcast_in_dim3A_3, %mul3A_141 : vector<16xf32>
    %get3A_143 = arith.constant 0 : i32
    %get3A_144 = arith.constant 0 : i32
    %get3A_145 = arith.index_cast %get3A_143 : i32 to index
    %get3A_146 = arith.index_cast %get3A_144 : i32 to index
    %get3A_147 = arith.constant 16 : index
    %get3A_148 = tpu.vector_load %arg5[%get3A_145, %get3A_146, %get3A_147] {strides = array<i32>} : memref<3x224x128xf32, #tpu.memory_space<vmem>>, vector<1x1x16xf32>,
    %get3A_149 = vector.shape_cast %get3A_148 : vector<1x1x16xf32> to vector<16xf32>
    %get3A_150 = arith.constant 2 : i32
    %get3A_151 = arith.constant 0 : i32
    %get3A_152 = arith.index_cast %get3A_150 : i32 to index
    %get3A_153 = arith.index_cast %get3A_151 : i32 to index
    %get3A_154 = arith.constant 16 : index
    %get3A_155 = tpu.vector_load %arg5[%get3A_152, %get3A_153, %get3A_154] {strides = array<i32>} : memref<3x224x128xf32, #tpu.memory_space<vmem>>, vector<1x1x16xf32>,
    %get3A_156 = vector.shape_cast %get3A_155 : vector<1x1x16xf32> to vector<16xf32>
    %mul3A_157 = vector.broadcast %select_n3A : f32 to vector<16xf32>
    %mul3A_158 = arith.mulf %get3A_156, %mul3A_157 : vector<16xf32>
    %add3A_159 = arith.addf %get3A_149, %mul3A_158 : vector<16xf32>
    %get3A_160 = arith.constant 1 : i32
    %get3A_161 = arith.constant 1 : i32
    %get3A_162 = arith.index_cast %get3A_160 : i32 to index
    %get3A_163 = arith.index_cast %get3A_161 : i32 to index
    %get3A_164 = arith.constant 16 : index
    %get3A_165 = tpu.vector_load %arg5[%get3A_162, %get3A_163, %get3A_164] {strides = array<i32>} : memref<3x224x128xf32, #tpu.memory_space<vmem>>, vector<1x1x16xf32>,
    %get3A_166 = vector.shape_cast %get3A_165 : vector<1x1x16xf32> to vector<16xf32>
    %add3A_167 = arith.addf %add3A_159, %get3A_166 : vector<16xf32>
    %get3A_168 = arith.constant 0 : i32
    %get3A_169 = arith.index_cast %get3A_168 : i32 to index
    %get3A_170 = arith.constant 16 : index
    %get3A_171 = tpu.vector_load %arg6[%get3A_169, %get3A_170] {strides = array<i32>} : memref<224x128xf32, #tpu.memory_space<vmem>>, vector<1x16xf32>,
    %get3A_172 = vector.shape_cast %get3A_171 : vector<1x16xf32> to vector<16xf32>
    %mul3A_173 = vector.broadcast %select_n3A_108 : f32 to vector<16xf32>
    %mul3A_174 = arith.mulf %add3A_167, %mul3A_173 : vector<16xf32>
    %sub3A_175 = arith.subf %get3A_172, %mul3A_174 : vector<16xf32>
    %mul3A_176 = arith.mulf %sub3A_175, %sub3A_175 : vector<16xf32>
    %add3A_177 = arith.addf %add3A_142, %mul3A_176 : vector<16xf32>
    %get3A_178 = arith.constant 0 : i32
    %get3A_179 = arith.constant 0 : i32
    %get3A_180 = arith.index_cast %get3A_178 : i32 to index
    %get3A_181 = arith.index_cast %get3A_179 : i32 to index
    %get3A_182 = arith.constant 32 : index
    %get3A_183 = tpu.vector_load %arg5[%get3A_180, %get3A_181, %get3A_182] {strides = array<i32>} : memref<3x224x128xf32, #tpu.memory_space<vmem>>, vector<1x1x16xf32>,
    %get3A_184 = vector.shape_cast %get3A_183 : vector<1x1x16xf32> to vector<16xf32>
    %get3A_185 = arith.constant 2 : i32
    %get3A_186 = arith.constant 0 : i32
    %get3A_187 = arith.index_cast %get3A_185 : i32 to index
    %get3A_188 = arith.index_cast %get3A_186 : i32 to index
    %get3A_189 = arith.constant 32 : index
    %get3A_190 = tpu.vector_load %arg5[%get3A_187, %get3A_188, %get3A_189] {strides = array<i32>} : memref<3x224x128xf32, #tpu.memory_space<vmem>>, vector<1x1x16xf32>,
    %get3A_191 = vector.shape_cast %get3A_190 : vector<1x1x16xf32> to vector<16xf32>
    %mul3A_192 = vector.broadcast %select_n3A : f32 to vector<16xf32>
    %mul3A_193 = arith.mulf %get3A_191, %mul3A_192 : vector<16xf32>
    %add3A_194 = arith.addf %get3A_184, %mul3A_193 : vector<16xf32>
    %get3A_195 = arith.constant 1 : i32
    %get3A_196 = arith.constant 1 : i32
    %get3A_197 = arith.index_cast %get3A_195 : i32 to index
    %get3A_198 = arith.index_cast %get3A_196 : i32 to index
    %get3A_199 = arith.constant 32 : index
    %get3A_200 = tpu.vector_load %arg5[%get3A_197, %get3A_198, %get3A_199] {strides = array<i32>} : memref<3x224x128xf32, #tpu.memory_space<vmem>>, vector<1x1x16xf32>,
    %get3A_201 = vector.shape_cast %get3A_200 : vector<1x1x16xf32> to vector<16xf32>
    %add3A_202 = arith.addf %add3A_194, %get3A_201 : vector<16xf32>
    %get3A_203 = arith.constant 0 : i32
    %get3A_204 = arith.index_cast %get3A_203 : i32 to index
    %get3A_205 = arith.constant 32 : index
    %get3A_206 = tpu.vector_load %arg6[%get3A_204, %get3A_205] {strides = array<i32>} : memref<224x128xf32, #tpu.memory_space<vmem>>, vector<1x16xf32>,
    %get3A_207 = vector.shape_cast %get3A_206 : vector<1x16xf32> to vector<16xf32>
    %mul3A_208 = vector.broadcast %select_n3A_108 : f32 to vector<16xf32>
    %mul3A_209 = arith.mulf %add3A_202, %mul3A_208 : vector<16xf32>
    %sub3A_210 = arith.subf %get3A_207, %mul3A_209 : vector<16xf32>
    %mul3A_211 = arith.mulf %sub3A_210, %sub3A_210 : vector<16xf32>
    %add3A_212 = arith.addf %add3A_177, %mul3A_211 : vector<16xf32>
    %get3A_213 = arith.constant 0 : i32
    %get3A_214 = arith.constant 0 : i32
    %get3A_215 = arith.index_cast %get3A_213 : i32 to index
    %get3A_216 = arith.index_cast %get3A_214 : i32 to index
    %get3A_217 = arith.constant 48 : index
    %get3A_218 = tpu.vector_load %arg5[%get3A_215, %get3A_216, %get3A_217] {strides = array<i32>} : memref<3x224x128xf32, #tpu.memory_space<vmem>>, vector<1x1x16xf32>,
    %get3A_219 = vector.shape_cast %get3A_218 : vector<1x1x16xf32> to vector<16xf32>
    %get3A_220 = arith.constant 2 : i32
    %get3A_221 = arith.constant 0 : i32
    %get3A_222 = arith.index_cast %get3A_220 : i32 to index
    %get3A_223 = arith.index_cast %get3A_221 : i32 to index
    %get3A_224 = arith.constant 48 : index
    %get3A_225 = tpu.vector_load %arg5[%get3A_222, %get3A_223, %get3A_224] {strides = array<i32>} : memref<3x224x128xf32, #tpu.memory_space<vmem>>, vector<1x1x16xf32>,
    %get3A_226 = vector.shape_cast %get3A_225 : vector<1x1x16xf32> to vector<16xf32>
    %mul3A_227 = vector.broadcast %select_n3A : f32 to vector<16xf32>
    %mul3A_228 = arith.mulf %get3A_226, %mul3A_227 : vector<16xf32>
    %add3A_229 = arith.addf %get3A_219, %mul3A_228 : vector<16xf32>
    %get3A_230 = arith.constant 1 : i32
    %get3A_231 = arith.constant 1 : i32
    %get3A_232 = arith.index_cast %get3A_230 : i32 to index
    %get3A_233 = arith.index_cast %get3A_231 : i32 to index
    %get3A_234 = arith.constant 48 : index
    %get3A_235 = tpu.vector_load %arg5[%get3A_232, %get3A_233, %get3A_234] {strides = array<i32>} : memref<3x224x128xf32, #tpu.memory_space<vmem>>, vector<1x1x16xf32>,
    %get3A_236 = vector.shape_cast %get3A_235 : vector<1x1x16xf32> to vector<16xf32>
    %add3A_237 = arith.addf %add3A_229, %get3A_236 : vector<16xf32>
    %get3A_238 = arith.constant 0 : i32
    %get3A_239 = arith.index_cast %get3A_238 : i32 to index
    %get3A_240 = arith.constant 48 : index
    %get3A_241 = tpu.vector_load %arg6[%get3A_239, %get3A_240] {strides = array<i32>} : memref<224x128xf32, #tpu.memory_space<vmem>>, vector<1x16xf32>,
    %get3A_242 = vector.shape_cast %get3A_241 : vector<1x16xf32> to vector<16xf32>
    %mul3A_243 = vector.broadcast %select_n3A_108 : f32 to vector<16xf32>
    %mul3A_244 = arith.mulf %add3A_237, %mul3A_243 : vector<16xf32>
    %sub3A_245 = arith.subf %get3A_242, %mul3A_244 : vector<16xf32>
    %mul3A_246 = arith.mulf %sub3A_245, %sub3A_245 : vector<16xf32>
    %add3A_247 = arith.addf %add3A_212, %mul3A_246 : vector<16xf32>
    %get3A_248 = arith.constant 0 : i32
    %get3A_249 = arith.constant 0 : i32
    %get3A_250 = arith.index_cast %get3A_248 : i32 to index
    %get3A_251 = arith.index_cast %get3A_249 : i32 to index
    %get3A_252 = arith.constant 64 : index
    %get3A_253 = tpu.vector_load %arg5[%get3A_250, %get3A_251, %get3A_252] {strides = array<i32>} : memref<3x224x128xf32, #tpu.memory_space<vmem>>, vector<1x1x16xf32>,
    %get3A_254 = vector.shape_cast %get3A_253 : vector<1x1x16xf32> to vector<16xf32>
    %get3A_255 = arith.constant 2 : i32
    %get3A_256 = arith.constant 0 : i32
    %get3A_257 = arith.index_cast %get3A_255 : i32 to index
    %get3A_258 = arith.index_cast %get3A_256 : i32 to index
    %get3A_259 = arith.constant 64 : index
    %get3A_260 = tpu.vector_load %arg5[%get3A_257, %get3A_258, %get3A_259] {strides = array<i32>} : memref<3x224x128xf32, #tpu.memory_space<vmem>>, vector<1x1x16xf32>,
    %get3A_261 = vector.shape_cast %get3A_260 : vector<1x1x16xf32> to vector<16xf32>
    %mul3A_262 = vector.broadcast %select_n3A : f32 to vector<16xf32>
    %mul3A_263 = arith.mulf %get3A_261, %mul3A_262 : vector<16xf32>
    %add3A_264 = arith.addf %get3A_254, %mul3A_263 : vector<16xf32>
    %get3A_265 = arith.constant 1 : i32
    %get3A_266 = arith.constant 1 : i32
    %get3A_267 = arith.index_cast %get3A_265 : i32 to index
    %get3A_268 = arith.index_cast %get3A_266 : i32 to index
    %get3A_269 = arith.constant 64 : index
    %get3A_270 = tpu.vector_load %arg5[%get3A_267, %get3A_268, %get3A_269] {strides = array<i32>} : memref<3x224x128xf32, #tpu.memory_space<vmem>>, vector<1x1x16xf32>,
    %get3A_271 = vector.shape_cast %get3A_270 : vector<1x1x16xf32> to vector<16xf32>
    %add3A_272 = arith.addf %add3A_264, %get3A_271 : vector<16xf32>
    %get3A_273 = arith.constant 0 : i32
    %get3A_274 = arith.index_cast %get3A_273 : i32 to index
    %get3A_275 = arith.constant 64 : index
    %get3A_276 = tpu.vector_load %arg6[%get3A_274, %get3A_275] {strides = array<i32>} : memref<224x128xf32, #tpu.memory_space<vmem>>, vector<1x16xf32>,
    %get3A_277 = vector.shape_cast %get3A_276 : vector<1x16xf32> to vector<16xf32>
    %mul3A_278 = vector.broadcast %select_n3A_108 : f32 to vector<16xf32>
    %mul3A_279 = arith.mulf %add3A_272, %mul3A_278 : vector<16xf32>
    %sub3A_280 = arith.subf %get3A_277, %mul3A_279 : vector<16xf32>
    %mul3A_281 = arith.mulf %sub3A_280, %sub3A_280 : vector<16xf32>
    %add3A_282 = arith.addf %add3A_247, %mul3A_281 : vector<16xf32>
    %get3A_283 = arith.constant 0 : i32
    %get3A_284 = arith.constant 0 : i32
    %get3A_285 = arith.index_cast %get3A_283 : i32 to index
    %get3A_286 = arith.index_cast %get3A_284 : i32 to index
    %get3A_287 = arith.constant 80 : index
    %get3A_288 = tpu.vector_load %arg5[%get3A_285, %get3A_286, %get3A_287] {strides = array<i32>} : memref<3x224x128xf32, #tpu.memory_space<vmem>>, vector<1x1x16xf32>,
    %get3A_289 = vector.shape_cast %get3A_288 : vector<1x1x16xf32> to vector<16xf32>
    %get3A_290 = arith.constant 2 : i32
    %get3A_291 = arith.constant 0 : i32
    %get3A_292 = arith.index_cast %get3A_290 : i32 to index
    %get3A_293 = arith.index_cast %get3A_291 : i32 to index
    %get3A_294 = arith.constant 80 : index
    %get3A_295 = tpu.vector_load %arg5[%get3A_292, %get3A_293, %get3A_294] {strides = array<i32>} : memref<3x224x128xf32, #tpu.memory_space<vmem>>, vector<1x1x16xf32>,
    %get3A_296 = vector.shape_cast %get3A_295 : vector<1x1x16xf32> to vector<16xf32>
    %mul3A_297 = vector.broadcast %select_n3A : f32 to vector<16xf32>
    %mul3A_298 = arith.mulf %get3A_296, %mul3A_297 : vector<16xf32>
    %add3A_299 = arith.addf %get3A_289, %mul3A_298 : vector<16xf32>
    %get3A_300 = arith.constant 1 : i32
    %get3A_301 = arith.constant 1 : i32
    %get3A_302 = arith.index_cast %get3A_300 : i32 to index
    %get3A_303 = arith.index_cast %get3A_301 : i32 to index
    %get3A_304 = arith.constant 80 : index
    %get3A_305 = tpu.vector_load %arg5[%get3A_302, %get3A_303, %get3A_304] {strides = array<i32>} : memref<3x224x128xf32, #tpu.memory_space<vmem>>, vector<1x1x16xf32>,
    %get3A_306 = vector.shape_cast %get3A_305 : vector<1x1x16xf32> to vector<16xf32>
    %add3A_307 = arith.addf %add3A_299, %get3A_306 : vector<16xf32>
    %get3A_308 = arith.constant 0 : i32
    %get3A_309 = arith.index_cast %get3A_308 : i32 to index
    %get3A_310 = arith.constant 80 : index
    %get3A_311 = tpu.vector_load %arg6[%get3A_309, %get3A_310] {strides = array<i32>} : memref<224x128xf32, #tpu.memory_space<vmem>>, vector<1x16xf32>,
    %get3A_312 = vector.shape_cast %get3A_311 : vector<1x16xf32> to vector<16xf32>
    %mul3A_313 = vector.broadcast %select_n3A_108 : f32 to vector<16xf32>
    %mul3A_314 = arith.mulf %add3A_307, %mul3A_313 : vector<16xf32>
    %sub3A_315 = arith.subf %get3A_312, %mul3A_314 : vector<16xf32>
    %mul3A_316 = arith.mulf %sub3A_315, %sub3A_315 : vector<16xf32>
    %add3A_317 = arith.addf %add3A_282, %mul3A_316 : vector<16xf32>
    %get3A_318 = arith.constant 0 : i32
    %get3A_319 = arith.constant 0 : i32
    %get3A_320 = arith.index_cast %get3A_318 : i32 to index
    %get3A_321 = arith.index_cast %get3A_319 : i32 to index
    %get3A_322 = arith.constant 96 : index
    %get3A_323 = tpu.vector_load %arg5[%get3A_320, %get3A_321, %get3A_322] {strides = array<i32>} : memref<3x224x128xf32, #tpu.memory_space<vmem>>, vector<1x1x16xf32>,
    %get3A_324 = vector.shape_cast %get3A_323 : vector<1x1x16xf32> to vector<16xf32>
    %get3A_325 = arith.constant 2 : i32
    %get3A_326 = arith.constant 0 : i32
    %get3A_327 = arith.index_cast %get3A_325 : i32 to index
    %get3A_328 = arith.index_cast %get3A_326 : i32 to index
    %get3A_329 = arith.constant 96 : index
    %get3A_330 = tpu.vector_load %arg5[%get3A_327, %get3A_328, %get3A_329] {strides = array<i32>} : memref<3x224x128xf32, #tpu.memory_space<vmem>>, vector<1x1x16xf32>,
    %get3A_331 = vector.shape_cast %get3A_330 : vector<1x1x16xf32> to vector<16xf32>
    %mul3A_332 = vector.broadcast %select_n3A : f32 to vector<16xf32>
    %mul3A_333 = arith.mulf %get3A_331, %mul3A_332 : vector<16xf32>
    %add3A_334 = arith.addf %get3A_324, %mul3A_333 : vector<16xf32>
    %get3A_335 = arith.constant 1 : i32
    %get3A_336 = arith.constant 1 : i32
    %get3A_337 = arith.index_cast %get3A_335 : i32 to index
    %get3A_338 = arith.index_cast %get3A_336 : i32 to index
    %get3A_339 = arith.constant 96 : index
    %get3A_340 = tpu.vector_load %arg5[%get3A_337, %get3A_338, %get3A_339] {strides = array<i32>} : memref<3x224x128xf32, #tpu.memory_space<vmem>>, vector<1x1x16xf32>,
    %get3A_341 = vector.shape_cast %get3A_340 : vector<1x1x16xf32> to vector<16xf32>
    %add3A_342 = arith.addf %add3A_334, %get3A_341 : vector<16xf32>
    %get3A_343 = arith.constant 0 : i32
    %get3A_344 = arith.index_cast %get3A_343 : i32 to index
    %get3A_345 = arith.constant 96 : index
    %get3A_346 = tpu.vector_load %arg6[%get3A_344, %get3A_345] {strides = array<i32>} : memref<224x128xf32, #tpu.memory_space<vmem>>, vector<1x16xf32>,
    %get3A_347 = vector.shape_cast %get3A_346 : vector<1x16xf32> to vector<16xf32>
    %mul3A_348 = vector.broadcast %select_n3A_108 : f32 to vector<16xf32>
    %mul3A_349 = arith.mulf %add3A_342, %mul3A_348 : vector<16xf32>
    %sub3A_350 = arith.subf %get3A_347, %mul3A_349 : vector<16xf32>
    %mul3A_351 = arith.mulf %sub3A_350, %sub3A_350 : vector<16xf32>
    %add3A_352 = arith.addf %add3A_317, %mul3A_351 : vector<16xf32>
    %get3A_353 = arith.constant 0 : i32
    %get3A_354 = arith.constant 0 : i32
    %get3A_355 = arith.index_cast %get3A_353 : i32 to index
    %get3A_356 = arith.index_cast %get3A_354 : i32 to index
    %get3A_357 = arith.constant 112 : index
    %get3A_358 = tpu.vector_load %arg5[%get3A_355, %get3A_356, %get3A_357] {strides = array<i32>} : memref<3x224x128xf32, #tpu.memory_space<vmem>>, vector<1x1x16xf32>,
    %get3A_359 = vector.shape_cast %get3A_358 : vector<1x1x16xf32> to vector<16xf32>
    %get3A_360 = arith.constant 2 : i32
    %get3A_361 = arith.constant 0 : i32
    %get3A_362 = arith.index_cast %get3A_360 : i32 to index
    %get3A_363 = arith.index_cast %get3A_361 : i32 to index
    %get3A_364 = arith.constant 112 : index
    %get3A_365 = tpu.vector_load %arg5[%get3A_362, %get3A_363, %get3A_364] {strides = array<i32>} : memref<3x224x128xf32, #tpu.memory_space<vmem>>, vector<1x1x16xf32>,
    %get3A_366 = vector.shape_cast %get3A_365 : vector<1x1x16xf32> to vector<16xf32>
    %mul3A_367 = vector.broadcast %select_n3A : f32 to vector<16xf32>
    %mul3A_368 = arith.mulf %get3A_366, %mul3A_367 : vector<16xf32>
    %add3A_369 = arith.addf %get3A_359, %mul3A_368 : vector<16xf32>
    %get3A_370 = arith.constant 1 : i32
    %get3A_371 = arith.constant 1 : i32
    %get3A_372 = arith.index_cast %get3A_370 : i32 to index
    %get3A_373 = arith.index_cast %get3A_371 : i32 to index
    %get3A_374 = arith.constant 112 : index
    %get3A_375 = tpu.vector_load %arg5[%get3A_372, %get3A_373, %get3A_374] {strides = array<i32>} : memref<3x224x128xf32, #tpu.memory_space<vmem>>, vector<1x1x16xf32>,
    %get3A_376 = vector.shape_cast %get3A_375 : vector<1x1x16xf32> to vector<16xf32>
    %add3A_377 = arith.addf %add3A_369, %get3A_376 : vector<16xf32>
    %get3A_378 = arith.constant 0 : i32
    %get3A_379 = arith.index_cast %get3A_378 : i32 to index
    %get3A_380 = arith.constant 112 : index
    %get3A_381 = tpu.vector_load %arg6[%get3A_379, %get3A_380] {strides = array<i32>} : memref<224x128xf32, #tpu.memory_space<vmem>>, vector<1x16xf32>,
    %get3A_382 = vector.shape_cast %get3A_381 : vector<1x16xf32> to vector<16xf32>
    %mul3A_383 = vector.broadcast %select_n3A_108 : f32 to vector<16xf32>
    %mul3A_384 = arith.mulf %add3A_377, %mul3A_383 : vector<16xf32>
    %sub3A_385 = arith.subf %get3A_382, %mul3A_384 : vector<16xf32>
    %mul3A_386 = arith.mulf %sub3A_385, %sub3A_385 : vector<16xf32>
    %add3A_387 = arith.addf %add3A_352, %mul3A_386 : vector<16xf32>
    %scan3A = arith.constant 1 : i32
    %scan3A_388 = arith.constant 222 : i32
    %scan3A_389 = arith.addi %scan3A, %scan3A_388 : i32
    %scan3A_390 = arith.constant 1 : i32
    %scan3A_391 = scf.for %scan3A_1355 = %scan3A to %scan3A_389 step %scan3A_390 iter_args(%scan3A_1356 = %add3A_387) -> (vector<16xf32>)  : i32 {
      %get3A_1357 = arith.constant 0 : i32
      %get3A_1358 = arith.index_cast %get3A_1357 : i32 to index
      %get3A_1359 = arith.index_cast %scan3A_1355 : i32 to index
      %get3A_1360 = arith.constant 0 : index
      %get3A_1361 = tpu.vector_load %arg5[%get3A_1358, %get3A_1359, %get3A_1360] {strides = array<i32>} : memref<3x224x128xf32, #tpu.memory_space<vmem>>, vector<1x1x16xf32>,
      %get3A_1362 = vector.shape_cast %get3A_1361 : vector<1x1x16xf32> to vector<16xf32>
      %get3A_1363 = arith.constant 2 : i32
      %get3A_1364 = arith.index_cast %get3A_1363 : i32 to index
      %get3A_1365 = arith.index_cast %scan3A_1355 : i32 to index
      %get3A_1366 = arith.constant 0 : index
      %get3A_1367 = tpu.vector_load %arg5[%get3A_1364, %get3A_1365, %get3A_1366] {strides = array<i32>} : memref<3x224x128xf32, #tpu.memory_space<vmem>>, vector<1x1x16xf32>,
      %get3A_1368 = vector.shape_cast %get3A_1367 : vector<1x1x16xf32> to vector<16xf32>
      %mul3A_1369 = vector.broadcast %select_n3A : f32 to vector<16xf32>
      %mul3A_1370 = arith.mulf %get3A_1368, %mul3A_1369 : vector<16xf32>
      %add3A_1371 = arith.addf %get3A_1362, %mul3A_1370 : vector<16xf32>
      %sub3A_1372 = arith.constant 1 : i32
      %sub3A_1373 = arith.subi %scan3A_1355, %sub3A_1372 : i32
      %get3A_1374 = arith.constant 1 : i32
      %get3A_1375 = arith.index_cast %get3A_1374 : i32 to index
      %get3A_1376 = arith.index_cast %sub3A_1373 : i32 to index
      %get3A_1377 = arith.constant 0 : index
      %get3A_1378 = tpu.vector_load %arg5[%get3A_1375, %get3A_1376, %get3A_1377] {strides = array<i32>} : memref<3x224x128xf32, #tpu.memory_space<vmem>>, vector<1x1x16xf32>,
      %get3A_1379 = vector.shape_cast %get3A_1378 : vector<1x1x16xf32> to vector<16xf32>
      %add3A_1380 = arith.addf %add3A_1371, %get3A_1379 : vector<16xf32>
      %add3A_1381 = arith.constant 1 : i32
      %add3A_1382 = arith.addi %scan3A_1355, %add3A_1381 : i32
      %get3A_1383 = arith.constant 1 : i32
      %get3A_1384 = arith.index_cast %get3A_1383 : i32 to index
      %get3A_1385 = arith.index_cast %add3A_1382 : i32 to index
      %get3A_1386 = arith.constant 0 : index
      %get3A_1387 = tpu.vector_load %arg5[%get3A_1384, %get3A_1385, %get3A_1386] {strides = array<i32>} : memref<3x224x128xf32, #tpu.memory_space<vmem>>, vector<1x1x16xf32>,
      %get3A_1388 = vector.shape_cast %get3A_1387 : vector<1x1x16xf32> to vector<16xf32>
      %add3A_1389 = arith.addf %add3A_1380, %get3A_1388 : vector<16xf32>
      %get3A_1390 = arith.index_cast %scan3A_1355 : i32 to index
      %get3A_1391 = arith.constant 0 : index
      %get3A_1392 = tpu.vector_load %arg6[%get3A_1390, %get3A_1391] {strides = array<i32>} : memref<224x128xf32, #tpu.memory_space<vmem>>, vector<1x16xf32>,
      %get3A_1393 = vector.shape_cast %get3A_1392 : vector<1x16xf32> to vector<16xf32>
      %mul3A_1394 = vector.broadcast %select_n3A_103 : f32 to vector<16xf32>
      %mul3A_1395 = arith.mulf %add3A_1389, %mul3A_1394 : vector<16xf32>
      %sub3A_1396 = arith.subf %get3A_1393, %mul3A_1395 : vector<16xf32>
      %mul3A_1397 = arith.mulf %sub3A_1396, %sub3A_1396 : vector<16xf32>
      %add3A_1398 = arith.addf %scan3A_1356, %mul3A_1397 : vector<16xf32>
      %get3A_1399 = arith.constant 0 : i32
      %get3A_1400 = arith.index_cast %get3A_1399 : i32 to index
      %get3A_1401 = arith.index_cast %scan3A_1355 : i32 to index
      %get3A_1402 = arith.constant 16 : index
      %get3A_1403 = tpu.vector_load %arg5[%get3A_1400, %get3A_1401, %get3A_1402] {strides = array<i32>} : memref<3x224x128xf32, #tpu.memory_space<vmem>>, vector<1x1x16xf32>,
      %get3A_1404 = vector.shape_cast %get3A_1403 : vector<1x1x16xf32> to vector<16xf32>
      %get3A_1405 = arith.constant 2 : i32
      %get3A_1406 = arith.index_cast %get3A_1405 : i32 to index
      %get3A_1407 = arith.index_cast %scan3A_1355 : i32 to index
      %get3A_1408 = arith.constant 16 : index
      %get3A_1409 = tpu.vector_load %arg5[%get3A_1406, %get3A_1407, %get3A_1408] {strides = array<i32>} : memref<3x224x128xf32, #tpu.memory_space<vmem>>, vector<1x1x16xf32>,
      %get3A_1410 = vector.shape_cast %get3A_1409 : vector<1x1x16xf32> to vector<16xf32>
      %mul3A_1411 = vector.broadcast %select_n3A : f32 to vector<16xf32>
      %mul3A_1412 = arith.mulf %get3A_1410, %mul3A_1411 : vector<16xf32>
      %add3A_1413 = arith.addf %get3A_1404, %mul3A_1412 : vector<16xf32>
      %sub3A_1414 = arith.constant 1 : i32
      %sub3A_1415 = arith.subi %scan3A_1355, %sub3A_1414 : i32
      %get3A_1416 = arith.constant 1 : i32
      %get3A_1417 = arith.index_cast %get3A_1416 : i32 to index
      %get3A_1418 = arith.index_cast %sub3A_1415 : i32 to index
      %get3A_1419 = arith.constant 16 : index
      %get3A_1420 = tpu.vector_load %arg5[%get3A_1417, %get3A_1418, %get3A_1419] {strides = array<i32>} : memref<3x224x128xf32, #tpu.memory_space<vmem>>, vector<1x1x16xf32>,
      %get3A_1421 = vector.shape_cast %get3A_1420 : vector<1x1x16xf32> to vector<16xf32>
      %add3A_1422 = arith.addf %add3A_1413, %get3A_1421 : vector<16xf32>
      %add3A_1423 = arith.constant 1 : i32
      %add3A_1424 = arith.addi %scan3A_1355, %add3A_1423 : i32
      %get3A_1425 = arith.constant 1 : i32
      %get3A_1426 = arith.index_cast %get3A_1425 : i32 to index
      %get3A_1427 = arith.index_cast %add3A_1424 : i32 to index
      %get3A_1428 = arith.constant 16 : index
      %get3A_1429 = tpu.vector_load %arg5[%get3A_1426, %get3A_1427, %get3A_1428] {strides = array<i32>} : memref<3x224x128xf32, #tpu.memory_space<vmem>>, vector<1x1x16xf32>,
      %get3A_1430 = vector.shape_cast %get3A_1429 : vector<1x1x16xf32> to vector<16xf32>
      %add3A_1431 = arith.addf %add3A_1422, %get3A_1430 : vector<16xf32>
      %get3A_1432 = arith.index_cast %scan3A_1355 : i32 to index
      %get3A_1433 = arith.constant 16 : index
      %get3A_1434 = tpu.vector_load %arg6[%get3A_1432, %get3A_1433] {strides = array<i32>} : memref<224x128xf32, #tpu.memory_space<vmem>>, vector<1x16xf32>,
      %get3A_1435 = vector.shape_cast %get3A_1434 : vector<1x16xf32> to vector<16xf32>
      %mul3A_1436 = vector.broadcast %select_n3A_103 : f32 to vector<16xf32>
      %mul3A_1437 = arith.mulf %add3A_1431, %mul3A_1436 : vector<16xf32>
      %sub3A_1438 = arith.subf %get3A_1435, %mul3A_1437 : vector<16xf32>
      %mul3A_1439 = arith.mulf %sub3A_1438, %sub3A_1438 : vector<16xf32>
      %add3A_1440 = arith.addf %add3A_1398, %mul3A_1439 : vector<16xf32>
      %get3A_1441 = arith.constant 0 : i32
      %get3A_1442 = arith.index_cast %get3A_1441 : i32 to index
      %get3A_1443 = arith.index_cast %scan3A_1355 : i32 to index
      %get3A_1444 = arith.constant 32 : index
      %get3A_1445 = tpu.vector_load %arg5[%get3A_1442, %get3A_1443, %get3A_1444] {strides = array<i32>} : memref<3x224x128xf32, #tpu.memory_space<vmem>>, vector<1x1x16xf32>,
      %get3A_1446 = vector.shape_cast %get3A_1445 : vector<1x1x16xf32> to vector<16xf32>
      %get3A_1447 = arith.constant 2 : i32
      %get3A_1448 = arith.index_cast %get3A_1447 : i32 to index
      %get3A_1449 = arith.index_cast %scan3A_1355 : i32 to index
      %get3A_1450 = arith.constant 32 : index
      %get3A_1451 = tpu.vector_load %arg5[%get3A_1448, %get3A_1449, %get3A_1450] {strides = array<i32>} : memref<3x224x128xf32, #tpu.memory_space<vmem>>, vector<1x1x16xf32>,
      %get3A_1452 = vector.shape_cast %get3A_1451 : vector<1x1x16xf32> to vector<16xf32>
      %mul3A_1453 = vector.broadcast %select_n3A : f32 to vector<16xf32>
      %mul3A_1454 = arith.mulf %get3A_1452, %mul3A_1453 : vector<16xf32>
      %add3A_1455 = arith.addf %get3A_1446, %mul3A_1454 : vector<16xf32>
      %sub3A_1456 = arith.constant 1 : i32
      %sub3A_1457 = arith.subi %scan3A_1355, %sub3A_1456 : i32
      %get3A_1458 = arith.constant 1 : i32
      %get3A_1459 = arith.index_cast %get3A_1458 : i32 to index
      %get3A_1460 = arith.index_cast %sub3A_1457 : i32 to index
      %get3A_1461 = arith.constant 32 : index
      %get3A_1462 = tpu.vector_load %arg5[%get3A_1459, %get3A_1460, %get3A_1461] {strides = array<i32>} : memref<3x224x128xf32, #tpu.memory_space<vmem>>, vector<1x1x16xf32>,
      %get3A_1463 = vector.shape_cast %get3A_1462 : vector<1x1x16xf32> to vector<16xf32>
      %add3A_1464 = arith.addf %add3A_1455, %get3A_1463 : vector<16xf32>
      %add3A_1465 = arith.constant 1 : i32
      %add3A_1466 = arith.addi %scan3A_1355, %add3A_1465 : i32
      %get3A_1467 = arith.constant 1 : i32
      %get3A_1468 = arith.index_cast %get3A_1467 : i32 to index
      %get3A_1469 = arith.index_cast %add3A_1466 : i32 to index
      %get3A_1470 = arith.constant 32 : index
      %get3A_1471 = tpu.vector_load %arg5[%get3A_1468, %get3A_1469, %get3A_1470] {strides = array<i32>} : memref<3x224x128xf32, #tpu.memory_space<vmem>>, vector<1x1x16xf32>,
      %get3A_1472 = vector.shape_cast %get3A_1471 : vector<1x1x16xf32> to vector<16xf32>
      %add3A_1473 = arith.addf %add3A_1464, %get3A_1472 : vector<16xf32>
      %get3A_1474 = arith.index_cast %scan3A_1355 : i32 to index
      %get3A_1475 = arith.constant 32 : index
      %get3A_1476 = tpu.vector_load %arg6[%get3A_1474, %get3A_1475] {strides = array<i32>} : memref<224x128xf32, #tpu.memory_space<vmem>>, vector<1x16xf32>,
      %get3A_1477 = vector.shape_cast %get3A_1476 : vector<1x16xf32> to vector<16xf32>
      %mul3A_1478 = vector.broadcast %select_n3A_103 : f32 to vector<16xf32>
      %mul3A_1479 = arith.mulf %add3A_1473, %mul3A_1478 : vector<16xf32>
      %sub3A_1480 = arith.subf %get3A_1477, %mul3A_1479 : vector<16xf32>
      %mul3A_1481 = arith.mulf %sub3A_1480, %sub3A_1480 : vector<16xf32>
      %add3A_1482 = arith.addf %add3A_1440, %mul3A_1481 : vector<16xf32>
      %get3A_1483 = arith.constant 0 : i32
      %get3A_1484 = arith.index_cast %get3A_1483 : i32 to index
      %get3A_1485 = arith.index_cast %scan3A_1355 : i32 to index
      %get3A_1486 = arith.constant 48 : index
      %get3A_1487 = tpu.vector_load %arg5[%get3A_1484, %get3A_1485, %get3A_1486] {strides = array<i32>} : memref<3x224x128xf32, #tpu.memory_space<vmem>>, vector<1x1x16xf32>,
      %get3A_1488 = vector.shape_cast %get3A_1487 : vector<1x1x16xf32> to vector<16xf32>
      %get3A_1489 = arith.constant 2 : i32
      %get3A_1490 = arith.index_cast %get3A_1489 : i32 to index
      %get3A_1491 = arith.index_cast %scan3A_1355 : i32 to index
      %get3A_1492 = arith.constant 48 : index
      %get3A_1493 = tpu.vector_load %arg5[%get3A_1490, %get3A_1491, %get3A_1492] {strides = array<i32>} : memref<3x224x128xf32, #tpu.memory_space<vmem>>, vector<1x1x16xf32>,
      %get3A_1494 = vector.shape_cast %get3A_1493 : vector<1x1x16xf32> to vector<16xf32>
      %mul3A_1495 = vector.broadcast %select_n3A : f32 to vector<16xf32>
      %mul3A_1496 = arith.mulf %get3A_1494, %mul3A_1495 : vector<16xf32>
      %add3A_1497 = arith.addf %get3A_1488, %mul3A_1496 : vector<16xf32>
      %sub3A_1498 = arith.constant 1 : i32
      %sub3A_1499 = arith.subi %scan3A_1355, %sub3A_1498 : i32
      %get3A_1500 = arith.constant 1 : i32
      %get3A_1501 = arith.index_cast %get3A_1500 : i32 to index
      %get3A_1502 = arith.index_cast %sub3A_1499 : i32 to index
      %get3A_1503 = arith.constant 48 : index
      %get3A_1504 = tpu.vector_load %arg5[%get3A_1501, %get3A_1502, %get3A_1503] {strides = array<i32>} : memref<3x224x128xf32, #tpu.memory_space<vmem>>, vector<1x1x16xf32>,
      %get3A_1505 = vector.shape_cast %get3A_1504 : vector<1x1x16xf32> to vector<16xf32>
      %add3A_1506 = arith.addf %add3A_1497, %get3A_1505 : vector<16xf32>
      %add3A_1507 = arith.constant 1 : i32
      %add3A_1508 = arith.addi %scan3A_1355, %add3A_1507 : i32
      %get3A_1509 = arith.constant 1 : i32
      %get3A_1510 = arith.index_cast %get3A_1509 : i32 to index
      %get3A_1511 = arith.index_cast %add3A_1508 : i32 to index
      %get3A_1512 = arith.constant 48 : index
      %get3A_1513 = tpu.vector_load %arg5[%get3A_1510, %get3A_1511, %get3A_1512] {strides = array<i32>} : memref<3x224x128xf32, #tpu.memory_space<vmem>>, vector<1x1x16xf32>,
      %get3A_1514 = vector.shape_cast %get3A_1513 : vector<1x1x16xf32> to vector<16xf32>
      %add3A_1515 = arith.addf %add3A_1506, %get3A_1514 : vector<16xf32>
      %get3A_1516 = arith.index_cast %scan3A_1355 : i32 to index
      %get3A_1517 = arith.constant 48 : index
      %get3A_1518 = tpu.vector_load %arg6[%get3A_1516, %get3A_1517] {strides = array<i32>} : memref<224x128xf32, #tpu.memory_space<vmem>>, vector<1x16xf32>,
      %get3A_1519 = vector.shape_cast %get3A_1518 : vector<1x16xf32> to vector<16xf32>
      %mul3A_1520 = vector.broadcast %select_n3A_103 : f32 to vector<16xf32>
      %mul3A_1521 = arith.mulf %add3A_1515, %mul3A_1520 : vector<16xf32>
      %sub3A_1522 = arith.subf %get3A_1519, %mul3A_1521 : vector<16xf32>
      %mul3A_1523 = arith.mulf %sub3A_1522, %sub3A_1522 : vector<16xf32>
      %add3A_1524 = arith.addf %add3A_1482, %mul3A_1523 : vector<16xf32>
      %get3A_1525 = arith.constant 0 : i32
      %get3A_1526 = arith.index_cast %get3A_1525 : i32 to index
      %get3A_1527 = arith.index_cast %scan3A_1355 : i32 to index
      %get3A_1528 = arith.constant 64 : index
      %get3A_1529 = tpu.vector_load %arg5[%get3A_1526, %get3A_1527, %get3A_1528] {strides = array<i32>} : memref<3x224x128xf32, #tpu.memory_space<vmem>>, vector<1x1x16xf32>,
      %get3A_1530 = vector.shape_cast %get3A_1529 : vector<1x1x16xf32> to vector<16xf32>
      %get3A_1531 = arith.constant 2 : i32
      %get3A_1532 = arith.index_cast %get3A_1531 : i32 to index
      %get3A_1533 = arith.index_cast %scan3A_1355 : i32 to index
      %get3A_1534 = arith.constant 64 : index
      %get3A_1535 = tpu.vector_load %arg5[%get3A_1532, %get3A_1533, %get3A_1534] {strides = array<i32>} : memref<3x224x128xf32, #tpu.memory_space<vmem>>, vector<1x1x16xf32>,
      %get3A_1536 = vector.shape_cast %get3A_1535 : vector<1x1x16xf32> to vector<16xf32>
      %mul3A_1537 = vector.broadcast %select_n3A : f32 to vector<16xf32>
      %mul3A_1538 = arith.mulf %get3A_1536, %mul3A_1537 : vector<16xf32>
      %add3A_1539 = arith.addf %get3A_1530, %mul3A_1538 : vector<16xf32>
      %sub3A_1540 = arith.constant 1 : i32
      %sub3A_1541 = arith.subi %scan3A_1355, %sub3A_1540 : i32
      %get3A_1542 = arith.constant 1 : i32
      %get3A_1543 = arith.index_cast %get3A_1542 : i32 to index
      %get3A_1544 = arith.index_cast %sub3A_1541 : i32 to index
      %get3A_1545 = arith.constant 64 : index
      %get3A_1546 = tpu.vector_load %arg5[%get3A_1543, %get3A_1544, %get3A_1545] {strides = array<i32>} : memref<3x224x128xf32, #tpu.memory_space<vmem>>, vector<1x1x16xf32>,
      %get3A_1547 = vector.shape_cast %get3A_1546 : vector<1x1x16xf32> to vector<16xf32>
      %add3A_1548 = arith.addf %add3A_1539, %get3A_1547 : vector<16xf32>
      %add3A_1549 = arith.constant 1 : i32
      %add3A_1550 = arith.addi %scan3A_1355, %add3A_1549 : i32
      %get3A_1551 = arith.constant 1 : i32
      %get3A_1552 = arith.index_cast %get3A_1551 : i32 to index
      %get3A_1553 = arith.index_cast %add3A_1550 : i32 to index
      %get3A_1554 = arith.constant 64 : index
      %get3A_1555 = tpu.vector_load %arg5[%get3A_1552, %get3A_1553, %get3A_1554] {strides = array<i32>} : memref<3x224x128xf32, #tpu.memory_space<vmem>>, vector<1x1x16xf32>,
      %get3A_1556 = vector.shape_cast %get3A_1555 : vector<1x1x16xf32> to vector<16xf32>
      %add3A_1557 = arith.addf %add3A_1548, %get3A_1556 : vector<16xf32>
      %get3A_1558 = arith.index_cast %scan3A_1355 : i32 to index
      %get3A_1559 = arith.constant 64 : index
      %get3A_1560 = tpu.vector_load %arg6[%get3A_1558, %get3A_1559] {strides = array<i32>} : memref<224x128xf32, #tpu.memory_space<vmem>>, vector<1x16xf32>,
      %get3A_1561 = vector.shape_cast %get3A_1560 : vector<1x16xf32> to vector<16xf32>
      %mul3A_1562 = vector.broadcast %select_n3A_103 : f32 to vector<16xf32>
      %mul3A_1563 = arith.mulf %add3A_1557, %mul3A_1562 : vector<16xf32>
      %sub3A_1564 = arith.subf %get3A_1561, %mul3A_1563 : vector<16xf32>
      %mul3A_1565 = arith.mulf %sub3A_1564, %sub3A_1564 : vector<16xf32>
      %add3A_1566 = arith.addf %add3A_1524, %mul3A_1565 : vector<16xf32>
      %get3A_1567 = arith.constant 0 : i32
      %get3A_1568 = arith.index_cast %get3A_1567 : i32 to index
      %get3A_1569 = arith.index_cast %scan3A_1355 : i32 to index
      %get3A_1570 = arith.constant 80 : index
      %get3A_1571 = tpu.vector_load %arg5[%get3A_1568, %get3A_1569, %get3A_1570] {strides = array<i32>} : memref<3x224x128xf32, #tpu.memory_space<vmem>>, vector<1x1x16xf32>,
      %get3A_1572 = vector.shape_cast %get3A_1571 : vector<1x1x16xf32> to vector<16xf32>
      %get3A_1573 = arith.constant 2 : i32
      %get3A_1574 = arith.index_cast %get3A_1573 : i32 to index
      %get3A_1575 = arith.index_cast %scan3A_1355 : i32 to index
      %get3A_1576 = arith.constant 80 : index
      %get3A_1577 = tpu.vector_load %arg5[%get3A_1574, %get3A_1575, %get3A_1576] {strides = array<i32>} : memref<3x224x128xf32, #tpu.memory_space<vmem>>, vector<1x1x16xf32>,
      %get3A_1578 = vector.shape_cast %get3A_1577 : vector<1x1x16xf32> to vector<16xf32>
      %mul3A_1579 = vector.broadcast %select_n3A : f32 to vector<16xf32>
      %mul3A_1580 = arith.mulf %get3A_1578, %mul3A_1579 : vector<16xf32>
      %add3A_1581 = arith.addf %get3A_1572, %mul3A_1580 : vector<16xf32>
      %sub3A_1582 = arith.constant 1 : i32
      %sub3A_1583 = arith.subi %scan3A_1355, %sub3A_1582 : i32
      %get3A_1584 = arith.constant 1 : i32
      %get3A_1585 = arith.index_cast %get3A_1584 : i32 to index
      %get3A_1586 = arith.index_cast %sub3A_1583 : i32 to index
      %get3A_1587 = arith.constant 80 : index
      %get3A_1588 = tpu.vector_load %arg5[%get3A_1585, %get3A_1586, %get3A_1587] {strides = array<i32>} : memref<3x224x128xf32, #tpu.memory_space<vmem>>, vector<1x1x16xf32>,
      %get3A_1589 = vector.shape_cast %get3A_1588 : vector<1x1x16xf32> to vector<16xf32>
      %add3A_1590 = arith.addf %add3A_1581, %get3A_1589 : vector<16xf32>
      %add3A_1591 = arith.constant 1 : i32
      %add3A_1592 = arith.addi %scan3A_1355, %add3A_1591 : i32
      %get3A_1593 = arith.constant 1 : i32
      %get3A_1594 = arith.index_cast %get3A_1593 : i32 to index
      %get3A_1595 = arith.index_cast %add3A_1592 : i32 to index
      %get3A_1596 = arith.constant 80 : index
      %get3A_1597 = tpu.vector_load %arg5[%get3A_1594, %get3A_1595, %get3A_1596] {strides = array<i32>} : memref<3x224x128xf32, #tpu.memory_space<vmem>>, vector<1x1x16xf32>,
      %get3A_1598 = vector.shape_cast %get3A_1597 : vector<1x1x16xf32> to vector<16xf32>
      %add3A_1599 = arith.addf %add3A_1590, %get3A_1598 : vector<16xf32>
      %get3A_1600 = arith.index_cast %scan3A_1355 : i32 to index
      %get3A_1601 = arith.constant 80 : index
      %get3A_1602 = tpu.vector_load %arg6[%get3A_1600, %get3A_1601] {strides = array<i32>} : memref<224x128xf32, #tpu.memory_space<vmem>>, vector<1x16xf32>,
      %get3A_1603 = vector.shape_cast %get3A_1602 : vector<1x16xf32> to vector<16xf32>
      %mul3A_1604 = vector.broadcast %select_n3A_103 : f32 to vector<16xf32>
      %mul3A_1605 = arith.mulf %add3A_1599, %mul3A_1604 : vector<16xf32>
      %sub3A_1606 = arith.subf %get3A_1603, %mul3A_1605 : vector<16xf32>
      %mul3A_1607 = arith.mulf %sub3A_1606, %sub3A_1606 : vector<16xf32>
      %add3A_1608 = arith.addf %add3A_1566, %mul3A_1607 : vector<16xf32>
      %get3A_1609 = arith.constant 0 : i32
      %get3A_1610 = arith.index_cast %get3A_1609 : i32 to index
      %get3A_1611 = arith.index_cast %scan3A_1355 : i32 to index
      %get3A_1612 = arith.constant 96 : index
      %get3A_1613 = tpu.vector_load %arg5[%get3A_1610, %get3A_1611, %get3A_1612] {strides = array<i32>} : memref<3x224x128xf32, #tpu.memory_space<vmem>>, vector<1x1x16xf32>,
      %get3A_1614 = vector.shape_cast %get3A_1613 : vector<1x1x16xf32> to vector<16xf32>
      %get3A_1615 = arith.constant 2 : i32
      %get3A_1616 = arith.index_cast %get3A_1615 : i32 to index
      %get3A_1617 = arith.index_cast %scan3A_1355 : i32 to index
      %get3A_1618 = arith.constant 96 : index
      %get3A_1619 = tpu.vector_load %arg5[%get3A_1616, %get3A_1617, %get3A_1618] {strides = array<i32>} : memref<3x224x128xf32, #tpu.memory_space<vmem>>, vector<1x1x16xf32>,
      %get3A_1620 = vector.shape_cast %get3A_1619 : vector<1x1x16xf32> to vector<16xf32>
      %mul3A_1621 = vector.broadcast %select_n3A : f32 to vector<16xf32>
      %mul3A_1622 = arith.mulf %get3A_1620, %mul3A_1621 : vector<16xf32>
      %add3A_1623 = arith.addf %get3A_1614, %mul3A_1622 : vector<16xf32>
      %sub3A_1624 = arith.constant 1 : i32
      %sub3A_1625 = arith.subi %scan3A_1355, %sub3A_1624 : i32
      %get3A_1626 = arith.constant 1 : i32
      %get3A_1627 = arith.index_cast %get3A_1626 : i32 to index
      %get3A_1628 = arith.index_cast %sub3A_1625 : i32 to index
      %get3A_1629 = arith.constant 96 : index
      %get3A_1630 = tpu.vector_load %arg5[%get3A_1627, %get3A_1628, %get3A_1629] {strides = array<i32>} : memref<3x224x128xf32, #tpu.memory_space<vmem>>, vector<1x1x16xf32>,
      %get3A_1631 = vector.shape_cast %get3A_1630 : vector<1x1x16xf32> to vector<16xf32>
      %add3A_1632 = arith.addf %add3A_1623, %get3A_1631 : vector<16xf32>
      %add3A_1633 = arith.constant 1 : i32
      %add3A_1634 = arith.addi %scan3A_1355, %add3A_1633 : i32
      %get3A_1635 = arith.constant 1 : i32
      %get3A_1636 = arith.index_cast %get3A_1635 : i32 to index
      %get3A_1637 = arith.index_cast %add3A_1634 : i32 to index
      %get3A_1638 = arith.constant 96 : index
      %get3A_1639 = tpu.vector_load %arg5[%get3A_1636, %get3A_1637, %get3A_1638] {strides = array<i32>} : memref<3x224x128xf32, #tpu.memory_space<vmem>>, vector<1x1x16xf32>,
      %get3A_1640 = vector.shape_cast %get3A_1639 : vector<1x1x16xf32> to vector<16xf32>
      %add3A_1641 = arith.addf %add3A_1632, %get3A_1640 : vector<16xf32>
      %get3A_1642 = arith.index_cast %scan3A_1355 : i32 to index
      %get3A_1643 = arith.constant 96 : index
      %get3A_1644 = tpu.vector_load %arg6[%get3A_1642, %get3A_1643] {strides = array<i32>} : memref<224x128xf32, #tpu.memory_space<vmem>>, vector<1x16xf32>,
      %get3A_1645 = vector.shape_cast %get3A_1644 : vector<1x16xf32> to vector<16xf32>
      %mul3A_1646 = vector.broadcast %select_n3A_103 : f32 to vector<16xf32>
      %mul3A_1647 = arith.mulf %add3A_1641, %mul3A_1646 : vector<16xf32>
      %sub3A_1648 = arith.subf %get3A_1645, %mul3A_1647 : vector<16xf32>
      %mul3A_1649 = arith.mulf %sub3A_1648, %sub3A_1648 : vector<16xf32>
      %add3A_1650 = arith.addf %add3A_1608, %mul3A_1649 : vector<16xf32>
      %get3A_1651 = arith.constant 0 : i32
      %get3A_1652 = arith.index_cast %get3A_1651 : i32 to index
      %get3A_1653 = arith.index_cast %scan3A_1355 : i32 to index
      %get3A_1654 = arith.constant 112 : index
      %get3A_1655 = tpu.vector_load %arg5[%get3A_1652, %get3A_1653, %get3A_1654] {strides = array<i32>} : memref<3x224x128xf32, #tpu.memory_space<vmem>>, vector<1x1x16xf32>,
      %get3A_1656 = vector.shape_cast %get3A_1655 : vector<1x1x16xf32> to vector<16xf32>
      %get3A_1657 = arith.constant 2 : i32
      %get3A_1658 = arith.index_cast %get3A_1657 : i32 to index
      %get3A_1659 = arith.index_cast %scan3A_1355 : i32 to index
      %get3A_1660 = arith.constant 112 : index
      %get3A_1661 = tpu.vector_load %arg5[%get3A_1658, %get3A_1659, %get3A_1660] {strides = array<i32>} : memref<3x224x128xf32, #tpu.memory_space<vmem>>, vector<1x1x16xf32>,
      %get3A_1662 = vector.shape_cast %get3A_1661 : vector<1x1x16xf32> to vector<16xf32>
      %mul3A_1663 = vector.broadcast %select_n3A : f32 to vector<16xf32>
      %mul3A_1664 = arith.mulf %get3A_1662, %mul3A_1663 : vector<16xf32>
      %add3A_1665 = arith.addf %get3A_1656, %mul3A_1664 : vector<16xf32>
      %sub3A_1666 = arith.constant 1 : i32
      %sub3A_1667 = arith.subi %scan3A_1355, %sub3A_1666 : i32
      %get3A_1668 = arith.constant 1 : i32
      %get3A_1669 = arith.index_cast %get3A_1668 : i32 to index
      %get3A_1670 = arith.index_cast %sub3A_1667 : i32 to index
      %get3A_1671 = arith.constant 112 : index
      %get3A_1672 = tpu.vector_load %arg5[%get3A_1669, %get3A_1670, %get3A_1671] {strides = array<i32>} : memref<3x224x128xf32, #tpu.memory_space<vmem>>, vector<1x1x16xf32>,
      %get3A_1673 = vector.shape_cast %get3A_1672 : vector<1x1x16xf32> to vector<16xf32>
      %add3A_1674 = arith.addf %add3A_1665, %get3A_1673 : vector<16xf32>
      %add3A_1675 = arith.constant 1 : i32
      %add3A_1676 = arith.addi %scan3A_1355, %add3A_1675 : i32
      %get3A_1677 = arith.constant 1 : i32
      %get3A_1678 = arith.index_cast %get3A_1677 : i32 to index
      %get3A_1679 = arith.index_cast %add3A_1676 : i32 to index
      %get3A_1680 = arith.constant 112 : index
      %get3A_1681 = tpu.vector_load %arg5[%get3A_1678, %get3A_1679, %get3A_1680] {strides = array<i32>} : memref<3x224x128xf32, #tpu.memory_space<vmem>>, vector<1x1x16xf32>,
      %get3A_1682 = vector.shape_cast %get3A_1681 : vector<1x1x16xf32> to vector<16xf32>
      %add3A_1683 = arith.addf %add3A_1674, %get3A_1682 : vector<16xf32>
      %get3A_1684 = arith.index_cast %scan3A_1355 : i32 to index
      %get3A_1685 = arith.constant 112 : index
      %get3A_1686 = tpu.vector_load %arg6[%get3A_1684, %get3A_1685] {strides = array<i32>} : memref<224x128xf32, #tpu.memory_space<vmem>>, vector<1x16xf32>,
      %get3A_1687 = vector.shape_cast %get3A_1686 : vector<1x16xf32> to vector<16xf32>
      %mul3A_1688 = vector.broadcast %select_n3A_103 : f32 to vector<16xf32>
      %mul3A_1689 = arith.mulf %add3A_1683, %mul3A_1688 : vector<16xf32>
      %sub3A_1690 = arith.subf %get3A_1687, %mul3A_1689 : vector<16xf32>
      %mul3A_1691 = arith.mulf %sub3A_1690, %sub3A_1690 : vector<16xf32>
      %add3A_1692 = arith.addf %add3A_1650, %mul3A_1691 : vector<16xf32>
      scf.yield %add3A_1692 : vector<16xf32>
    }
    %scan3A_392 = arith.constant 222 : i32
    %get3A_393 = arith.constant 0 : i32
    %get3A_394 = arith.constant 223 : i32
    %get3A_395 = arith.index_cast %get3A_393 : i32 to index
    %get3A_396 = arith.index_cast %get3A_394 : i32 to index
    %get3A_397 = arith.constant 0 : index
    %get3A_398 = tpu.vector_load %arg5[%get3A_395, %get3A_396, %get3A_397] {strides = array<i32>} : memref<3x224x128xf32, #tpu.memory_space<vmem>>, vector<1x1x16xf32>,
    %get3A_399 = vector.shape_cast %get3A_398 : vector<1x1x16xf32> to vector<16xf32>
    %get3A_400 = arith.constant 2 : i32
    %get3A_401 = arith.constant 223 : i32
    %get3A_402 = arith.index_cast %get3A_400 : i32 to index
    %get3A_403 = arith.index_cast %get3A_401 : i32 to index
    %get3A_404 = arith.constant 0 : index
    %get3A_405 = tpu.vector_load %arg5[%get3A_402, %get3A_403, %get3A_404] {strides = array<i32>} : memref<3x224x128xf32, #tpu.memory_space<vmem>>, vector<1x1x16xf32>,
    %get3A_406 = vector.shape_cast %get3A_405 : vector<1x1x16xf32> to vector<16xf32>
    %mul3A_407 = vector.broadcast %select_n3A : f32 to vector<16xf32>
    %mul3A_408 = arith.mulf %get3A_406, %mul3A_407 : vector<16xf32>
    %add3A_409 = arith.addf %get3A_399, %mul3A_408 : vector<16xf32>
    %get3A_410 = arith.constant 1 : i32
    %get3A_411 = arith.constant 222 : i32
    %get3A_412 = arith.index_cast %get3A_410 : i32 to index
    %get3A_413 = arith.index_cast %get3A_411 : i32 to index
    %get3A_414 = arith.constant 0 : index
    %get3A_415 = tpu.vector_load %arg5[%get3A_412, %get3A_413, %get3A_414] {strides = array<i32>} : memref<3x224x128xf32, #tpu.memory_space<vmem>>, vector<1x1x16xf32>,
    %get3A_416 = vector.shape_cast %get3A_415 : vector<1x1x16xf32> to vector<16xf32>
    %add3A_417 = arith.addf %add3A_409, %get3A_416 : vector<16xf32>
    %get3A_418 = arith.constant 223 : i32
    %get3A_419 = arith.index_cast %get3A_418 : i32 to index
    %get3A_420 = arith.constant 0 : index
    %get3A_421 = tpu.vector_load %arg6[%get3A_419, %get3A_420] {strides = array<i32>} : memref<224x128xf32, #tpu.memory_space<vmem>>, vector<1x16xf32>,
    %get3A_422 = vector.shape_cast %get3A_421 : vector<1x16xf32> to vector<16xf32>
    %mul3A_423 = vector.broadcast %select_n3A_108 : f32 to vector<16xf32>
    %mul3A_424 = arith.mulf %add3A_417, %mul3A_423 : vector<16xf32>
    %sub3A_425 = arith.subf %get3A_422, %mul3A_424 : vector<16xf32>
    %mul3A_426 = arith.mulf %sub3A_425, %sub3A_425 : vector<16xf32>
    %add3A_427 = arith.addf %scan3A_391, %mul3A_426 : vector<16xf32>
    %get3A_428 = arith.constant 0 : i32
    %get3A_429 = arith.constant 223 : i32
    %get3A_430 = arith.index_cast %get3A_428 : i32 to index
    %get3A_431 = arith.index_cast %get3A_429 : i32 to index
    %get3A_432 = arith.constant 16 : index
    %get3A_433 = tpu.vector_load %arg5[%get3A_430, %get3A_431, %get3A_432] {strides = array<i32>} : memref<3x224x128xf32, #tpu.memory_space<vmem>>, vector<1x1x16xf32>,
    %get3A_434 = vector.shape_cast %get3A_433 : vector<1x1x16xf32> to vector<16xf32>
    %get3A_435 = arith.constant 2 : i32
    %get3A_436 = arith.constant 223 : i32
    %get3A_437 = arith.index_cast %get3A_435 : i32 to index
    %get3A_438 = arith.index_cast %get3A_436 : i32 to index
    %get3A_439 = arith.constant 16 : index
    %get3A_440 = tpu.vector_load %arg5[%get3A_437, %get3A_438, %get3A_439] {strides = array<i32>} : memref<3x224x128xf32, #tpu.memory_space<vmem>>, vector<1x1x16xf32>,
    %get3A_441 = vector.shape_cast %get3A_440 : vector<1x1x16xf32> to vector<16xf32>
    %mul3A_442 = vector.broadcast %select_n3A : f32 to vector<16xf32>
    %mul3A_443 = arith.mulf %get3A_441, %mul3A_442 : vector<16xf32>
    %add3A_444 = arith.addf %get3A_434, %mul3A_443 : vector<16xf32>
    %get3A_445 = arith.constant 1 : i32
    %get3A_446 = arith.constant 222 : i32
    %get3A_447 = arith.index_cast %get3A_445 : i32 to index
    %get3A_448 = arith.index_cast %get3A_446 : i32 to index
    %get3A_449 = arith.constant 16 : index
    %get3A_450 = tpu.vector_load %arg5[%get3A_447, %get3A_448, %get3A_449] {strides = array<i32>} : memref<3x224x128xf32, #tpu.memory_space<vmem>>, vector<1x1x16xf32>,
    %get3A_451 = vector.shape_cast %get3A_450 : vector<1x1x16xf32> to vector<16xf32>
    %add3A_452 = arith.addf %add3A_444, %get3A_451 : vector<16xf32>
    %get3A_453 = arith.constant 223 : i32
    %get3A_454 = arith.index_cast %get3A_453 : i32 to index
    %get3A_455 = arith.constant 16 : index
    %get3A_456 = tpu.vector_load %arg6[%get3A_454, %get3A_455] {strides = array<i32>} : memref<224x128xf32, #tpu.memory_space<vmem>>, vector<1x16xf32>,
    %get3A_457 = vector.shape_cast %get3A_456 : vector<1x16xf32> to vector<16xf32>
    %mul3A_458 = vector.broadcast %select_n3A_108 : f32 to vector<16xf32>
    %mul3A_459 = arith.mulf %add3A_452, %mul3A_458 : vector<16xf32>
    %sub3A_460 = arith.subf %get3A_457, %mul3A_459 : vector<16xf32>
    %mul3A_461 = arith.mulf %sub3A_460, %sub3A_460 : vector<16xf32>
    %add3A_462 = arith.addf %add3A_427, %mul3A_461 : vector<16xf32>
    %get3A_463 = arith.constant 0 : i32
    %get3A_464 = arith.constant 223 : i32
    %get3A_465 = arith.index_cast %get3A_463 : i32 to index
    %get3A_466 = arith.index_cast %get3A_464 : i32 to index
    %get3A_467 = arith.constant 32 : index
    %get3A_468 = tpu.vector_load %arg5[%get3A_465, %get3A_466, %get3A_467] {strides = array<i32>} : memref<3x224x128xf32, #tpu.memory_space<vmem>>, vector<1x1x16xf32>,
    %get3A_469 = vector.shape_cast %get3A_468 : vector<1x1x16xf32> to vector<16xf32>
    %get3A_470 = arith.constant 2 : i32
    %get3A_471 = arith.constant 223 : i32
    %get3A_472 = arith.index_cast %get3A_470 : i32 to index
    %get3A_473 = arith.index_cast %get3A_471 : i32 to index
    %get3A_474 = arith.constant 32 : index
    %get3A_475 = tpu.vector_load %arg5[%get3A_472, %get3A_473, %get3A_474] {strides = array<i32>} : memref<3x224x128xf32, #tpu.memory_space<vmem>>, vector<1x1x16xf32>,
    %get3A_476 = vector.shape_cast %get3A_475 : vector<1x1x16xf32> to vector<16xf32>
    %mul3A_477 = vector.broadcast %select_n3A : f32 to vector<16xf32>
    %mul3A_478 = arith.mulf %get3A_476, %mul3A_477 : vector<16xf32>
    %add3A_479 = arith.addf %get3A_469, %mul3A_478 : vector<16xf32>
    %get3A_480 = arith.constant 1 : i32
    %get3A_481 = arith.constant 222 : i32
    %get3A_482 = arith.index_cast %get3A_480 : i32 to index
    %get3A_483 = arith.index_cast %get3A_481 : i32 to index
    %get3A_484 = arith.constant 32 : index
    %get3A_485 = tpu.vector_load %arg5[%get3A_482, %get3A_483, %get3A_484] {strides = array<i32>} : memref<3x224x128xf32, #tpu.memory_space<vmem>>, vector<1x1x16xf32>,
    %get3A_486 = vector.shape_cast %get3A_485 : vector<1x1x16xf32> to vector<16xf32>
    %add3A_487 = arith.addf %add3A_479, %get3A_486 : vector<16xf32>
    %get3A_488 = arith.constant 223 : i32
    %get3A_489 = arith.index_cast %get3A_488 : i32 to index
    %get3A_490 = arith.constant 32 : index
    %get3A_491 = tpu.vector_load %arg6[%get3A_489, %get3A_490] {strides = array<i32>} : memref<224x128xf32, #tpu.memory_space<vmem>>, vector<1x16xf32>,
    %get3A_492 = vector.shape_cast %get3A_491 : vector<1x16xf32> to vector<16xf32>
    %mul3A_493 = vector.broadcast %select_n3A_108 : f32 to vector<16xf32>
    %mul3A_494 = arith.mulf %add3A_487, %mul3A_493 : vector<16xf32>
    %sub3A_495 = arith.subf %get3A_492, %mul3A_494 : vector<16xf32>
    %mul3A_496 = arith.mulf %sub3A_495, %sub3A_495 : vector<16xf32>
    %add3A_497 = arith.addf %add3A_462, %mul3A_496 : vector<16xf32>
    %get3A_498 = arith.constant 0 : i32
    %get3A_499 = arith.constant 223 : i32
    %get3A_500 = arith.index_cast %get3A_498 : i32 to index
    %get3A_501 = arith.index_cast %get3A_499 : i32 to index
    %get3A_502 = arith.constant 48 : index
    %get3A_503 = tpu.vector_load %arg5[%get3A_500, %get3A_501, %get3A_502] {strides = array<i32>} : memref<3x224x128xf32, #tpu.memory_space<vmem>>, vector<1x1x16xf32>,
    %get3A_504 = vector.shape_cast %get3A_503 : vector<1x1x16xf32> to vector<16xf32>
    %get3A_505 = arith.constant 2 : i32
    %get3A_506 = arith.constant 223 : i32
    %get3A_507 = arith.index_cast %get3A_505 : i32 to index
    %get3A_508 = arith.index_cast %get3A_506 : i32 to index
    %get3A_509 = arith.constant 48 : index
    %get3A_510 = tpu.vector_load %arg5[%get3A_507, %get3A_508, %get3A_509] {strides = array<i32>} : memref<3x224x128xf32, #tpu.memory_space<vmem>>, vector<1x1x16xf32>,
    %get3A_511 = vector.shape_cast %get3A_510 : vector<1x1x16xf32> to vector<16xf32>
    %mul3A_512 = vector.broadcast %select_n3A : f32 to vector<16xf32>
    %mul3A_513 = arith.mulf %get3A_511, %mul3A_512 : vector<16xf32>
    %add3A_514 = arith.addf %get3A_504, %mul3A_513 : vector<16xf32>
    %get3A_515 = arith.constant 1 : i32
    %get3A_516 = arith.constant 222 : i32
    %get3A_517 = arith.index_cast %get3A_515 : i32 to index
    %get3A_518 = arith.index_cast %get3A_516 : i32 to index
    %get3A_519 = arith.constant 48 : index
    %get3A_520 = tpu.vector_load %arg5[%get3A_517, %get3A_518, %get3A_519] {strides = array<i32>} : memref<3x224x128xf32, #tpu.memory_space<vmem>>, vector<1x1x16xf32>,
    %get3A_521 = vector.shape_cast %get3A_520 : vector<1x1x16xf32> to vector<16xf32>
    %add3A_522 = arith.addf %add3A_514, %get3A_521 : vector<16xf32>
    %get3A_523 = arith.constant 223 : i32
    %get3A_524 = arith.index_cast %get3A_523 : i32 to index
    %get3A_525 = arith.constant 48 : index
    %get3A_526 = tpu.vector_load %arg6[%get3A_524, %get3A_525] {strides = array<i32>} : memref<224x128xf32, #tpu.memory_space<vmem>>, vector<1x16xf32>,
    %get3A_527 = vector.shape_cast %get3A_526 : vector<1x16xf32> to vector<16xf32>
    %mul3A_528 = vector.broadcast %select_n3A_108 : f32 to vector<16xf32>
    %mul3A_529 = arith.mulf %add3A_522, %mul3A_528 : vector<16xf32>
    %sub3A_530 = arith.subf %get3A_527, %mul3A_529 : vector<16xf32>
    %mul3A_531 = arith.mulf %sub3A_530, %sub3A_530 : vector<16xf32>
    %add3A_532 = arith.addf %add3A_497, %mul3A_531 : vector<16xf32>
    %get3A_533 = arith.constant 0 : i32
    %get3A_534 = arith.constant 223 : i32
    %get3A_535 = arith.index_cast %get3A_533 : i32 to index
    %get3A_536 = arith.index_cast %get3A_534 : i32 to index
    %get3A_537 = arith.constant 64 : index
    %get3A_538 = tpu.vector_load %arg5[%get3A_535, %get3A_536, %get3A_537] {strides = array<i32>} : memref<3x224x128xf32, #tpu.memory_space<vmem>>, vector<1x1x16xf32>,
    %get3A_539 = vector.shape_cast %get3A_538 : vector<1x1x16xf32> to vector<16xf32>
    %get3A_540 = arith.constant 2 : i32
    %get3A_541 = arith.constant 223 : i32
    %get3A_542 = arith.index_cast %get3A_540 : i32 to index
    %get3A_543 = arith.index_cast %get3A_541 : i32 to index
    %get3A_544 = arith.constant 64 : index
    %get3A_545 = tpu.vector_load %arg5[%get3A_542, %get3A_543, %get3A_544] {strides = array<i32>} : memref<3x224x128xf32, #tpu.memory_space<vmem>>, vector<1x1x16xf32>,
    %get3A_546 = vector.shape_cast %get3A_545 : vector<1x1x16xf32> to vector<16xf32>
    %mul3A_547 = vector.broadcast %select_n3A : f32 to vector<16xf32>
    %mul3A_548 = arith.mulf %get3A_546, %mul3A_547 : vector<16xf32>
    %add3A_549 = arith.addf %get3A_539, %mul3A_548 : vector<16xf32>
    %get3A_550 = arith.constant 1 : i32
    %get3A_551 = arith.constant 222 : i32
    %get3A_552 = arith.index_cast %get3A_550 : i32 to index
    %get3A_553 = arith.index_cast %get3A_551 : i32 to index
    %get3A_554 = arith.constant 64 : index
    %get3A_555 = tpu.vector_load %arg5[%get3A_552, %get3A_553, %get3A_554] {strides = array<i32>} : memref<3x224x128xf32, #tpu.memory_space<vmem>>, vector<1x1x16xf32>,
    %get3A_556 = vector.shape_cast %get3A_555 : vector<1x1x16xf32> to vector<16xf32>
    %add3A_557 = arith.addf %add3A_549, %get3A_556 : vector<16xf32>
    %get3A_558 = arith.constant 223 : i32
    %get3A_559 = arith.index_cast %get3A_558 : i32 to index
    %get3A_560 = arith.constant 64 : index
    %get3A_561 = tpu.vector_load %arg6[%get3A_559, %get3A_560] {strides = array<i32>} : memref<224x128xf32, #tpu.memory_space<vmem>>, vector<1x16xf32>,
    %get3A_562 = vector.shape_cast %get3A_561 : vector<1x16xf32> to vector<16xf32>
    %mul3A_563 = vector.broadcast %select_n3A_108 : f32 to vector<16xf32>
    %mul3A_564 = arith.mulf %add3A_557, %mul3A_563 : vector<16xf32>
    %sub3A_565 = arith.subf %get3A_562, %mul3A_564 : vector<16xf32>
    %mul3A_566 = arith.mulf %sub3A_565, %sub3A_565 : vector<16xf32>
    %add3A_567 = arith.addf %add3A_532, %mul3A_566 : vector<16xf32>
    %get3A_568 = arith.constant 0 : i32
    %get3A_569 = arith.constant 223 : i32
    %get3A_570 = arith.index_cast %get3A_568 : i32 to index
    %get3A_571 = arith.index_cast %get3A_569 : i32 to index
    %get3A_572 = arith.constant 80 : index
    %get3A_573 = tpu.vector_load %arg5[%get3A_570, %get3A_571, %get3A_572] {strides = array<i32>} : memref<3x224x128xf32, #tpu.memory_space<vmem>>, vector<1x1x16xf32>,
    %get3A_574 = vector.shape_cast %get3A_573 : vector<1x1x16xf32> to vector<16xf32>
    %get3A_575 = arith.constant 2 : i32
    %get3A_576 = arith.constant 223 : i32
    %get3A_577 = arith.index_cast %get3A_575 : i32 to index
    %get3A_578 = arith.index_cast %get3A_576 : i32 to index
    %get3A_579 = arith.constant 80 : index
    %get3A_580 = tpu.vector_load %arg5[%get3A_577, %get3A_578, %get3A_579] {strides = array<i32>} : memref<3x224x128xf32, #tpu.memory_space<vmem>>, vector<1x1x16xf32>,
    %get3A_581 = vector.shape_cast %get3A_580 : vector<1x1x16xf32> to vector<16xf32>
    %mul3A_582 = vector.broadcast %select_n3A : f32 to vector<16xf32>
    %mul3A_583 = arith.mulf %get3A_581, %mul3A_582 : vector<16xf32>
    %add3A_584 = arith.addf %get3A_574, %mul3A_583 : vector<16xf32>
    %get3A_585 = arith.constant 1 : i32
    %get3A_586 = arith.constant 222 : i32
    %get3A_587 = arith.index_cast %get3A_585 : i32 to index
    %get3A_588 = arith.index_cast %get3A_586 : i32 to index
    %get3A_589 = arith.constant 80 : index
    %get3A_590 = tpu.vector_load %arg5[%get3A_587, %get3A_588, %get3A_589] {strides = array<i32>} : memref<3x224x128xf32, #tpu.memory_space<vmem>>, vector<1x1x16xf32>,
    %get3A_591 = vector.shape_cast %get3A_590 : vector<1x1x16xf32> to vector<16xf32>
    %add3A_592 = arith.addf %add3A_584, %get3A_591 : vector<16xf32>
    %get3A_593 = arith.constant 223 : i32
    %get3A_594 = arith.index_cast %get3A_593 : i32 to index
    %get3A_595 = arith.constant 80 : index
    %get3A_596 = tpu.vector_load %arg6[%get3A_594, %get3A_595] {strides = array<i32>} : memref<224x128xf32, #tpu.memory_space<vmem>>, vector<1x16xf32>,
    %get3A_597 = vector.shape_cast %get3A_596 : vector<1x16xf32> to vector<16xf32>
    %mul3A_598 = vector.broadcast %select_n3A_108 : f32 to vector<16xf32>
    %mul3A_599 = arith.mulf %add3A_592, %mul3A_598 : vector<16xf32>
    %sub3A_600 = arith.subf %get3A_597, %mul3A_599 : vector<16xf32>
    %mul3A_601 = arith.mulf %sub3A_600, %sub3A_600 : vector<16xf32>
    %add3A_602 = arith.addf %add3A_567, %mul3A_601 : vector<16xf32>
    %get3A_603 = arith.constant 0 : i32
    %get3A_604 = arith.constant 223 : i32
    %get3A_605 = arith.index_cast %get3A_603 : i32 to index
    %get3A_606 = arith.index_cast %get3A_604 : i32 to index
    %get3A_607 = arith.constant 96 : index
    %get3A_608 = tpu.vector_load %arg5[%get3A_605, %get3A_606, %get3A_607] {strides = array<i32>} : memref<3x224x128xf32, #tpu.memory_space<vmem>>, vector<1x1x16xf32>,
    %get3A_609 = vector.shape_cast %get3A_608 : vector<1x1x16xf32> to vector<16xf32>
    %get3A_610 = arith.constant 2 : i32
    %get3A_611 = arith.constant 223 : i32
    %get3A_612 = arith.index_cast %get3A_610 : i32 to index
    %get3A_613 = arith.index_cast %get3A_611 : i32 to index
    %get3A_614 = arith.constant 96 : index
    %get3A_615 = tpu.vector_load %arg5[%get3A_612, %get3A_613, %get3A_614] {strides = array<i32>} : memref<3x224x128xf32, #tpu.memory_space<vmem>>, vector<1x1x16xf32>,
    %get3A_616 = vector.shape_cast %get3A_615 : vector<1x1x16xf32> to vector<16xf32>
    %mul3A_617 = vector.broadcast %select_n3A : f32 to vector<16xf32>
    %mul3A_618 = arith.mulf %get3A_616, %mul3A_617 : vector<16xf32>
    %add3A_619 = arith.addf %get3A_609, %mul3A_618 : vector<16xf32>
    %get3A_620 = arith.constant 1 : i32
    %get3A_621 = arith.constant 222 : i32
    %get3A_622 = arith.index_cast %get3A_620 : i32 to index
    %get3A_623 = arith.index_cast %get3A_621 : i32 to index
    %get3A_624 = arith.constant 96 : index
    %get3A_625 = tpu.vector_load %arg5[%get3A_622, %get3A_623, %get3A_624] {strides = array<i32>} : memref<3x224x128xf32, #tpu.memory_space<vmem>>, vector<1x1x16xf32>,
    %get3A_626 = vector.shape_cast %get3A_625 : vector<1x1x16xf32> to vector<16xf32>
    %add3A_627 = arith.addf %add3A_619, %get3A_626 : vector<16xf32>
    %get3A_628 = arith.constant 223 : i32
    %get3A_629 = arith.index_cast %get3A_628 : i32 to index
    %get3A_630 = arith.constant 96 : index
    %get3A_631 = tpu.vector_load %arg6[%get3A_629, %get3A_630] {strides = array<i32>} : memref<224x128xf32, #tpu.memory_space<vmem>>, vector<1x16xf32>,
    %get3A_632 = vector.shape_cast %get3A_631 : vector<1x16xf32> to vector<16xf32>
    %mul3A_633 = vector.broadcast %select_n3A_108 : f32 to vector<16xf32>
    %mul3A_634 = arith.mulf %add3A_627, %mul3A_633 : vector<16xf32>
    %sub3A_635 = arith.subf %get3A_632, %mul3A_634 : vector<16xf32>
    %mul3A_636 = arith.mulf %sub3A_635, %sub3A_635 : vector<16xf32>
    %add3A_637 = arith.addf %add3A_602, %mul3A_636 : vector<16xf32>
    %get3A_638 = arith.constant 0 : i32
    %get3A_639 = arith.constant 223 : i32
    %get3A_640 = arith.index_cast %get3A_638 : i32 to index
    %get3A_641 = arith.index_cast %get3A_639 : i32 to index
    %get3A_642 = arith.constant 112 : index
    %get3A_643 = tpu.vector_load %arg5[%get3A_640, %get3A_641, %get3A_642] {strides = array<i32>} : memref<3x224x128xf32, #tpu.memory_space<vmem>>, vector<1x1x16xf32>,
    %get3A_644 = vector.shape_cast %get3A_643 : vector<1x1x16xf32> to vector<16xf32>
    %get3A_645 = arith.constant 2 : i32
    %get3A_646 = arith.constant 223 : i32
    %get3A_647 = arith.index_cast %get3A_645 : i32 to index
    %get3A_648 = arith.index_cast %get3A_646 : i32 to index
    %get3A_649 = arith.constant 112 : index
    %get3A_650 = tpu.vector_load %arg5[%get3A_647, %get3A_648, %get3A_649] {strides = array<i32>} : memref<3x224x128xf32, #tpu.memory_space<vmem>>, vector<1x1x16xf32>,
    %get3A_651 = vector.shape_cast %get3A_650 : vector<1x1x16xf32> to vector<16xf32>
    %mul3A_652 = vector.broadcast %select_n3A : f32 to vector<16xf32>
    %mul3A_653 = arith.mulf %get3A_651, %mul3A_652 : vector<16xf32>
    %add3A_654 = arith.addf %get3A_644, %mul3A_653 : vector<16xf32>
    %get3A_655 = arith.constant 1 : i32
    %get3A_656 = arith.constant 222 : i32
    %get3A_657 = arith.index_cast %get3A_655 : i32 to index
    %get3A_658 = arith.index_cast %get3A_656 : i32 to index
    %get3A_659 = arith.constant 112 : index
    %get3A_660 = tpu.vector_load %arg5[%get3A_657, %get3A_658, %get3A_659] {strides = array<i32>} : memref<3x224x128xf32, #tpu.memory_space<vmem>>, vector<1x1x16xf32>,
    %get3A_661 = vector.shape_cast %get3A_660 : vector<1x1x16xf32> to vector<16xf32>
    %add3A_662 = arith.addf %add3A_654, %get3A_661 : vector<16xf32>
    %get3A_663 = arith.constant 223 : i32
    %get3A_664 = arith.index_cast %get3A_663 : i32 to index
    %get3A_665 = arith.constant 112 : index
    %get3A_666 = tpu.vector_load %arg6[%get3A_664, %get3A_665] {strides = array<i32>} : memref<224x128xf32, #tpu.memory_space<vmem>>, vector<1x16xf32>,
    %get3A_667 = vector.shape_cast %get3A_666 : vector<1x16xf32> to vector<16xf32>
    %mul3A_668 = vector.broadcast %select_n3A_108 : f32 to vector<16xf32>
    %mul3A_669 = arith.mulf %add3A_662, %mul3A_668 : vector<16xf32>
    %sub3A_670 = arith.subf %get3A_667, %mul3A_669 : vector<16xf32>
    %mul3A_671 = arith.mulf %sub3A_670, %sub3A_670 : vector<16xf32>
    %add3A_672 = arith.addf %add3A_637, %mul3A_671 : vector<16xf32>
    %sub3A_673 = arith.constant 1 : i32
    %sub3A_674 = arith.subi %add3A_2, %sub3A_673 : i32
    %sub3A_675 = arith.constant 188 : i32
    %sub3A_676 = arith.subi %sub3A_674, %sub3A_675 : i32
    %mul3A_677 = arith.constant 224 : i32
    %mul3A_678 = arith.muli %sub3A_676, %mul3A_677 : i32
    %dma_start3A_679 = arith.constant 0 : i32
    %dma_start3A_680 = arith.constant 0 : i32
    %dma_start3A_681 = arith.constant 0 : i32
    %dma_start3A_682 = tpu.memref_slice %arg5[%dma_start3A_679, %dma_start3A_680, %dma_start3A_681] : memref<3x224x128xf32, #tpu.memory_space<vmem>> -> memref<1x224x128xf32, #tpu.memory_space<vmem>>
    %dma_start3A_683 = tpu.memref_squeeze %dma_start3A_682 : memref<1x224x128xf32, #tpu.memory_space<vmem>> -> memref<224x128xf32, #tpu.memory_space<vmem>>
    %dma_start3A_684 = arith.constant 128 : i32
    %dma_start3A_685 = tpu.memref_slice %arg2[%mul3A_678, %dma_start3A_684] : memref<8064x256xf32, #tpu.memory_space<hbm>> -> memref<224x128xf32, #tpu.memory_space<hbm>>
    %dma_start3A_686 = arith.constant 0 : i32
    %dma_start3A_687 = arith.constant 0 : i32
    %dma_start3A_688 = tpu.memref_slice %arg5[%dma_start3A_679, %dma_start3A_686, %dma_start3A_687] : memref<3x224x128xf32, #tpu.memory_space<vmem>> -> memref<1x224x128xf32, #tpu.memory_space<vmem>>
    %dma_start3A_689 = tpu.memref_squeeze %dma_start3A_688 : memref<1x224x128xf32, #tpu.memory_space<vmem>> -> memref<224x128xf32, #tpu.memory_space<vmem>>
    %dma_start3A_690 = arith.constant 128 : i32
    %dma_start3A_691 = tpu.memref_slice %arg2[%mul3A_678, %dma_start3A_690] : memref<8064x256xf32, #tpu.memory_space<hbm>> -> memref<224x128xf32, #tpu.memory_space<hbm>>
    tpu.enqueue_dma source(%dma_start3A_691 : memref<224x128xf32, #tpu.memory_space<hbm>>) target(%dma_start3A_689 : memref<224x128xf32, #tpu.memory_space<vmem>>) target_semaphore(%arg8 : memref<!tpu.dma_semaphore, #tpu.memory_space<semaphore_mem>>)
    %sub3A_692 = arith.constant 188 : i32
    %sub3A_693 = arith.subi %add3A_2, %sub3A_692 : i32
    %mul3A_694 = arith.constant 224 : i32
    %mul3A_695 = arith.muli %sub3A_693, %mul3A_694 : i32
    %dma_start3A_696 = arith.constant 1 : i32
    %dma_start3A_697 = arith.constant 0 : i32
    %dma_start3A_698 = arith.constant 0 : i32
    %dma_start3A_699 = tpu.memref_slice %arg5[%dma_start3A_696, %dma_start3A_697, %dma_start3A_698] : memref<3x224x128xf32, #tpu.memory_space<vmem>> -> memref<1x224x128xf32, #tpu.memory_space<vmem>>
    %dma_start3A_700 = tpu.memref_squeeze %dma_start3A_699 : memref<1x224x128xf32, #tpu.memory_space<vmem>> -> memref<224x128xf32, #tpu.memory_space<vmem>>
    %dma_start3A_701 = arith.constant 128 : i32
    %dma_start3A_702 = tpu.memref_slice %arg2[%mul3A_695, %dma_start3A_701] : memref<8064x256xf32, #tpu.memory_space<hbm>> -> memref<224x128xf32, #tpu.memory_space<hbm>>
    %dma_start3A_703 = arith.constant 0 : i32
    %dma_start3A_704 = arith.constant 0 : i32
    %dma_start3A_705 = tpu.memref_slice %arg5[%dma_start3A_696, %dma_start3A_703, %dma_start3A_704] : memref<3x224x128xf32, #tpu.memory_space<vmem>> -> memref<1x224x128xf32, #tpu.memory_space<vmem>>
    %dma_start3A_706 = tpu.memref_squeeze %dma_start3A_705 : memref<1x224x128xf32, #tpu.memory_space<vmem>> -> memref<224x128xf32, #tpu.memory_space<vmem>>
    %dma_start3A_707 = arith.constant 128 : i32
    %dma_start3A_708 = tpu.memref_slice %arg2[%mul3A_695, %dma_start3A_707] : memref<8064x256xf32, #tpu.memory_space<hbm>> -> memref<224x128xf32, #tpu.memory_space<hbm>>
    tpu.enqueue_dma source(%dma_start3A_708 : memref<224x128xf32, #tpu.memory_space<hbm>>) target(%dma_start3A_706 : memref<224x128xf32, #tpu.memory_space<vmem>>) target_semaphore(%arg8 : memref<!tpu.dma_semaphore, #tpu.memory_space<semaphore_mem>>)
    %add3A_709 = arith.constant 1 : i32
    %add3A_710 = arith.addi %add3A_2, %add3A_709 : i32
    %min3A_711 = arith.constant 223 : i32
    %min3A_712 = arith.minsi %add3A_710, %min3A_711 : i32
    %sub3A_713 = arith.constant 188 : i32
    %sub3A_714 = arith.subi %min3A_712, %sub3A_713 : i32
    %mul3A_715 = arith.constant 224 : i32
    %mul3A_716 = arith.muli %sub3A_714, %mul3A_715 : i32
    %dma_start3A_717 = arith.constant 2 : i32
    %dma_start3A_718 = arith.constant 0 : i32
    %dma_start3A_719 = arith.constant 0 : i32
    %dma_start3A_720 = tpu.memref_slice %arg5[%dma_start3A_717, %dma_start3A_718, %dma_start3A_719] : memref<3x224x128xf32, #tpu.memory_space<vmem>> -> memref<1x224x128xf32, #tpu.memory_space<vmem>>
    %dma_start3A_721 = tpu.memref_squeeze %dma_start3A_720 : memref<1x224x128xf32, #tpu.memory_space<vmem>> -> memref<224x128xf32, #tpu.memory_space<vmem>>
    %dma_start3A_722 = arith.constant 128 : i32
    %dma_start3A_723 = tpu.memref_slice %arg2[%mul3A_716, %dma_start3A_722] : memref<8064x256xf32, #tpu.memory_space<hbm>> -> memref<224x128xf32, #tpu.memory_space<hbm>>
    %dma_start3A_724 = arith.constant 0 : i32
    %dma_start3A_725 = arith.constant 0 : i32
    %dma_start3A_726 = tpu.memref_slice %arg5[%dma_start3A_717, %dma_start3A_724, %dma_start3A_725] : memref<3x224x128xf32, #tpu.memory_space<vmem>> -> memref<1x224x128xf32, #tpu.memory_space<vmem>>
    %dma_start3A_727 = tpu.memref_squeeze %dma_start3A_726 : memref<1x224x128xf32, #tpu.memory_space<vmem>> -> memref<224x128xf32, #tpu.memory_space<vmem>>
    %dma_start3A_728 = arith.constant 128 : i32
    %dma_start3A_729 = tpu.memref_slice %arg2[%mul3A_716, %dma_start3A_728] : memref<8064x256xf32, #tpu.memory_space<hbm>> -> memref<224x128xf32, #tpu.memory_space<hbm>>
    tpu.enqueue_dma source(%dma_start3A_729 : memref<224x128xf32, #tpu.memory_space<hbm>>) target(%dma_start3A_727 : memref<224x128xf32, #tpu.memory_space<vmem>>) target_semaphore(%arg8 : memref<!tpu.dma_semaphore, #tpu.memory_space<semaphore_mem>>)
    %mul3A_730 = arith.constant 224 : i32
    %mul3A_731 = arith.muli %add3A_2, %mul3A_730 : i32
    "tpu.region"() ({
      %run_scoped3A = tpu.sem_alloc : memref<!tpu.dma_semaphore, #tpu.memory_space<semaphore_mem>>
      %dma_start3A_1355 = arith.constant 128 : i32
      %dma_start3A_1356 = tpu.memref_slice %arg3[%mul3A_731, %dma_start3A_1355] : memref<50176x256xf32, #tpu.memory_space<hbm>> -> memref<224x128xf32, #tpu.memory_space<hbm>>
      %dma_start3A_1357 = arith.constant 128 : i32
      %dma_start3A_1358 = tpu.memref_slice %arg3[%mul3A_731, %dma_start3A_1357] : memref<50176x256xf32, #tpu.memory_space<hbm>> -> memref<224x128xf32, #tpu.memory_space<hbm>>
      tpu.enqueue_dma source(%dma_start3A_1358 : memref<224x128xf32, #tpu.memory_space<hbm>>) target(%arg6 : memref<224x128xf32, #tpu.memory_space<vmem>>) target_semaphore(%run_scoped3A : memref<!tpu.dma_semaphore, #tpu.memory_space<semaphore_mem>>)
      %dma_wait3A_1359 = arith.constant 128 : i32
      %dma_wait3A_1360 = tpu.memref_slice %arg3[%mul3A_731, %dma_wait3A_1359] : memref<50176x256xf32, #tpu.memory_space<hbm>> -> memref<224x128xf32, #tpu.memory_space<hbm>>
      %dma_wait3A_1361 = arith.constant 128 : i32
      %dma_wait3A_1362 = tpu.memref_slice %arg3[%mul3A_731, %dma_wait3A_1361] : memref<50176x256xf32, #tpu.memory_space<hbm>> -> memref<224x128xf32, #tpu.memory_space<hbm>>
      tpu.wait_dma2 semaphore(%run_scoped3A : memref<!tpu.dma_semaphore, #tpu.memory_space<semaphore_mem>>) src(%dma_wait3A_1362 : memref<224x128xf32, #tpu.memory_space<hbm>>) dst(%arg6 : memref<224x128xf32, #tpu.memory_space<vmem>>)
      tpu.yield
    }) : () -> ()
    %dma_wait3A_732 = arith.constant 0 : i32
    %dma_wait3A_733 = arith.constant 0 : i32
    %dma_wait3A_734 = arith.constant 0 : i32
    %dma_wait3A_735 = tpu.memref_slice %arg5[%dma_wait3A_732, %dma_wait3A_733, %dma_wait3A_734] : memref<3x224x128xf32, #tpu.memory_space<vmem>> -> memref<1x224x128xf32, #tpu.memory_space<vmem>>
    %dma_wait3A_736 = tpu.memref_squeeze %dma_wait3A_735 : memref<1x224x128xf32, #tpu.memory_space<vmem>> -> memref<224x128xf32, #tpu.memory_space<vmem>>
    %dma_wait3A_737 = arith.constant 128 : i32
    %dma_wait3A_738 = tpu.memref_slice %arg2[%mul3A_678, %dma_wait3A_737] : memref<8064x256xf32, #tpu.memory_space<hbm>> -> memref<224x128xf32, #tpu.memory_space<hbm>>
    %dma_wait3A_739 = arith.constant 0 : i32
    %dma_wait3A_740 = arith.constant 0 : i32
    %dma_wait3A_741 = tpu.memref_slice %arg5[%dma_wait3A_732, %dma_wait3A_739, %dma_wait3A_740] : memref<3x224x128xf32, #tpu.memory_space<vmem>> -> memref<1x224x128xf32, #tpu.memory_space<vmem>>
    %dma_wait3A_742 = tpu.memref_squeeze %dma_wait3A_741 : memref<1x224x128xf32, #tpu.memory_space<vmem>> -> memref<224x128xf32, #tpu.memory_space<vmem>>
    %dma_wait3A_743 = arith.constant 128 : i32
    %dma_wait3A_744 = tpu.memref_slice %arg2[%mul3A_678, %dma_wait3A_743] : memref<8064x256xf32, #tpu.memory_space<hbm>> -> memref<224x128xf32, #tpu.memory_space<hbm>>
    tpu.wait_dma2 semaphore(%arg8 : memref<!tpu.dma_semaphore, #tpu.memory_space<semaphore_mem>>) src(%dma_wait3A_744 : memref<224x128xf32, #tpu.memory_space<hbm>>) dst(%dma_wait3A_742 : memref<224x128xf32, #tpu.memory_space<vmem>>)
    %dma_wait3A_745 = arith.constant 1 : i32
    %dma_wait3A_746 = arith.constant 0 : i32
    %dma_wait3A_747 = arith.constant 0 : i32
    %dma_wait3A_748 = tpu.memref_slice %arg5[%dma_wait3A_745, %dma_wait3A_746, %dma_wait3A_747] : memref<3x224x128xf32, #tpu.memory_space<vmem>> -> memref<1x224x128xf32, #tpu.memory_space<vmem>>
    %dma_wait3A_749 = tpu.memref_squeeze %dma_wait3A_748 : memref<1x224x128xf32, #tpu.memory_space<vmem>> -> memref<224x128xf32, #tpu.memory_space<vmem>>
    %dma_wait3A_750 = arith.constant 128 : i32
    %dma_wait3A_751 = tpu.memref_slice %arg2[%mul3A_695, %dma_wait3A_750] : memref<8064x256xf32, #tpu.memory_space<hbm>> -> memref<224x128xf32, #tpu.memory_space<hbm>>
    %dma_wait3A_752 = arith.constant 0 : i32
    %dma_wait3A_753 = arith.constant 0 : i32
    %dma_wait3A_754 = tpu.memref_slice %arg5[%dma_wait3A_745, %dma_wait3A_752, %dma_wait3A_753] : memref<3x224x128xf32, #tpu.memory_space<vmem>> -> memref<1x224x128xf32, #tpu.memory_space<vmem>>
    %dma_wait3A_755 = tpu.memref_squeeze %dma_wait3A_754 : memref<1x224x128xf32, #tpu.memory_space<vmem>> -> memref<224x128xf32, #tpu.memory_space<vmem>>
    %dma_wait3A_756 = arith.constant 128 : i32
    %dma_wait3A_757 = tpu.memref_slice %arg2[%mul3A_695, %dma_wait3A_756] : memref<8064x256xf32, #tpu.memory_space<hbm>> -> memref<224x128xf32, #tpu.memory_space<hbm>>
    tpu.wait_dma2 semaphore(%arg8 : memref<!tpu.dma_semaphore, #tpu.memory_space<semaphore_mem>>) src(%dma_wait3A_757 : memref<224x128xf32, #tpu.memory_space<hbm>>) dst(%dma_wait3A_755 : memref<224x128xf32, #tpu.memory_space<vmem>>)
    %dma_wait3A_758 = arith.constant 2 : i32
    %dma_wait3A_759 = arith.constant 0 : i32
    %dma_wait3A_760 = arith.constant 0 : i32
    %dma_wait3A_761 = tpu.memref_slice %arg5[%dma_wait3A_758, %dma_wait3A_759, %dma_wait3A_760] : memref<3x224x128xf32, #tpu.memory_space<vmem>> -> memref<1x224x128xf32, #tpu.memory_space<vmem>>
    %dma_wait3A_762 = tpu.memref_squeeze %dma_wait3A_761 : memref<1x224x128xf32, #tpu.memory_space<vmem>> -> memref<224x128xf32, #tpu.memory_space<vmem>>
    %dma_wait3A_763 = arith.constant 128 : i32
    %dma_wait3A_764 = tpu.memref_slice %arg2[%mul3A_716, %dma_wait3A_763] : memref<8064x256xf32, #tpu.memory_space<hbm>> -> memref<224x128xf32, #tpu.memory_space<hbm>>
    %dma_wait3A_765 = arith.constant 0 : i32
    %dma_wait3A_766 = arith.constant 0 : i32
    %dma_wait3A_767 = tpu.memref_slice %arg5[%dma_wait3A_758, %dma_wait3A_765, %dma_wait3A_766] : memref<3x224x128xf32, #tpu.memory_space<vmem>> -> memref<1x224x128xf32, #tpu.memory_space<vmem>>
    %dma_wait3A_768 = tpu.memref_squeeze %dma_wait3A_767 : memref<1x224x128xf32, #tpu.memory_space<vmem>> -> memref<224x128xf32, #tpu.memory_space<vmem>>
    %dma_wait3A_769 = arith.constant 128 : i32
    %dma_wait3A_770 = tpu.memref_slice %arg2[%mul3A_716, %dma_wait3A_769] : memref<8064x256xf32, #tpu.memory_space<hbm>> -> memref<224x128xf32, #tpu.memory_space<hbm>>
    tpu.wait_dma2 semaphore(%arg8 : memref<!tpu.dma_semaphore, #tpu.memory_space<semaphore_mem>>) src(%dma_wait3A_770 : memref<224x128xf32, #tpu.memory_space<hbm>>) dst(%dma_wait3A_768 : memref<224x128xf32, #tpu.memory_space<vmem>>)
    %lt3A_771 = arith.constant 223 : i32
    %lt3A_772 = arith.cmpi slt, %add3A_2, %lt3A_771 : i32
    %jit3A_773 = arith.constant 1.000000e+00 : f32
    %jit3A_774 = arith.constant 0.000000e+00 : f32
    %select_n3A_775 = arith.select %lt3A_772, %jit3A_773, %jit3A_774 : f32
    %eq3A_776 = arith.constant 1.000000e+00 : f32
    %eq3A_777 = arith.cmpf oeq, %select_n3A_775, %eq3A_776 : f32
    %jit3A_778 = arith.constant 2.500000e-01 : f32
    %jit3A_779 = arith.constant 0.333333343 : f32
    %select_n3A_780 = arith.select %eq3A_777, %jit3A_778, %jit3A_779 : f32
    %eq3A_781 = arith.constant 1.000000e+00 : f32
    %eq3A_782 = arith.cmpf oeq, %select_n3A_775, %eq3A_781 : f32
    %jit3A_783 = arith.constant 0.333333343 : f32
    %jit3A_784 = arith.constant 5.000000e-01 : f32
    %select_n3A_785 = arith.select %eq3A_782, %jit3A_783, %jit3A_784 : f32
    %get3A_786 = arith.constant 0 : i32
    %get3A_787 = arith.constant 0 : i32
    %get3A_788 = arith.index_cast %get3A_786 : i32 to index
    %get3A_789 = arith.index_cast %get3A_787 : i32 to index
    %get3A_790 = arith.constant 0 : index
    %get3A_791 = tpu.vector_load %arg5[%get3A_788, %get3A_789, %get3A_790] {strides = array<i32>} : memref<3x224x128xf32, #tpu.memory_space<vmem>>, vector<1x1x16xf32>,
    %get3A_792 = vector.shape_cast %get3A_791 : vector<1x1x16xf32> to vector<16xf32>
    %get3A_793 = arith.constant 2 : i32
    %get3A_794 = arith.constant 0 : i32
    %get3A_795 = arith.index_cast %get3A_793 : i32 to index
    %get3A_796 = arith.index_cast %get3A_794 : i32 to index
    %get3A_797 = arith.constant 0 : index
    %get3A_798 = tpu.vector_load %arg5[%get3A_795, %get3A_796, %get3A_797] {strides = array<i32>} : memref<3x224x128xf32, #tpu.memory_space<vmem>>, vector<1x1x16xf32>,
    %get3A_799 = vector.shape_cast %get3A_798 : vector<1x1x16xf32> to vector<16xf32>
    %mul3A_800 = vector.broadcast %select_n3A_775 : f32 to vector<16xf32>
    %mul3A_801 = arith.mulf %get3A_799, %mul3A_800 : vector<16xf32>
    %add3A_802 = arith.addf %get3A_792, %mul3A_801 : vector<16xf32>
    %get3A_803 = arith.constant 1 : i32
    %get3A_804 = arith.constant 1 : i32
    %get3A_805 = arith.index_cast %get3A_803 : i32 to index
    %get3A_806 = arith.index_cast %get3A_804 : i32 to index
    %get3A_807 = arith.constant 0 : index
    %get3A_808 = tpu.vector_load %arg5[%get3A_805, %get3A_806, %get3A_807] {strides = array<i32>} : memref<3x224x128xf32, #tpu.memory_space<vmem>>, vector<1x1x16xf32>,
    %get3A_809 = vector.shape_cast %get3A_808 : vector<1x1x16xf32> to vector<16xf32>
    %add3A_810 = arith.addf %add3A_802, %get3A_809 : vector<16xf32>
    %get3A_811 = arith.constant 0 : i32
    %get3A_812 = arith.index_cast %get3A_811 : i32 to index
    %get3A_813 = arith.constant 0 : index
    %get3A_814 = tpu.vector_load %arg6[%get3A_812, %get3A_813] {strides = array<i32>} : memref<224x128xf32, #tpu.memory_space<vmem>>, vector<1x16xf32>,
    %get3A_815 = vector.shape_cast %get3A_814 : vector<1x16xf32> to vector<16xf32>
    %mul3A_816 = vector.broadcast %select_n3A_785 : f32 to vector<16xf32>
    %mul3A_817 = arith.mulf %add3A_810, %mul3A_816 : vector<16xf32>
    %sub3A_818 = arith.subf %get3A_815, %mul3A_817 : vector<16xf32>
    %mul3A_819 = arith.mulf %sub3A_818, %sub3A_818 : vector<16xf32>
    %add3A_820 = arith.addf %add3A_672, %mul3A_819 : vector<16xf32>
    %get3A_821 = arith.constant 0 : i32
    %get3A_822 = arith.constant 0 : i32
    %get3A_823 = arith.index_cast %get3A_821 : i32 to index
    %get3A_824 = arith.index_cast %get3A_822 : i32 to index
    %get3A_825 = arith.constant 16 : index
    %get3A_826 = tpu.vector_load %arg5[%get3A_823, %get3A_824, %get3A_825] {strides = array<i32>} : memref<3x224x128xf32, #tpu.memory_space<vmem>>, vector<1x1x16xf32>,
    %get3A_827 = vector.shape_cast %get3A_826 : vector<1x1x16xf32> to vector<16xf32>
    %get3A_828 = arith.constant 2 : i32
    %get3A_829 = arith.constant 0 : i32
    %get3A_830 = arith.index_cast %get3A_828 : i32 to index
    %get3A_831 = arith.index_cast %get3A_829 : i32 to index
    %get3A_832 = arith.constant 16 : index
    %get3A_833 = tpu.vector_load %arg5[%get3A_830, %get3A_831, %get3A_832] {strides = array<i32>} : memref<3x224x128xf32, #tpu.memory_space<vmem>>, vector<1x1x16xf32>,
    %get3A_834 = vector.shape_cast %get3A_833 : vector<1x1x16xf32> to vector<16xf32>
    %mul3A_835 = vector.broadcast %select_n3A_775 : f32 to vector<16xf32>
    %mul3A_836 = arith.mulf %get3A_834, %mul3A_835 : vector<16xf32>
    %add3A_837 = arith.addf %get3A_827, %mul3A_836 : vector<16xf32>
    %get3A_838 = arith.constant 1 : i32
    %get3A_839 = arith.constant 1 : i32
    %get3A_840 = arith.index_cast %get3A_838 : i32 to index
    %get3A_841 = arith.index_cast %get3A_839 : i32 to index
    %get3A_842 = arith.constant 16 : index
    %get3A_843 = tpu.vector_load %arg5[%get3A_840, %get3A_841, %get3A_842] {strides = array<i32>} : memref<3x224x128xf32, #tpu.memory_space<vmem>>, vector<1x1x16xf32>,
    %get3A_844 = vector.shape_cast %get3A_843 : vector<1x1x16xf32> to vector<16xf32>
    %add3A_845 = arith.addf %add3A_837, %get3A_844 : vector<16xf32>
    %get3A_846 = arith.constant 0 : i32
    %get3A_847 = arith.index_cast %get3A_846 : i32 to index
    %get3A_848 = arith.constant 16 : index
    %get3A_849 = tpu.vector_load %arg6[%get3A_847, %get3A_848] {strides = array<i32>} : memref<224x128xf32, #tpu.memory_space<vmem>>, vector<1x16xf32>,
    %get3A_850 = vector.shape_cast %get3A_849 : vector<1x16xf32> to vector<16xf32>
    %mul3A_851 = vector.broadcast %select_n3A_785 : f32 to vector<16xf32>
    %mul3A_852 = arith.mulf %add3A_845, %mul3A_851 : vector<16xf32>
    %sub3A_853 = arith.subf %get3A_850, %mul3A_852 : vector<16xf32>
    %mul3A_854 = arith.mulf %sub3A_853, %sub3A_853 : vector<16xf32>
    %add3A_855 = arith.addf %add3A_820, %mul3A_854 : vector<16xf32>
    %get3A_856 = arith.constant 0 : i32
    %get3A_857 = arith.constant 0 : i32
    %get3A_858 = arith.index_cast %get3A_856 : i32 to index
    %get3A_859 = arith.index_cast %get3A_857 : i32 to index
    %get3A_860 = arith.constant 32 : index
    %get3A_861 = tpu.vector_load %arg5[%get3A_858, %get3A_859, %get3A_860] {strides = array<i32>} : memref<3x224x128xf32, #tpu.memory_space<vmem>>, vector<1x1x16xf32>,
    %get3A_862 = vector.shape_cast %get3A_861 : vector<1x1x16xf32> to vector<16xf32>
    %get3A_863 = arith.constant 2 : i32
    %get3A_864 = arith.constant 0 : i32
    %get3A_865 = arith.index_cast %get3A_863 : i32 to index
    %get3A_866 = arith.index_cast %get3A_864 : i32 to index
    %get3A_867 = arith.constant 32 : index
    %get3A_868 = tpu.vector_load %arg5[%get3A_865, %get3A_866, %get3A_867] {strides = array<i32>} : memref<3x224x128xf32, #tpu.memory_space<vmem>>, vector<1x1x16xf32>,
    %get3A_869 = vector.shape_cast %get3A_868 : vector<1x1x16xf32> to vector<16xf32>
    %mul3A_870 = vector.broadcast %select_n3A_775 : f32 to vector<16xf32>
    %mul3A_871 = arith.mulf %get3A_869, %mul3A_870 : vector<16xf32>
    %add3A_872 = arith.addf %get3A_862, %mul3A_871 : vector<16xf32>
    %get3A_873 = arith.constant 1 : i32
    %get3A_874 = arith.constant 1 : i32
    %get3A_875 = arith.index_cast %get3A_873 : i32 to index
    %get3A_876 = arith.index_cast %get3A_874 : i32 to index
    %get3A_877 = arith.constant 32 : index
    %get3A_878 = tpu.vector_load %arg5[%get3A_875, %get3A_876, %get3A_877] {strides = array<i32>} : memref<3x224x128xf32, #tpu.memory_space<vmem>>, vector<1x1x16xf32>,
    %get3A_879 = vector.shape_cast %get3A_878 : vector<1x1x16xf32> to vector<16xf32>
    %add3A_880 = arith.addf %add3A_872, %get3A_879 : vector<16xf32>
    %get3A_881 = arith.constant 0 : i32
    %get3A_882 = arith.index_cast %get3A_881 : i32 to index
    %get3A_883 = arith.constant 32 : index
    %get3A_884 = tpu.vector_load %arg6[%get3A_882, %get3A_883] {strides = array<i32>} : memref<224x128xf32, #tpu.memory_space<vmem>>, vector<1x16xf32>,
    %get3A_885 = vector.shape_cast %get3A_884 : vector<1x16xf32> to vector<16xf32>
    %mul3A_886 = vector.broadcast %select_n3A_785 : f32 to vector<16xf32>
    %mul3A_887 = arith.mulf %add3A_880, %mul3A_886 : vector<16xf32>
    %sub3A_888 = arith.subf %get3A_885, %mul3A_887 : vector<16xf32>
    %mul3A_889 = arith.mulf %sub3A_888, %sub3A_888 : vector<16xf32>
    %add3A_890 = arith.addf %add3A_855, %mul3A_889 : vector<16xf32>
    %get3A_891 = arith.constant 0 : i32
    %get3A_892 = arith.constant 0 : i32
    %get3A_893 = arith.index_cast %get3A_891 : i32 to index
    %get3A_894 = arith.index_cast %get3A_892 : i32 to index
    %get3A_895 = arith.constant 48 : index
    %get3A_896 = tpu.vector_load %arg5[%get3A_893, %get3A_894, %get3A_895] {strides = array<i32>} : memref<3x224x128xf32, #tpu.memory_space<vmem>>, vector<1x1x16xf32>,
    %get3A_897 = vector.shape_cast %get3A_896 : vector<1x1x16xf32> to vector<16xf32>
    %get3A_898 = arith.constant 2 : i32
    %get3A_899 = arith.constant 0 : i32
    %get3A_900 = arith.index_cast %get3A_898 : i32 to index
    %get3A_901 = arith.index_cast %get3A_899 : i32 to index
    %get3A_902 = arith.constant 48 : index
    %get3A_903 = tpu.vector_load %arg5[%get3A_900, %get3A_901, %get3A_902] {strides = array<i32>} : memref<3x224x128xf32, #tpu.memory_space<vmem>>, vector<1x1x16xf32>,
    %get3A_904 = vector.shape_cast %get3A_903 : vector<1x1x16xf32> to vector<16xf32>
    %mul3A_905 = vector.broadcast %select_n3A_775 : f32 to vector<16xf32>
    %mul3A_906 = arith.mulf %get3A_904, %mul3A_905 : vector<16xf32>
    %add3A_907 = arith.addf %get3A_897, %mul3A_906 : vector<16xf32>
    %get3A_908 = arith.constant 1 : i32
    %get3A_909 = arith.constant 1 : i32
    %get3A_910 = arith.index_cast %get3A_908 : i32 to index
    %get3A_911 = arith.index_cast %get3A_909 : i32 to index
    %get3A_912 = arith.constant 48 : index
    %get3A_913 = tpu.vector_load %arg5[%get3A_910, %get3A_911, %get3A_912] {strides = array<i32>} : memref<3x224x128xf32, #tpu.memory_space<vmem>>, vector<1x1x16xf32>,
    %get3A_914 = vector.shape_cast %get3A_913 : vector<1x1x16xf32> to vector<16xf32>
    %add3A_915 = arith.addf %add3A_907, %get3A_914 : vector<16xf32>
    %get3A_916 = arith.constant 0 : i32
    %get3A_917 = arith.index_cast %get3A_916 : i32 to index
    %get3A_918 = arith.constant 48 : index
    %get3A_919 = tpu.vector_load %arg6[%get3A_917, %get3A_918] {strides = array<i32>} : memref<224x128xf32, #tpu.memory_space<vmem>>, vector<1x16xf32>,
    %get3A_920 = vector.shape_cast %get3A_919 : vector<1x16xf32> to vector<16xf32>
    %mul3A_921 = vector.broadcast %select_n3A_785 : f32 to vector<16xf32>
    %mul3A_922 = arith.mulf %add3A_915, %mul3A_921 : vector<16xf32>
    %sub3A_923 = arith.subf %get3A_920, %mul3A_922 : vector<16xf32>
    %mul3A_924 = arith.mulf %sub3A_923, %sub3A_923 : vector<16xf32>
    %add3A_925 = arith.addf %add3A_890, %mul3A_924 : vector<16xf32>
    %get3A_926 = arith.constant 0 : i32
    %get3A_927 = arith.constant 0 : i32
    %get3A_928 = arith.index_cast %get3A_926 : i32 to index
    %get3A_929 = arith.index_cast %get3A_927 : i32 to index
    %get3A_930 = arith.constant 64 : index
    %get3A_931 = tpu.vector_load %arg5[%get3A_928, %get3A_929, %get3A_930] {strides = array<i32>} : memref<3x224x128xf32, #tpu.memory_space<vmem>>, vector<1x1x16xf32>,
    %get3A_932 = vector.shape_cast %get3A_931 : vector<1x1x16xf32> to vector<16xf32>
    %get3A_933 = arith.constant 2 : i32
    %get3A_934 = arith.constant 0 : i32
    %get3A_935 = arith.index_cast %get3A_933 : i32 to index
    %get3A_936 = arith.index_cast %get3A_934 : i32 to index
    %get3A_937 = arith.constant 64 : index
    %get3A_938 = tpu.vector_load %arg5[%get3A_935, %get3A_936, %get3A_937] {strides = array<i32>} : memref<3x224x128xf32, #tpu.memory_space<vmem>>, vector<1x1x16xf32>,
    %get3A_939 = vector.shape_cast %get3A_938 : vector<1x1x16xf32> to vector<16xf32>
    %mul3A_940 = vector.broadcast %select_n3A_775 : f32 to vector<16xf32>
    %mul3A_941 = arith.mulf %get3A_939, %mul3A_940 : vector<16xf32>
    %add3A_942 = arith.addf %get3A_932, %mul3A_941 : vector<16xf32>
    %get3A_943 = arith.constant 1 : i32
    %get3A_944 = arith.constant 1 : i32
    %get3A_945 = arith.index_cast %get3A_943 : i32 to index
    %get3A_946 = arith.index_cast %get3A_944 : i32 to index
    %get3A_947 = arith.constant 64 : index
    %get3A_948 = tpu.vector_load %arg5[%get3A_945, %get3A_946, %get3A_947] {strides = array<i32>} : memref<3x224x128xf32, #tpu.memory_space<vmem>>, vector<1x1x16xf32>,
    %get3A_949 = vector.shape_cast %get3A_948 : vector<1x1x16xf32> to vector<16xf32>
    %add3A_950 = arith.addf %add3A_942, %get3A_949 : vector<16xf32>
    %get3A_951 = arith.constant 0 : i32
    %get3A_952 = arith.index_cast %get3A_951 : i32 to index
    %get3A_953 = arith.constant 64 : index
    %get3A_954 = tpu.vector_load %arg6[%get3A_952, %get3A_953] {strides = array<i32>} : memref<224x128xf32, #tpu.memory_space<vmem>>, vector<1x16xf32>,
    %get3A_955 = vector.shape_cast %get3A_954 : vector<1x16xf32> to vector<16xf32>
    %mul3A_956 = vector.broadcast %select_n3A_785 : f32 to vector<16xf32>
    %mul3A_957 = arith.mulf %add3A_950, %mul3A_956 : vector<16xf32>
    %sub3A_958 = arith.subf %get3A_955, %mul3A_957 : vector<16xf32>
    %mul3A_959 = arith.mulf %sub3A_958, %sub3A_958 : vector<16xf32>
    %add3A_960 = arith.addf %add3A_925, %mul3A_959 : vector<16xf32>
    %get3A_961 = arith.constant 0 : i32
    %get3A_962 = arith.constant 0 : i32
    %get3A_963 = arith.index_cast %get3A_961 : i32 to index
    %get3A_964 = arith.index_cast %get3A_962 : i32 to index
    %get3A_965 = arith.constant 80 : index
    %get3A_966 = tpu.vector_load %arg5[%get3A_963, %get3A_964, %get3A_965] {strides = array<i32>} : memref<3x224x128xf32, #tpu.memory_space<vmem>>, vector<1x1x16xf32>,
    %get3A_967 = vector.shape_cast %get3A_966 : vector<1x1x16xf32> to vector<16xf32>
    %get3A_968 = arith.constant 2 : i32
    %get3A_969 = arith.constant 0 : i32
    %get3A_970 = arith.index_cast %get3A_968 : i32 to index
    %get3A_971 = arith.index_cast %get3A_969 : i32 to index
    %get3A_972 = arith.constant 80 : index
    %get3A_973 = tpu.vector_load %arg5[%get3A_970, %get3A_971, %get3A_972] {strides = array<i32>} : memref<3x224x128xf32, #tpu.memory_space<vmem>>, vector<1x1x16xf32>,
    %get3A_974 = vector.shape_cast %get3A_973 : vector<1x1x16xf32> to vector<16xf32>
    %mul3A_975 = vector.broadcast %select_n3A_775 : f32 to vector<16xf32>
    %mul3A_976 = arith.mulf %get3A_974, %mul3A_975 : vector<16xf32>
    %add3A_977 = arith.addf %get3A_967, %mul3A_976 : vector<16xf32>
    %get3A_978 = arith.constant 1 : i32
    %get3A_979 = arith.constant 1 : i32
    %get3A_980 = arith.index_cast %get3A_978 : i32 to index
    %get3A_981 = arith.index_cast %get3A_979 : i32 to index
    %get3A_982 = arith.constant 80 : index
    %get3A_983 = tpu.vector_load %arg5[%get3A_980, %get3A_981, %get3A_982] {strides = array<i32>} : memref<3x224x128xf32, #tpu.memory_space<vmem>>, vector<1x1x16xf32>,
    %get3A_984 = vector.shape_cast %get3A_983 : vector<1x1x16xf32> to vector<16xf32>
    %add3A_985 = arith.addf %add3A_977, %get3A_984 : vector<16xf32>
    %get3A_986 = arith.constant 0 : i32
    %get3A_987 = arith.index_cast %get3A_986 : i32 to index
    %get3A_988 = arith.constant 80 : index
    %get3A_989 = tpu.vector_load %arg6[%get3A_987, %get3A_988] {strides = array<i32>} : memref<224x128xf32, #tpu.memory_space<vmem>>, vector<1x16xf32>,
    %get3A_990 = vector.shape_cast %get3A_989 : vector<1x16xf32> to vector<16xf32>
    %mul3A_991 = vector.broadcast %select_n3A_785 : f32 to vector<16xf32>
    %mul3A_992 = arith.mulf %add3A_985, %mul3A_991 : vector<16xf32>
    %sub3A_993 = arith.subf %get3A_990, %mul3A_992 : vector<16xf32>
    %mul3A_994 = arith.mulf %sub3A_993, %sub3A_993 : vector<16xf32>
    %add3A_995 = arith.addf %add3A_960, %mul3A_994 : vector<16xf32>
    %get3A_996 = arith.constant 0 : i32
    %get3A_997 = arith.constant 0 : i32
    %get3A_998 = arith.index_cast %get3A_996 : i32 to index
    %get3A_999 = arith.index_cast %get3A_997 : i32 to index
    %get3A_1000 = arith.constant 96 : index
    %get3A_1001 = tpu.vector_load %arg5[%get3A_998, %get3A_999, %get3A_1000] {strides = array<i32>} : memref<3x224x128xf32, #tpu.memory_space<vmem>>, vector<1x1x16xf32>,
    %get3A_1002 = vector.shape_cast %get3A_1001 : vector<1x1x16xf32> to vector<16xf32>
    %get3A_1003 = arith.constant 2 : i32
    %get3A_1004 = arith.constant 0 : i32
    %get3A_1005 = arith.index_cast %get3A_1003 : i32 to index
    %get3A_1006 = arith.index_cast %get3A_1004 : i32 to index
    %get3A_1007 = arith.constant 96 : index
    %get3A_1008 = tpu.vector_load %arg5[%get3A_1005, %get3A_1006, %get3A_1007] {strides = array<i32>} : memref<3x224x128xf32, #tpu.memory_space<vmem>>, vector<1x1x16xf32>,
    %get3A_1009 = vector.shape_cast %get3A_1008 : vector<1x1x16xf32> to vector<16xf32>
    %mul3A_1010 = vector.broadcast %select_n3A_775 : f32 to vector<16xf32>
    %mul3A_1011 = arith.mulf %get3A_1009, %mul3A_1010 : vector<16xf32>
    %add3A_1012 = arith.addf %get3A_1002, %mul3A_1011 : vector<16xf32>
    %get3A_1013 = arith.constant 1 : i32
    %get3A_1014 = arith.constant 1 : i32
    %get3A_1015 = arith.index_cast %get3A_1013 : i32 to index
    %get3A_1016 = arith.index_cast %get3A_1014 : i32 to index
    %get3A_1017 = arith.constant 96 : index
    %get3A_1018 = tpu.vector_load %arg5[%get3A_1015, %get3A_1016, %get3A_1017] {strides = array<i32>} : memref<3x224x128xf32, #tpu.memory_space<vmem>>, vector<1x1x16xf32>,
    %get3A_1019 = vector.shape_cast %get3A_1018 : vector<1x1x16xf32> to vector<16xf32>
    %add3A_1020 = arith.addf %add3A_1012, %get3A_1019 : vector<16xf32>
    %get3A_1021 = arith.constant 0 : i32
    %get3A_1022 = arith.index_cast %get3A_1021 : i32 to index
    %get3A_1023 = arith.constant 96 : index
    %get3A_1024 = tpu.vector_load %arg6[%get3A_1022, %get3A_1023] {strides = array<i32>} : memref<224x128xf32, #tpu.memory_space<vmem>>, vector<1x16xf32>,
    %get3A_1025 = vector.shape_cast %get3A_1024 : vector<1x16xf32> to vector<16xf32>
    %mul3A_1026 = vector.broadcast %select_n3A_785 : f32 to vector<16xf32>
    %mul3A_1027 = arith.mulf %add3A_1020, %mul3A_1026 : vector<16xf32>
    %sub3A_1028 = arith.subf %get3A_1025, %mul3A_1027 : vector<16xf32>
    %mul3A_1029 = arith.mulf %sub3A_1028, %sub3A_1028 : vector<16xf32>
    %add3A_1030 = arith.addf %add3A_995, %mul3A_1029 : vector<16xf32>
    %get3A_1031 = arith.constant 0 : i32
    %get3A_1032 = arith.constant 0 : i32
    %get3A_1033 = arith.index_cast %get3A_1031 : i32 to index
    %get3A_1034 = arith.index_cast %get3A_1032 : i32 to index
    %get3A_1035 = arith.constant 112 : index
    %get3A_1036 = tpu.vector_load %arg5[%get3A_1033, %get3A_1034, %get3A_1035] {strides = array<i32>} : memref<3x224x128xf32, #tpu.memory_space<vmem>>, vector<1x1x16xf32>,
    %get3A_1037 = vector.shape_cast %get3A_1036 : vector<1x1x16xf32> to vector<16xf32>
    %get3A_1038 = arith.constant 2 : i32
    %get3A_1039 = arith.constant 0 : i32
    %get3A_1040 = arith.index_cast %get3A_1038 : i32 to index
    %get3A_1041 = arith.index_cast %get3A_1039 : i32 to index
    %get3A_1042 = arith.constant 112 : index
    %get3A_1043 = tpu.vector_load %arg5[%get3A_1040, %get3A_1041, %get3A_1042] {strides = array<i32>} : memref<3x224x128xf32, #tpu.memory_space<vmem>>, vector<1x1x16xf32>,
    %get3A_1044 = vector.shape_cast %get3A_1043 : vector<1x1x16xf32> to vector<16xf32>
    %mul3A_1045 = vector.broadcast %select_n3A_775 : f32 to vector<16xf32>
    %mul3A_1046 = arith.mulf %get3A_1044, %mul3A_1045 : vector<16xf32>
    %add3A_1047 = arith.addf %get3A_1037, %mul3A_1046 : vector<16xf32>
    %get3A_1048 = arith.constant 1 : i32
    %get3A_1049 = arith.constant 1 : i32
    %get3A_1050 = arith.index_cast %get3A_1048 : i32 to index
    %get3A_1051 = arith.index_cast %get3A_1049 : i32 to index
    %get3A_1052 = arith.constant 112 : index
    %get3A_1053 = tpu.vector_load %arg5[%get3A_1050, %get3A_1051, %get3A_1052] {strides = array<i32>} : memref<3x224x128xf32, #tpu.memory_space<vmem>>, vector<1x1x16xf32>,
    %get3A_1054 = vector.shape_cast %get3A_1053 : vector<1x1x16xf32> to vector<16xf32>
    %add3A_1055 = arith.addf %add3A_1047, %get3A_1054 : vector<16xf32>
    %get3A_1056 = arith.constant 0 : i32
    %get3A_1057 = arith.index_cast %get3A_1056 : i32 to index
    %get3A_1058 = arith.constant 112 : index
    %get3A_1059 = tpu.vector_load %arg6[%get3A_1057, %get3A_1058] {strides = array<i32>} : memref<224x128xf32, #tpu.memory_space<vmem>>, vector<1x16xf32>,
    %get3A_1060 = vector.shape_cast %get3A_1059 : vector<1x16xf32> to vector<16xf32>
    %mul3A_1061 = vector.broadcast %select_n3A_785 : f32 to vector<16xf32>
    %mul3A_1062 = arith.mulf %add3A_1055, %mul3A_1061 : vector<16xf32>
    %sub3A_1063 = arith.subf %get3A_1060, %mul3A_1062 : vector<16xf32>
    %mul3A_1064 = arith.mulf %sub3A_1063, %sub3A_1063 : vector<16xf32>
    %add3A_1065 = arith.addf %add3A_1030, %mul3A_1064 : vector<16xf32>
    %scan3A_1066 = arith.constant 1 : i32
    %scan3A_1067 = arith.constant 222 : i32
    %scan3A_1068 = arith.addi %scan3A_1066, %scan3A_1067 : i32
    %scan3A_1069 = arith.constant 1 : i32
    %scan3A_1070 = scf.for %scan3A_1355 = %scan3A_1066 to %scan3A_1068 step %scan3A_1069 iter_args(%scan3A_1356 = %add3A_1065) -> (vector<16xf32>)  : i32 {
      %get3A_1357 = arith.constant 0 : i32
      %get3A_1358 = arith.index_cast %get3A_1357 : i32 to index
      %get3A_1359 = arith.index_cast %scan3A_1355 : i32 to index
      %get3A_1360 = arith.constant 0 : index
      %get3A_1361 = tpu.vector_load %arg5[%get3A_1358, %get3A_1359, %get3A_1360] {strides = array<i32>} : memref<3x224x128xf32, #tpu.memory_space<vmem>>, vector<1x1x16xf32>,
      %get3A_1362 = vector.shape_cast %get3A_1361 : vector<1x1x16xf32> to vector<16xf32>
      %get3A_1363 = arith.constant 2 : i32
      %get3A_1364 = arith.index_cast %get3A_1363 : i32 to index
      %get3A_1365 = arith.index_cast %scan3A_1355 : i32 to index
      %get3A_1366 = arith.constant 0 : index
      %get3A_1367 = tpu.vector_load %arg5[%get3A_1364, %get3A_1365, %get3A_1366] {strides = array<i32>} : memref<3x224x128xf32, #tpu.memory_space<vmem>>, vector<1x1x16xf32>,
      %get3A_1368 = vector.shape_cast %get3A_1367 : vector<1x1x16xf32> to vector<16xf32>
      %mul3A_1369 = vector.broadcast %select_n3A_775 : f32 to vector<16xf32>
      %mul3A_1370 = arith.mulf %get3A_1368, %mul3A_1369 : vector<16xf32>
      %add3A_1371 = arith.addf %get3A_1362, %mul3A_1370 : vector<16xf32>
      %sub3A_1372 = arith.constant 1 : i32
      %sub3A_1373 = arith.subi %scan3A_1355, %sub3A_1372 : i32
      %get3A_1374 = arith.constant 1 : i32
      %get3A_1375 = arith.index_cast %get3A_1374 : i32 to index
      %get3A_1376 = arith.index_cast %sub3A_1373 : i32 to index
      %get3A_1377 = arith.constant 0 : index
      %get3A_1378 = tpu.vector_load %arg5[%get3A_1375, %get3A_1376, %get3A_1377] {strides = array<i32>} : memref<3x224x128xf32, #tpu.memory_space<vmem>>, vector<1x1x16xf32>,
      %get3A_1379 = vector.shape_cast %get3A_1378 : vector<1x1x16xf32> to vector<16xf32>
      %add3A_1380 = arith.addf %add3A_1371, %get3A_1379 : vector<16xf32>
      %add3A_1381 = arith.constant 1 : i32
      %add3A_1382 = arith.addi %scan3A_1355, %add3A_1381 : i32
      %get3A_1383 = arith.constant 1 : i32
      %get3A_1384 = arith.index_cast %get3A_1383 : i32 to index
      %get3A_1385 = arith.index_cast %add3A_1382 : i32 to index
      %get3A_1386 = arith.constant 0 : index
      %get3A_1387 = tpu.vector_load %arg5[%get3A_1384, %get3A_1385, %get3A_1386] {strides = array<i32>} : memref<3x224x128xf32, #tpu.memory_space<vmem>>, vector<1x1x16xf32>,
      %get3A_1388 = vector.shape_cast %get3A_1387 : vector<1x1x16xf32> to vector<16xf32>
      %add3A_1389 = arith.addf %add3A_1380, %get3A_1388 : vector<16xf32>
      %get3A_1390 = arith.index_cast %scan3A_1355 : i32 to index
      %get3A_1391 = arith.constant 0 : index
      %get3A_1392 = tpu.vector_load %arg6[%get3A_1390, %get3A_1391] {strides = array<i32>} : memref<224x128xf32, #tpu.memory_space<vmem>>, vector<1x16xf32>,
      %get3A_1393 = vector.shape_cast %get3A_1392 : vector<1x16xf32> to vector<16xf32>
      %mul3A_1394 = vector.broadcast %select_n3A_780 : f32 to vector<16xf32>
      %mul3A_1395 = arith.mulf %add3A_1389, %mul3A_1394 : vector<16xf32>
      %sub3A_1396 = arith.subf %get3A_1393, %mul3A_1395 : vector<16xf32>
      %mul3A_1397 = arith.mulf %sub3A_1396, %sub3A_1396 : vector<16xf32>
      %add3A_1398 = arith.addf %scan3A_1356, %mul3A_1397 : vector<16xf32>
      %get3A_1399 = arith.constant 0 : i32
      %get3A_1400 = arith.index_cast %get3A_1399 : i32 to index
      %get3A_1401 = arith.index_cast %scan3A_1355 : i32 to index
      %get3A_1402 = arith.constant 16 : index
      %get3A_1403 = tpu.vector_load %arg5[%get3A_1400, %get3A_1401, %get3A_1402] {strides = array<i32>} : memref<3x224x128xf32, #tpu.memory_space<vmem>>, vector<1x1x16xf32>,
      %get3A_1404 = vector.shape_cast %get3A_1403 : vector<1x1x16xf32> to vector<16xf32>
      %get3A_1405 = arith.constant 2 : i32
      %get3A_1406 = arith.index_cast %get3A_1405 : i32 to index
      %get3A_1407 = arith.index_cast %scan3A_1355 : i32 to index
      %get3A_1408 = arith.constant 16 : index
      %get3A_1409 = tpu.vector_load %arg5[%get3A_1406, %get3A_1407, %get3A_1408] {strides = array<i32>} : memref<3x224x128xf32, #tpu.memory_space<vmem>>, vector<1x1x16xf32>,
      %get3A_1410 = vector.shape_cast %get3A_1409 : vector<1x1x16xf32> to vector<16xf32>
      %mul3A_1411 = vector.broadcast %select_n3A_775 : f32 to vector<16xf32>
      %mul3A_1412 = arith.mulf %get3A_1410, %mul3A_1411 : vector<16xf32>
      %add3A_1413 = arith.addf %get3A_1404, %mul3A_1412 : vector<16xf32>
      %sub3A_1414 = arith.constant 1 : i32
      %sub3A_1415 = arith.subi %scan3A_1355, %sub3A_1414 : i32
      %get3A_1416 = arith.constant 1 : i32
      %get3A_1417 = arith.index_cast %get3A_1416 : i32 to index
      %get3A_1418 = arith.index_cast %sub3A_1415 : i32 to index
      %get3A_1419 = arith.constant 16 : index
      %get3A_1420 = tpu.vector_load %arg5[%get3A_1417, %get3A_1418, %get3A_1419] {strides = array<i32>} : memref<3x224x128xf32, #tpu.memory_space<vmem>>, vector<1x1x16xf32>,
      %get3A_1421 = vector.shape_cast %get3A_1420 : vector<1x1x16xf32> to vector<16xf32>
      %add3A_1422 = arith.addf %add3A_1413, %get3A_1421 : vector<16xf32>
      %add3A_1423 = arith.constant 1 : i32
      %add3A_1424 = arith.addi %scan3A_1355, %add3A_1423 : i32
      %get3A_1425 = arith.constant 1 : i32
      %get3A_1426 = arith.index_cast %get3A_1425 : i32 to index
      %get3A_1427 = arith.index_cast %add3A_1424 : i32 to index
      %get3A_1428 = arith.constant 16 : index
      %get3A_1429 = tpu.vector_load %arg5[%get3A_1426, %get3A_1427, %get3A_1428] {strides = array<i32>} : memref<3x224x128xf32, #tpu.memory_space<vmem>>, vector<1x1x16xf32>,
      %get3A_1430 = vector.shape_cast %get3A_1429 : vector<1x1x16xf32> to vector<16xf32>
      %add3A_1431 = arith.addf %add3A_1422, %get3A_1430 : vector<16xf32>
      %get3A_1432 = arith.index_cast %scan3A_1355 : i32 to index
      %get3A_1433 = arith.constant 16 : index
      %get3A_1434 = tpu.vector_load %arg6[%get3A_1432, %get3A_1433] {strides = array<i32>} : memref<224x128xf32, #tpu.memory_space<vmem>>, vector<1x16xf32>,
      %get3A_1435 = vector.shape_cast %get3A_1434 : vector<1x16xf32> to vector<16xf32>
      %mul3A_1436 = vector.broadcast %select_n3A_780 : f32 to vector<16xf32>
      %mul3A_1437 = arith.mulf %add3A_1431, %mul3A_1436 : vector<16xf32>
      %sub3A_1438 = arith.subf %get3A_1435, %mul3A_1437 : vector<16xf32>
      %mul3A_1439 = arith.mulf %sub3A_1438, %sub3A_1438 : vector<16xf32>
      %add3A_1440 = arith.addf %add3A_1398, %mul3A_1439 : vector<16xf32>
      %get3A_1441 = arith.constant 0 : i32
      %get3A_1442 = arith.index_cast %get3A_1441 : i32 to index
      %get3A_1443 = arith.index_cast %scan3A_1355 : i32 to index
      %get3A_1444 = arith.constant 32 : index
      %get3A_1445 = tpu.vector_load %arg5[%get3A_1442, %get3A_1443, %get3A_1444] {strides = array<i32>} : memref<3x224x128xf32, #tpu.memory_space<vmem>>, vector<1x1x16xf32>,
      %get3A_1446 = vector.shape_cast %get3A_1445 : vector<1x1x16xf32> to vector<16xf32>
      %get3A_1447 = arith.constant 2 : i32
      %get3A_1448 = arith.index_cast %get3A_1447 : i32 to index
      %get3A_1449 = arith.index_cast %scan3A_1355 : i32 to index
      %get3A_1450 = arith.constant 32 : index
      %get3A_1451 = tpu.vector_load %arg5[%get3A_1448, %get3A_1449, %get3A_1450] {strides = array<i32>} : memref<3x224x128xf32, #tpu.memory_space<vmem>>, vector<1x1x16xf32>,
      %get3A_1452 = vector.shape_cast %get3A_1451 : vector<1x1x16xf32> to vector<16xf32>
      %mul3A_1453 = vector.broadcast %select_n3A_775 : f32 to vector<16xf32>
      %mul3A_1454 = arith.mulf %get3A_1452, %mul3A_1453 : vector<16xf32>
      %add3A_1455 = arith.addf %get3A_1446, %mul3A_1454 : vector<16xf32>
      %sub3A_1456 = arith.constant 1 : i32
      %sub3A_1457 = arith.subi %scan3A_1355, %sub3A_1456 : i32
      %get3A_1458 = arith.constant 1 : i32
      %get3A_1459 = arith.index_cast %get3A_1458 : i32 to index
      %get3A_1460 = arith.index_cast %sub3A_1457 : i32 to index
      %get3A_1461 = arith.constant 32 : index
      %get3A_1462 = tpu.vector_load %arg5[%get3A_1459, %get3A_1460, %get3A_1461] {strides = array<i32>} : memref<3x224x128xf32, #tpu.memory_space<vmem>>, vector<1x1x16xf32>,
      %get3A_1463 = vector.shape_cast %get3A_1462 : vector<1x1x16xf32> to vector<16xf32>
      %add3A_1464 = arith.addf %add3A_1455, %get3A_1463 : vector<16xf32>
      %add3A_1465 = arith.constant 1 : i32
      %add3A_1466 = arith.addi %scan3A_1355, %add3A_1465 : i32
      %get3A_1467 = arith.constant 1 : i32
      %get3A_1468 = arith.index_cast %get3A_1467 : i32 to index
      %get3A_1469 = arith.index_cast %add3A_1466 : i32 to index
      %get3A_1470 = arith.constant 32 : index
      %get3A_1471 = tpu.vector_load %arg5[%get3A_1468, %get3A_1469, %get3A_1470] {strides = array<i32>} : memref<3x224x128xf32, #tpu.memory_space<vmem>>, vector<1x1x16xf32>,
      %get3A_1472 = vector.shape_cast %get3A_1471 : vector<1x1x16xf32> to vector<16xf32>
      %add3A_1473 = arith.addf %add3A_1464, %get3A_1472 : vector<16xf32>
      %get3A_1474 = arith.index_cast %scan3A_1355 : i32 to index
      %get3A_1475 = arith.constant 32 : index
      %get3A_1476 = tpu.vector_load %arg6[%get3A_1474, %get3A_1475] {strides = array<i32>} : memref<224x128xf32, #tpu.memory_space<vmem>>, vector<1x16xf32>,
      %get3A_1477 = vector.shape_cast %get3A_1476 : vector<1x16xf32> to vector<16xf32>
      %mul3A_1478 = vector.broadcast %select_n3A_780 : f32 to vector<16xf32>
      %mul3A_1479 = arith.mulf %add3A_1473, %mul3A_1478 : vector<16xf32>
      %sub3A_1480 = arith.subf %get3A_1477, %mul3A_1479 : vector<16xf32>
      %mul3A_1481 = arith.mulf %sub3A_1480, %sub3A_1480 : vector<16xf32>
      %add3A_1482 = arith.addf %add3A_1440, %mul3A_1481 : vector<16xf32>
      %get3A_1483 = arith.constant 0 : i32
      %get3A_1484 = arith.index_cast %get3A_1483 : i32 to index
      %get3A_1485 = arith.index_cast %scan3A_1355 : i32 to index
      %get3A_1486 = arith.constant 48 : index
      %get3A_1487 = tpu.vector_load %arg5[%get3A_1484, %get3A_1485, %get3A_1486] {strides = array<i32>} : memref<3x224x128xf32, #tpu.memory_space<vmem>>, vector<1x1x16xf32>,
      %get3A_1488 = vector.shape_cast %get3A_1487 : vector<1x1x16xf32> to vector<16xf32>
      %get3A_1489 = arith.constant 2 : i32
      %get3A_1490 = arith.index_cast %get3A_1489 : i32 to index
      %get3A_1491 = arith.index_cast %scan3A_1355 : i32 to index
      %get3A_1492 = arith.constant 48 : index
      %get3A_1493 = tpu.vector_load %arg5[%get3A_1490, %get3A_1491, %get3A_1492] {strides = array<i32>} : memref<3x224x128xf32, #tpu.memory_space<vmem>>, vector<1x1x16xf32>,
      %get3A_1494 = vector.shape_cast %get3A_1493 : vector<1x1x16xf32> to vector<16xf32>
      %mul3A_1495 = vector.broadcast %select_n3A_775 : f32 to vector<16xf32>
      %mul3A_1496 = arith.mulf %get3A_1494, %mul3A_1495 : vector<16xf32>
      %add3A_1497 = arith.addf %get3A_1488, %mul3A_1496 : vector<16xf32>
      %sub3A_1498 = arith.constant 1 : i32
      %sub3A_1499 = arith.subi %scan3A_1355, %sub3A_1498 : i32
      %get3A_1500 = arith.constant 1 : i32
      %get3A_1501 = arith.index_cast %get3A_1500 : i32 to index
      %get3A_1502 = arith.index_cast %sub3A_1499 : i32 to index
      %get3A_1503 = arith.constant 48 : index
      %get3A_1504 = tpu.vector_load %arg5[%get3A_1501, %get3A_1502, %get3A_1503] {strides = array<i32>} : memref<3x224x128xf32, #tpu.memory_space<vmem>>, vector<1x1x16xf32>,
      %get3A_1505 = vector.shape_cast %get3A_1504 : vector<1x1x16xf32> to vector<16xf32>
      %add3A_1506 = arith.addf %add3A_1497, %get3A_1505 : vector<16xf32>
      %add3A_1507 = arith.constant 1 : i32
      %add3A_1508 = arith.addi %scan3A_1355, %add3A_1507 : i32
      %get3A_1509 = arith.constant 1 : i32
      %get3A_1510 = arith.index_cast %get3A_1509 : i32 to index
      %get3A_1511 = arith.index_cast %add3A_1508 : i32 to index
      %get3A_1512 = arith.constant 48 : index
      %get3A_1513 = tpu.vector_load %arg5[%get3A_1510, %get3A_1511, %get3A_1512] {strides = array<i32>} : memref<3x224x128xf32, #tpu.memory_space<vmem>>, vector<1x1x16xf32>,
      %get3A_1514 = vector.shape_cast %get3A_1513 : vector<1x1x16xf32> to vector<16xf32>
      %add3A_1515 = arith.addf %add3A_1506, %get3A_1514 : vector<16xf32>
      %get3A_1516 = arith.index_cast %scan3A_1355 : i32 to index
      %get3A_1517 = arith.constant 48 : index
      %get3A_1518 = tpu.vector_load %arg6[%get3A_1516, %get3A_1517] {strides = array<i32>} : memref<224x128xf32, #tpu.memory_space<vmem>>, vector<1x16xf32>,
      %get3A_1519 = vector.shape_cast %get3A_1518 : vector<1x16xf32> to vector<16xf32>
      %mul3A_1520 = vector.broadcast %select_n3A_780 : f32 to vector<16xf32>
      %mul3A_1521 = arith.mulf %add3A_1515, %mul3A_1520 : vector<16xf32>
      %sub3A_1522 = arith.subf %get3A_1519, %mul3A_1521 : vector<16xf32>
      %mul3A_1523 = arith.mulf %sub3A_1522, %sub3A_1522 : vector<16xf32>
      %add3A_1524 = arith.addf %add3A_1482, %mul3A_1523 : vector<16xf32>
      %get3A_1525 = arith.constant 0 : i32
      %get3A_1526 = arith.index_cast %get3A_1525 : i32 to index
      %get3A_1527 = arith.index_cast %scan3A_1355 : i32 to index
      %get3A_1528 = arith.constant 64 : index
      %get3A_1529 = tpu.vector_load %arg5[%get3A_1526, %get3A_1527, %get3A_1528] {strides = array<i32>} : memref<3x224x128xf32, #tpu.memory_space<vmem>>, vector<1x1x16xf32>,
      %get3A_1530 = vector.shape_cast %get3A_1529 : vector<1x1x16xf32> to vector<16xf32>
      %get3A_1531 = arith.constant 2 : i32
      %get3A_1532 = arith.index_cast %get3A_1531 : i32 to index
      %get3A_1533 = arith.index_cast %scan3A_1355 : i32 to index
      %get3A_1534 = arith.constant 64 : index
      %get3A_1535 = tpu.vector_load %arg5[%get3A_1532, %get3A_1533, %get3A_1534] {strides = array<i32>} : memref<3x224x128xf32, #tpu.memory_space<vmem>>, vector<1x1x16xf32>,
      %get3A_1536 = vector.shape_cast %get3A_1535 : vector<1x1x16xf32> to vector<16xf32>
      %mul3A_1537 = vector.broadcast %select_n3A_775 : f32 to vector<16xf32>
      %mul3A_1538 = arith.mulf %get3A_1536, %mul3A_1537 : vector<16xf32>
      %add3A_1539 = arith.addf %get3A_1530, %mul3A_1538 : vector<16xf32>
      %sub3A_1540 = arith.constant 1 : i32
      %sub3A_1541 = arith.subi %scan3A_1355, %sub3A_1540 : i32
      %get3A_1542 = arith.constant 1 : i32
      %get3A_1543 = arith.index_cast %get3A_1542 : i32 to index
      %get3A_1544 = arith.index_cast %sub3A_1541 : i32 to index
      %get3A_1545 = arith.constant 64 : index
      %get3A_1546 = tpu.vector_load %arg5[%get3A_1543, %get3A_1544, %get3A_1545] {strides = array<i32>} : memref<3x224x128xf32, #tpu.memory_space<vmem>>, vector<1x1x16xf32>,
      %get3A_1547 = vector.shape_cast %get3A_1546 : vector<1x1x16xf32> to vector<16xf32>
      %add3A_1548 = arith.addf %add3A_1539, %get3A_1547 : vector<16xf32>
      %add3A_1549 = arith.constant 1 : i32
      %add3A_1550 = arith.addi %scan3A_1355, %add3A_1549 : i32
      %get3A_1551 = arith.constant 1 : i32
      %get3A_1552 = arith.index_cast %get3A_1551 : i32 to index
      %get3A_1553 = arith.index_cast %add3A_1550 : i32 to index
      %get3A_1554 = arith.constant 64 : index
      %get3A_1555 = tpu.vector_load %arg5[%get3A_1552, %get3A_1553, %get3A_1554] {strides = array<i32>} : memref<3x224x128xf32, #tpu.memory_space<vmem>>, vector<1x1x16xf32>,
      %get3A_1556 = vector.shape_cast %get3A_1555 : vector<1x1x16xf32> to vector<16xf32>
      %add3A_1557 = arith.addf %add3A_1548, %get3A_1556 : vector<16xf32>
      %get3A_1558 = arith.index_cast %scan3A_1355 : i32 to index
      %get3A_1559 = arith.constant 64 : index
      %get3A_1560 = tpu.vector_load %arg6[%get3A_1558, %get3A_1559] {strides = array<i32>} : memref<224x128xf32, #tpu.memory_space<vmem>>, vector<1x16xf32>,
      %get3A_1561 = vector.shape_cast %get3A_1560 : vector<1x16xf32> to vector<16xf32>
      %mul3A_1562 = vector.broadcast %select_n3A_780 : f32 to vector<16xf32>
      %mul3A_1563 = arith.mulf %add3A_1557, %mul3A_1562 : vector<16xf32>
      %sub3A_1564 = arith.subf %get3A_1561, %mul3A_1563 : vector<16xf32>
      %mul3A_1565 = arith.mulf %sub3A_1564, %sub3A_1564 : vector<16xf32>
      %add3A_1566 = arith.addf %add3A_1524, %mul3A_1565 : vector<16xf32>
      %get3A_1567 = arith.constant 0 : i32
      %get3A_1568 = arith.index_cast %get3A_1567 : i32 to index
      %get3A_1569 = arith.index_cast %scan3A_1355 : i32 to index
      %get3A_1570 = arith.constant 80 : index
      %get3A_1571 = tpu.vector_load %arg5[%get3A_1568, %get3A_1569, %get3A_1570] {strides = array<i32>} : memref<3x224x128xf32, #tpu.memory_space<vmem>>, vector<1x1x16xf32>,
      %get3A_1572 = vector.shape_cast %get3A_1571 : vector<1x1x16xf32> to vector<16xf32>
      %get3A_1573 = arith.constant 2 : i32
      %get3A_1574 = arith.index_cast %get3A_1573 : i32 to index
      %get3A_1575 = arith.index_cast %scan3A_1355 : i32 to index
      %get3A_1576 = arith.constant 80 : index
      %get3A_1577 = tpu.vector_load %arg5[%get3A_1574, %get3A_1575, %get3A_1576] {strides = array<i32>} : memref<3x224x128xf32, #tpu.memory_space<vmem>>, vector<1x1x16xf32>,
      %get3A_1578 = vector.shape_cast %get3A_1577 : vector<1x1x16xf32> to vector<16xf32>
      %mul3A_1579 = vector.broadcast %select_n3A_775 : f32 to vector<16xf32>
      %mul3A_1580 = arith.mulf %get3A_1578, %mul3A_1579 : vector<16xf32>
      %add3A_1581 = arith.addf %get3A_1572, %mul3A_1580 : vector<16xf32>
      %sub3A_1582 = arith.constant 1 : i32
      %sub3A_1583 = arith.subi %scan3A_1355, %sub3A_1582 : i32
      %get3A_1584 = arith.constant 1 : i32
      %get3A_1585 = arith.index_cast %get3A_1584 : i32 to index
      %get3A_1586 = arith.index_cast %sub3A_1583 : i32 to index
      %get3A_1587 = arith.constant 80 : index
      %get3A_1588 = tpu.vector_load %arg5[%get3A_1585, %get3A_1586, %get3A_1587] {strides = array<i32>} : memref<3x224x128xf32, #tpu.memory_space<vmem>>, vector<1x1x16xf32>,
      %get3A_1589 = vector.shape_cast %get3A_1588 : vector<1x1x16xf32> to vector<16xf32>
      %add3A_1590 = arith.addf %add3A_1581, %get3A_1589 : vector<16xf32>
      %add3A_1591 = arith.constant 1 : i32
      %add3A_1592 = arith.addi %scan3A_1355, %add3A_1591 : i32
      %get3A_1593 = arith.constant 1 : i32
      %get3A_1594 = arith.index_cast %get3A_1593 : i32 to index
      %get3A_1595 = arith.index_cast %add3A_1592 : i32 to index
      %get3A_1596 = arith.constant 80 : index
      %get3A_1597 = tpu.vector_load %arg5[%get3A_1594, %get3A_1595, %get3A_1596] {strides = array<i32>} : memref<3x224x128xf32, #tpu.memory_space<vmem>>, vector<1x1x16xf32>,
      %get3A_1598 = vector.shape_cast %get3A_1597 : vector<1x1x16xf32> to vector<16xf32>
      %add3A_1599 = arith.addf %add3A_1590, %get3A_1598 : vector<16xf32>
      %get3A_1600 = arith.index_cast %scan3A_1355 : i32 to index
      %get3A_1601 = arith.constant 80 : index
      %get3A_1602 = tpu.vector_load %arg6[%get3A_1600, %get3A_1601] {strides = array<i32>} : memref<224x128xf32, #tpu.memory_space<vmem>>, vector<1x16xf32>,
      %get3A_1603 = vector.shape_cast %get3A_1602 : vector<1x16xf32> to vector<16xf32>
      %mul3A_1604 = vector.broadcast %select_n3A_780 : f32 to vector<16xf32>
      %mul3A_1605 = arith.mulf %add3A_1599, %mul3A_1604 : vector<16xf32>
      %sub3A_1606 = arith.subf %get3A_1603, %mul3A_1605 : vector<16xf32>
      %mul3A_1607 = arith.mulf %sub3A_1606, %sub3A_1606 : vector<16xf32>
      %add3A_1608 = arith.addf %add3A_1566, %mul3A_1607 : vector<16xf32>
      %get3A_1609 = arith.constant 0 : i32
      %get3A_1610 = arith.index_cast %get3A_1609 : i32 to index
      %get3A_1611 = arith.index_cast %scan3A_1355 : i32 to index
      %get3A_1612 = arith.constant 96 : index
      %get3A_1613 = tpu.vector_load %arg5[%get3A_1610, %get3A_1611, %get3A_1612] {strides = array<i32>} : memref<3x224x128xf32, #tpu.memory_space<vmem>>, vector<1x1x16xf32>,
      %get3A_1614 = vector.shape_cast %get3A_1613 : vector<1x1x16xf32> to vector<16xf32>
      %get3A_1615 = arith.constant 2 : i32
      %get3A_1616 = arith.index_cast %get3A_1615 : i32 to index
      %get3A_1617 = arith.index_cast %scan3A_1355 : i32 to index
      %get3A_1618 = arith.constant 96 : index
      %get3A_1619 = tpu.vector_load %arg5[%get3A_1616, %get3A_1617, %get3A_1618] {strides = array<i32>} : memref<3x224x128xf32, #tpu.memory_space<vmem>>, vector<1x1x16xf32>,
      %get3A_1620 = vector.shape_cast %get3A_1619 : vector<1x1x16xf32> to vector<16xf32>
      %mul3A_1621 = vector.broadcast %select_n3A_775 : f32 to vector<16xf32>
      %mul3A_1622 = arith.mulf %get3A_1620, %mul3A_1621 : vector<16xf32>
      %add3A_1623 = arith.addf %get3A_1614, %mul3A_1622 : vector<16xf32>
      %sub3A_1624 = arith.constant 1 : i32
      %sub3A_1625 = arith.subi %scan3A_1355, %sub3A_1624 : i32
      %get3A_1626 = arith.constant 1 : i32
      %get3A_1627 = arith.index_cast %get3A_1626 : i32 to index
      %get3A_1628 = arith.index_cast %sub3A_1625 : i32 to index
      %get3A_1629 = arith.constant 96 : index
      %get3A_1630 = tpu.vector_load %arg5[%get3A_1627, %get3A_1628, %get3A_1629] {strides = array<i32>} : memref<3x224x128xf32, #tpu.memory_space<vmem>>, vector<1x1x16xf32>,
      %get3A_1631 = vector.shape_cast %get3A_1630 : vector<1x1x16xf32> to vector<16xf32>
      %add3A_1632 = arith.addf %add3A_1623, %get3A_1631 : vector<16xf32>
      %add3A_1633 = arith.constant 1 : i32
      %add3A_1634 = arith.addi %scan3A_1355, %add3A_1633 : i32
      %get3A_1635 = arith.constant 1 : i32
      %get3A_1636 = arith.index_cast %get3A_1635 : i32 to index
      %get3A_1637 = arith.index_cast %add3A_1634 : i32 to index
      %get3A_1638 = arith.constant 96 : index
      %get3A_1639 = tpu.vector_load %arg5[%get3A_1636, %get3A_1637, %get3A_1638] {strides = array<i32>} : memref<3x224x128xf32, #tpu.memory_space<vmem>>, vector<1x1x16xf32>,
      %get3A_1640 = vector.shape_cast %get3A_1639 : vector<1x1x16xf32> to vector<16xf32>
      %add3A_1641 = arith.addf %add3A_1632, %get3A_1640 : vector<16xf32>
      %get3A_1642 = arith.index_cast %scan3A_1355 : i32 to index
      %get3A_1643 = arith.constant 96 : index
      %get3A_1644 = tpu.vector_load %arg6[%get3A_1642, %get3A_1643] {strides = array<i32>} : memref<224x128xf32, #tpu.memory_space<vmem>>, vector<1x16xf32>,
      %get3A_1645 = vector.shape_cast %get3A_1644 : vector<1x16xf32> to vector<16xf32>
      %mul3A_1646 = vector.broadcast %select_n3A_780 : f32 to vector<16xf32>
      %mul3A_1647 = arith.mulf %add3A_1641, %mul3A_1646 : vector<16xf32>
      %sub3A_1648 = arith.subf %get3A_1645, %mul3A_1647 : vector<16xf32>
      %mul3A_1649 = arith.mulf %sub3A_1648, %sub3A_1648 : vector<16xf32>
      %add3A_1650 = arith.addf %add3A_1608, %mul3A_1649 : vector<16xf32>
      %get3A_1651 = arith.constant 0 : i32
      %get3A_1652 = arith.index_cast %get3A_1651 : i32 to index
      %get3A_1653 = arith.index_cast %scan3A_1355 : i32 to index
      %get3A_1654 = arith.constant 112 : index
      %get3A_1655 = tpu.vector_load %arg5[%get3A_1652, %get3A_1653, %get3A_1654] {strides = array<i32>} : memref<3x224x128xf32, #tpu.memory_space<vmem>>, vector<1x1x16xf32>,
      %get3A_1656 = vector.shape_cast %get3A_1655 : vector<1x1x16xf32> to vector<16xf32>
      %get3A_1657 = arith.constant 2 : i32
      %get3A_1658 = arith.index_cast %get3A_1657 : i32 to index
      %get3A_1659 = arith.index_cast %scan3A_1355 : i32 to index
      %get3A_1660 = arith.constant 112 : index
      %get3A_1661 = tpu.vector_load %arg5[%get3A_1658, %get3A_1659, %get3A_1660] {strides = array<i32>} : memref<3x224x128xf32, #tpu.memory_space<vmem>>, vector<1x1x16xf32>,
      %get3A_1662 = vector.shape_cast %get3A_1661 : vector<1x1x16xf32> to vector<16xf32>
      %mul3A_1663 = vector.broadcast %select_n3A_775 : f32 to vector<16xf32>
      %mul3A_1664 = arith.mulf %get3A_1662, %mul3A_1663 : vector<16xf32>
      %add3A_1665 = arith.addf %get3A_1656, %mul3A_1664 : vector<16xf32>
      %sub3A_1666 = arith.constant 1 : i32
      %sub3A_1667 = arith.subi %scan3A_1355, %sub3A_1666 : i32
      %get3A_1668 = arith.constant 1 : i32
      %get3A_1669 = arith.index_cast %get3A_1668 : i32 to index
      %get3A_1670 = arith.index_cast %sub3A_1667 : i32 to index
      %get3A_1671 = arith.constant 112 : index
      %get3A_1672 = tpu.vector_load %arg5[%get3A_1669, %get3A_1670, %get3A_1671] {strides = array<i32>} : memref<3x224x128xf32, #tpu.memory_space<vmem>>, vector<1x1x16xf32>,
      %get3A_1673 = vector.shape_cast %get3A_1672 : vector<1x1x16xf32> to vector<16xf32>
      %add3A_1674 = arith.addf %add3A_1665, %get3A_1673 : vector<16xf32>
      %add3A_1675 = arith.constant 1 : i32
      %add3A_1676 = arith.addi %scan3A_1355, %add3A_1675 : i32
      %get3A_1677 = arith.constant 1 : i32
      %get3A_1678 = arith.index_cast %get3A_1677 : i32 to index
      %get3A_1679 = arith.index_cast %add3A_1676 : i32 to index
      %get3A_1680 = arith.constant 112 : index
      %get3A_1681 = tpu.vector_load %arg5[%get3A_1678, %get3A_1679, %get3A_1680] {strides = array<i32>} : memref<3x224x128xf32, #tpu.memory_space<vmem>>, vector<1x1x16xf32>,
      %get3A_1682 = vector.shape_cast %get3A_1681 : vector<1x1x16xf32> to vector<16xf32>
      %add3A_1683 = arith.addf %add3A_1674, %get3A_1682 : vector<16xf32>
      %get3A_1684 = arith.index_cast %scan3A_1355 : i32 to index
      %get3A_1685 = arith.constant 112 : index
      %get3A_1686 = tpu.vector_load %arg6[%get3A_1684, %get3A_1685] {strides = array<i32>} : memref<224x128xf32, #tpu.memory_space<vmem>>, vector<1x16xf32>,
      %get3A_1687 = vector.shape_cast %get3A_1686 : vector<1x16xf32> to vector<16xf32>
      %mul3A_1688 = vector.broadcast %select_n3A_780 : f32 to vector<16xf32>
      %mul3A_1689 = arith.mulf %add3A_1683, %mul3A_1688 : vector<16xf32>
      %sub3A_1690 = arith.subf %get3A_1687, %mul3A_1689 : vector<16xf32>
      %mul3A_1691 = arith.mulf %sub3A_1690, %sub3A_1690 : vector<16xf32>
      %add3A_1692 = arith.addf %add3A_1650, %mul3A_1691 : vector<16xf32>
      scf.yield %add3A_1692 : vector<16xf32>
    }
    %scan3A_1071 = arith.constant 222 : i32
    %get3A_1072 = arith.constant 0 : i32
    %get3A_1073 = arith.constant 223 : i32
    %get3A_1074 = arith.index_cast %get3A_1072 : i32 to index
    %get3A_1075 = arith.index_cast %get3A_1073 : i32 to index
    %get3A_1076 = arith.constant 0 : index
    %get3A_1077 = tpu.vector_load %arg5[%get3A_1074, %get3A_1075, %get3A_1076] {strides = array<i32>} : memref<3x224x128xf32, #tpu.memory_space<vmem>>, vector<1x1x16xf32>,
    %get3A_1078 = vector.shape_cast %get3A_1077 : vector<1x1x16xf32> to vector<16xf32>
    %get3A_1079 = arith.constant 2 : i32
    %get3A_1080 = arith.constant 223 : i32
    %get3A_1081 = arith.index_cast %get3A_1079 : i32 to index
    %get3A_1082 = arith.index_cast %get3A_1080 : i32 to index
    %get3A_1083 = arith.constant 0 : index
    %get3A_1084 = tpu.vector_load %arg5[%get3A_1081, %get3A_1082, %get3A_1083] {strides = array<i32>} : memref<3x224x128xf32, #tpu.memory_space<vmem>>, vector<1x1x16xf32>,
    %get3A_1085 = vector.shape_cast %get3A_1084 : vector<1x1x16xf32> to vector<16xf32>
    %mul3A_1086 = vector.broadcast %select_n3A_775 : f32 to vector<16xf32>
    %mul3A_1087 = arith.mulf %get3A_1085, %mul3A_1086 : vector<16xf32>
    %add3A_1088 = arith.addf %get3A_1078, %mul3A_1087 : vector<16xf32>
    %get3A_1089 = arith.constant 1 : i32
    %get3A_1090 = arith.constant 222 : i32
    %get3A_1091 = arith.index_cast %get3A_1089 : i32 to index
    %get3A_1092 = arith.index_cast %get3A_1090 : i32 to index
    %get3A_1093 = arith.constant 0 : index
    %get3A_1094 = tpu.vector_load %arg5[%get3A_1091, %get3A_1092, %get3A_1093] {strides = array<i32>} : memref<3x224x128xf32, #tpu.memory_space<vmem>>, vector<1x1x16xf32>,
    %get3A_1095 = vector.shape_cast %get3A_1094 : vector<1x1x16xf32> to vector<16xf32>
    %add3A_1096 = arith.addf %add3A_1088, %get3A_1095 : vector<16xf32>
    %get3A_1097 = arith.constant 223 : i32
    %get3A_1098 = arith.index_cast %get3A_1097 : i32 to index
    %get3A_1099 = arith.constant 0 : index
    %get3A_1100 = tpu.vector_load %arg6[%get3A_1098, %get3A_1099] {strides = array<i32>} : memref<224x128xf32, #tpu.memory_space<vmem>>, vector<1x16xf32>,
    %get3A_1101 = vector.shape_cast %get3A_1100 : vector<1x16xf32> to vector<16xf32>
    %mul3A_1102 = vector.broadcast %select_n3A_785 : f32 to vector<16xf32>
    %mul3A_1103 = arith.mulf %add3A_1096, %mul3A_1102 : vector<16xf32>
    %sub3A_1104 = arith.subf %get3A_1101, %mul3A_1103 : vector<16xf32>
    %mul3A_1105 = arith.mulf %sub3A_1104, %sub3A_1104 : vector<16xf32>
    %add3A_1106 = arith.addf %scan3A_1070, %mul3A_1105 : vector<16xf32>
    %get3A_1107 = arith.constant 0 : i32
    %get3A_1108 = arith.constant 223 : i32
    %get3A_1109 = arith.index_cast %get3A_1107 : i32 to index
    %get3A_1110 = arith.index_cast %get3A_1108 : i32 to index
    %get3A_1111 = arith.constant 16 : index
    %get3A_1112 = tpu.vector_load %arg5[%get3A_1109, %get3A_1110, %get3A_1111] {strides = array<i32>} : memref<3x224x128xf32, #tpu.memory_space<vmem>>, vector<1x1x16xf32>,
    %get3A_1113 = vector.shape_cast %get3A_1112 : vector<1x1x16xf32> to vector<16xf32>
    %get3A_1114 = arith.constant 2 : i32
    %get3A_1115 = arith.constant 223 : i32
    %get3A_1116 = arith.index_cast %get3A_1114 : i32 to index
    %get3A_1117 = arith.index_cast %get3A_1115 : i32 to index
    %get3A_1118 = arith.constant 16 : index
    %get3A_1119 = tpu.vector_load %arg5[%get3A_1116, %get3A_1117, %get3A_1118] {strides = array<i32>} : memref<3x224x128xf32, #tpu.memory_space<vmem>>, vector<1x1x16xf32>,
    %get3A_1120 = vector.shape_cast %get3A_1119 : vector<1x1x16xf32> to vector<16xf32>
    %mul3A_1121 = vector.broadcast %select_n3A_775 : f32 to vector<16xf32>
    %mul3A_1122 = arith.mulf %get3A_1120, %mul3A_1121 : vector<16xf32>
    %add3A_1123 = arith.addf %get3A_1113, %mul3A_1122 : vector<16xf32>
    %get3A_1124 = arith.constant 1 : i32
    %get3A_1125 = arith.constant 222 : i32
    %get3A_1126 = arith.index_cast %get3A_1124 : i32 to index
    %get3A_1127 = arith.index_cast %get3A_1125 : i32 to index
    %get3A_1128 = arith.constant 16 : index
    %get3A_1129 = tpu.vector_load %arg5[%get3A_1126, %get3A_1127, %get3A_1128] {strides = array<i32>} : memref<3x224x128xf32, #tpu.memory_space<vmem>>, vector<1x1x16xf32>,
    %get3A_1130 = vector.shape_cast %get3A_1129 : vector<1x1x16xf32> to vector<16xf32>
    %add3A_1131 = arith.addf %add3A_1123, %get3A_1130 : vector<16xf32>
    %get3A_1132 = arith.constant 223 : i32
    %get3A_1133 = arith.index_cast %get3A_1132 : i32 to index
    %get3A_1134 = arith.constant 16 : index
    %get3A_1135 = tpu.vector_load %arg6[%get3A_1133, %get3A_1134] {strides = array<i32>} : memref<224x128xf32, #tpu.memory_space<vmem>>, vector<1x16xf32>,
    %get3A_1136 = vector.shape_cast %get3A_1135 : vector<1x16xf32> to vector<16xf32>
    %mul3A_1137 = vector.broadcast %select_n3A_785 : f32 to vector<16xf32>
    %mul3A_1138 = arith.mulf %add3A_1131, %mul3A_1137 : vector<16xf32>
    %sub3A_1139 = arith.subf %get3A_1136, %mul3A_1138 : vector<16xf32>
    %mul3A_1140 = arith.mulf %sub3A_1139, %sub3A_1139 : vector<16xf32>
    %add3A_1141 = arith.addf %add3A_1106, %mul3A_1140 : vector<16xf32>
    %get3A_1142 = arith.constant 0 : i32
    %get3A_1143 = arith.constant 223 : i32
    %get3A_1144 = arith.index_cast %get3A_1142 : i32 to index
    %get3A_1145 = arith.index_cast %get3A_1143 : i32 to index
    %get3A_1146 = arith.constant 32 : index
    %get3A_1147 = tpu.vector_load %arg5[%get3A_1144, %get3A_1145, %get3A_1146] {strides = array<i32>} : memref<3x224x128xf32, #tpu.memory_space<vmem>>, vector<1x1x16xf32>,
    %get3A_1148 = vector.shape_cast %get3A_1147 : vector<1x1x16xf32> to vector<16xf32>
    %get3A_1149 = arith.constant 2 : i32
    %get3A_1150 = arith.constant 223 : i32
    %get3A_1151 = arith.index_cast %get3A_1149 : i32 to index
    %get3A_1152 = arith.index_cast %get3A_1150 : i32 to index
    %get3A_1153 = arith.constant 32 : index
    %get3A_1154 = tpu.vector_load %arg5[%get3A_1151, %get3A_1152, %get3A_1153] {strides = array<i32>} : memref<3x224x128xf32, #tpu.memory_space<vmem>>, vector<1x1x16xf32>,
    %get3A_1155 = vector.shape_cast %get3A_1154 : vector<1x1x16xf32> to vector<16xf32>
    %mul3A_1156 = vector.broadcast %select_n3A_775 : f32 to vector<16xf32>
    %mul3A_1157 = arith.mulf %get3A_1155, %mul3A_1156 : vector<16xf32>
    %add3A_1158 = arith.addf %get3A_1148, %mul3A_1157 : vector<16xf32>
    %get3A_1159 = arith.constant 1 : i32
    %get3A_1160 = arith.constant 222 : i32
    %get3A_1161 = arith.index_cast %get3A_1159 : i32 to index
    %get3A_1162 = arith.index_cast %get3A_1160 : i32 to index
    %get3A_1163 = arith.constant 32 : index
    %get3A_1164 = tpu.vector_load %arg5[%get3A_1161, %get3A_1162, %get3A_1163] {strides = array<i32>} : memref<3x224x128xf32, #tpu.memory_space<vmem>>, vector<1x1x16xf32>,
    %get3A_1165 = vector.shape_cast %get3A_1164 : vector<1x1x16xf32> to vector<16xf32>
    %add3A_1166 = arith.addf %add3A_1158, %get3A_1165 : vector<16xf32>
    %get3A_1167 = arith.constant 223 : i32
    %get3A_1168 = arith.index_cast %get3A_1167 : i32 to index
    %get3A_1169 = arith.constant 32 : index
    %get3A_1170 = tpu.vector_load %arg6[%get3A_1168, %get3A_1169] {strides = array<i32>} : memref<224x128xf32, #tpu.memory_space<vmem>>, vector<1x16xf32>,
    %get3A_1171 = vector.shape_cast %get3A_1170 : vector<1x16xf32> to vector<16xf32>
    %mul3A_1172 = vector.broadcast %select_n3A_785 : f32 to vector<16xf32>
    %mul3A_1173 = arith.mulf %add3A_1166, %mul3A_1172 : vector<16xf32>
    %sub3A_1174 = arith.subf %get3A_1171, %mul3A_1173 : vector<16xf32>
    %mul3A_1175 = arith.mulf %sub3A_1174, %sub3A_1174 : vector<16xf32>
    %add3A_1176 = arith.addf %add3A_1141, %mul3A_1175 : vector<16xf32>
    %get3A_1177 = arith.constant 0 : i32
    %get3A_1178 = arith.constant 223 : i32
    %get3A_1179 = arith.index_cast %get3A_1177 : i32 to index
    %get3A_1180 = arith.index_cast %get3A_1178 : i32 to index
    %get3A_1181 = arith.constant 48 : index
    %get3A_1182 = tpu.vector_load %arg5[%get3A_1179, %get3A_1180, %get3A_1181] {strides = array<i32>} : memref<3x224x128xf32, #tpu.memory_space<vmem>>, vector<1x1x16xf32>,
    %get3A_1183 = vector.shape_cast %get3A_1182 : vector<1x1x16xf32> to vector<16xf32>
    %get3A_1184 = arith.constant 2 : i32
    %get3A_1185 = arith.constant 223 : i32
    %get3A_1186 = arith.index_cast %get3A_1184 : i32 to index
    %get3A_1187 = arith.index_cast %get3A_1185 : i32 to index
    %get3A_1188 = arith.constant 48 : index
    %get3A_1189 = tpu.vector_load %arg5[%get3A_1186, %get3A_1187, %get3A_1188] {strides = array<i32>} : memref<3x224x128xf32, #tpu.memory_space<vmem>>, vector<1x1x16xf32>,
    %get3A_1190 = vector.shape_cast %get3A_1189 : vector<1x1x16xf32> to vector<16xf32>
    %mul3A_1191 = vector.broadcast %select_n3A_775 : f32 to vector<16xf32>
    %mul3A_1192 = arith.mulf %get3A_1190, %mul3A_1191 : vector<16xf32>
    %add3A_1193 = arith.addf %get3A_1183, %mul3A_1192 : vector<16xf32>
    %get3A_1194 = arith.constant 1 : i32
    %get3A_1195 = arith.constant 222 : i32
    %get3A_1196 = arith.index_cast %get3A_1194 : i32 to index
    %get3A_1197 = arith.index_cast %get3A_1195 : i32 to index
    %get3A_1198 = arith.constant 48 : index
    %get3A_1199 = tpu.vector_load %arg5[%get3A_1196, %get3A_1197, %get3A_1198] {strides = array<i32>} : memref<3x224x128xf32, #tpu.memory_space<vmem>>, vector<1x1x16xf32>,
    %get3A_1200 = vector.shape_cast %get3A_1199 : vector<1x1x16xf32> to vector<16xf32>
    %add3A_1201 = arith.addf %add3A_1193, %get3A_1200 : vector<16xf32>
    %get3A_1202 = arith.constant 223 : i32
    %get3A_1203 = arith.index_cast %get3A_1202 : i32 to index
    %get3A_1204 = arith.constant 48 : index
    %get3A_1205 = tpu.vector_load %arg6[%get3A_1203, %get3A_1204] {strides = array<i32>} : memref<224x128xf32, #tpu.memory_space<vmem>>, vector<1x16xf32>,
    %get3A_1206 = vector.shape_cast %get3A_1205 : vector<1x16xf32> to vector<16xf32>
    %mul3A_1207 = vector.broadcast %select_n3A_785 : f32 to vector<16xf32>
    %mul3A_1208 = arith.mulf %add3A_1201, %mul3A_1207 : vector<16xf32>
    %sub3A_1209 = arith.subf %get3A_1206, %mul3A_1208 : vector<16xf32>
    %mul3A_1210 = arith.mulf %sub3A_1209, %sub3A_1209 : vector<16xf32>
    %add3A_1211 = arith.addf %add3A_1176, %mul3A_1210 : vector<16xf32>
    %get3A_1212 = arith.constant 0 : i32
    %get3A_1213 = arith.constant 223 : i32
    %get3A_1214 = arith.index_cast %get3A_1212 : i32 to index
    %get3A_1215 = arith.index_cast %get3A_1213 : i32 to index
    %get3A_1216 = arith.constant 64 : index
    %get3A_1217 = tpu.vector_load %arg5[%get3A_1214, %get3A_1215, %get3A_1216] {strides = array<i32>} : memref<3x224x128xf32, #tpu.memory_space<vmem>>, vector<1x1x16xf32>,
    %get3A_1218 = vector.shape_cast %get3A_1217 : vector<1x1x16xf32> to vector<16xf32>
    %get3A_1219 = arith.constant 2 : i32
    %get3A_1220 = arith.constant 223 : i32
    %get3A_1221 = arith.index_cast %get3A_1219 : i32 to index
    %get3A_1222 = arith.index_cast %get3A_1220 : i32 to index
    %get3A_1223 = arith.constant 64 : index
    %get3A_1224 = tpu.vector_load %arg5[%get3A_1221, %get3A_1222, %get3A_1223] {strides = array<i32>} : memref<3x224x128xf32, #tpu.memory_space<vmem>>, vector<1x1x16xf32>,
    %get3A_1225 = vector.shape_cast %get3A_1224 : vector<1x1x16xf32> to vector<16xf32>
    %mul3A_1226 = vector.broadcast %select_n3A_775 : f32 to vector<16xf32>
    %mul3A_1227 = arith.mulf %get3A_1225, %mul3A_1226 : vector<16xf32>
    %add3A_1228 = arith.addf %get3A_1218, %mul3A_1227 : vector<16xf32>
    %get3A_1229 = arith.constant 1 : i32
    %get3A_1230 = arith.constant 222 : i32
    %get3A_1231 = arith.index_cast %get3A_1229 : i32 to index
    %get3A_1232 = arith.index_cast %get3A_1230 : i32 to index
    %get3A_1233 = arith.constant 64 : index
    %get3A_1234 = tpu.vector_load %arg5[%get3A_1231, %get3A_1232, %get3A_1233] {strides = array<i32>} : memref<3x224x128xf32, #tpu.memory_space<vmem>>, vector<1x1x16xf32>,
    %get3A_1235 = vector.shape_cast %get3A_1234 : vector<1x1x16xf32> to vector<16xf32>
    %add3A_1236 = arith.addf %add3A_1228, %get3A_1235 : vector<16xf32>
    %get3A_1237 = arith.constant 223 : i32
    %get3A_1238 = arith.index_cast %get3A_1237 : i32 to index
    %get3A_1239 = arith.constant 64 : index
    %get3A_1240 = tpu.vector_load %arg6[%get3A_1238, %get3A_1239] {strides = array<i32>} : memref<224x128xf32, #tpu.memory_space<vmem>>, vector<1x16xf32>,
    %get3A_1241 = vector.shape_cast %get3A_1240 : vector<1x16xf32> to vector<16xf32>
    %mul3A_1242 = vector.broadcast %select_n3A_785 : f32 to vector<16xf32>
    %mul3A_1243 = arith.mulf %add3A_1236, %mul3A_1242 : vector<16xf32>
    %sub3A_1244 = arith.subf %get3A_1241, %mul3A_1243 : vector<16xf32>
    %mul3A_1245 = arith.mulf %sub3A_1244, %sub3A_1244 : vector<16xf32>
    %add3A_1246 = arith.addf %add3A_1211, %mul3A_1245 : vector<16xf32>
    %get3A_1247 = arith.constant 0 : i32
    %get3A_1248 = arith.constant 223 : i32
    %get3A_1249 = arith.index_cast %get3A_1247 : i32 to index
    %get3A_1250 = arith.index_cast %get3A_1248 : i32 to index
    %get3A_1251 = arith.constant 80 : index
    %get3A_1252 = tpu.vector_load %arg5[%get3A_1249, %get3A_1250, %get3A_1251] {strides = array<i32>} : memref<3x224x128xf32, #tpu.memory_space<vmem>>, vector<1x1x16xf32>,
    %get3A_1253 = vector.shape_cast %get3A_1252 : vector<1x1x16xf32> to vector<16xf32>
    %get3A_1254 = arith.constant 2 : i32
    %get3A_1255 = arith.constant 223 : i32
    %get3A_1256 = arith.index_cast %get3A_1254 : i32 to index
    %get3A_1257 = arith.index_cast %get3A_1255 : i32 to index
    %get3A_1258 = arith.constant 80 : index
    %get3A_1259 = tpu.vector_load %arg5[%get3A_1256, %get3A_1257, %get3A_1258] {strides = array<i32>} : memref<3x224x128xf32, #tpu.memory_space<vmem>>, vector<1x1x16xf32>,
    %get3A_1260 = vector.shape_cast %get3A_1259 : vector<1x1x16xf32> to vector<16xf32>
    %mul3A_1261 = vector.broadcast %select_n3A_775 : f32 to vector<16xf32>
    %mul3A_1262 = arith.mulf %get3A_1260, %mul3A_1261 : vector<16xf32>
    %add3A_1263 = arith.addf %get3A_1253, %mul3A_1262 : vector<16xf32>
    %get3A_1264 = arith.constant 1 : i32
    %get3A_1265 = arith.constant 222 : i32
    %get3A_1266 = arith.index_cast %get3A_1264 : i32 to index
    %get3A_1267 = arith.index_cast %get3A_1265 : i32 to index
    %get3A_1268 = arith.constant 80 : index
    %get3A_1269 = tpu.vector_load %arg5[%get3A_1266, %get3A_1267, %get3A_1268] {strides = array<i32>} : memref<3x224x128xf32, #tpu.memory_space<vmem>>, vector<1x1x16xf32>,
    %get3A_1270 = vector.shape_cast %get3A_1269 : vector<1x1x16xf32> to vector<16xf32>
    %add3A_1271 = arith.addf %add3A_1263, %get3A_1270 : vector<16xf32>
    %get3A_1272 = arith.constant 223 : i32
    %get3A_1273 = arith.index_cast %get3A_1272 : i32 to index
    %get3A_1274 = arith.constant 80 : index
    %get3A_1275 = tpu.vector_load %arg6[%get3A_1273, %get3A_1274] {strides = array<i32>} : memref<224x128xf32, #tpu.memory_space<vmem>>, vector<1x16xf32>,
    %get3A_1276 = vector.shape_cast %get3A_1275 : vector<1x16xf32> to vector<16xf32>
    %mul3A_1277 = vector.broadcast %select_n3A_785 : f32 to vector<16xf32>
    %mul3A_1278 = arith.mulf %add3A_1271, %mul3A_1277 : vector<16xf32>
    %sub3A_1279 = arith.subf %get3A_1276, %mul3A_1278 : vector<16xf32>
    %mul3A_1280 = arith.mulf %sub3A_1279, %sub3A_1279 : vector<16xf32>
    %add3A_1281 = arith.addf %add3A_1246, %mul3A_1280 : vector<16xf32>
    %get3A_1282 = arith.constant 0 : i32
    %get3A_1283 = arith.constant 223 : i32
    %get3A_1284 = arith.index_cast %get3A_1282 : i32 to index
    %get3A_1285 = arith.index_cast %get3A_1283 : i32 to index
    %get3A_1286 = arith.constant 96 : index
    %get3A_1287 = tpu.vector_load %arg5[%get3A_1284, %get3A_1285, %get3A_1286] {strides = array<i32>} : memref<3x224x128xf32, #tpu.memory_space<vmem>>, vector<1x1x16xf32>,
    %get3A_1288 = vector.shape_cast %get3A_1287 : vector<1x1x16xf32> to vector<16xf32>
    %get3A_1289 = arith.constant 2 : i32
    %get3A_1290 = arith.constant 223 : i32
    %get3A_1291 = arith.index_cast %get3A_1289 : i32 to index
    %get3A_1292 = arith.index_cast %get3A_1290 : i32 to index
    %get3A_1293 = arith.constant 96 : index
    %get3A_1294 = tpu.vector_load %arg5[%get3A_1291, %get3A_1292, %get3A_1293] {strides = array<i32>} : memref<3x224x128xf32, #tpu.memory_space<vmem>>, vector<1x1x16xf32>,
    %get3A_1295 = vector.shape_cast %get3A_1294 : vector<1x1x16xf32> to vector<16xf32>
    %mul3A_1296 = vector.broadcast %select_n3A_775 : f32 to vector<16xf32>
    %mul3A_1297 = arith.mulf %get3A_1295, %mul3A_1296 : vector<16xf32>
    %add3A_1298 = arith.addf %get3A_1288, %mul3A_1297 : vector<16xf32>
    %get3A_1299 = arith.constant 1 : i32
    %get3A_1300 = arith.constant 222 : i32
    %get3A_1301 = arith.index_cast %get3A_1299 : i32 to index
    %get3A_1302 = arith.index_cast %get3A_1300 : i32 to index
    %get3A_1303 = arith.constant 96 : index
    %get3A_1304 = tpu.vector_load %arg5[%get3A_1301, %get3A_1302, %get3A_1303] {strides = array<i32>} : memref<3x224x128xf32, #tpu.memory_space<vmem>>, vector<1x1x16xf32>,
    %get3A_1305 = vector.shape_cast %get3A_1304 : vector<1x1x16xf32> to vector<16xf32>
    %add3A_1306 = arith.addf %add3A_1298, %get3A_1305 : vector<16xf32>
    %get3A_1307 = arith.constant 223 : i32
    %get3A_1308 = arith.index_cast %get3A_1307 : i32 to index
    %get3A_1309 = arith.constant 96 : index
    %get3A_1310 = tpu.vector_load %arg6[%get3A_1308, %get3A_1309] {strides = array<i32>} : memref<224x128xf32, #tpu.memory_space<vmem>>, vector<1x16xf32>,
    %get3A_1311 = vector.shape_cast %get3A_1310 : vector<1x16xf32> to vector<16xf32>
    %mul3A_1312 = vector.broadcast %select_n3A_785 : f32 to vector<16xf32>
    %mul3A_1313 = arith.mulf %add3A_1306, %mul3A_1312 : vector<16xf32>
    %sub3A_1314 = arith.subf %get3A_1311, %mul3A_1313 : vector<16xf32>
    %mul3A_1315 = arith.mulf %sub3A_1314, %sub3A_1314 : vector<16xf32>
    %add3A_1316 = arith.addf %add3A_1281, %mul3A_1315 : vector<16xf32>
    %get3A_1317 = arith.constant 0 : i32
    %get3A_1318 = arith.constant 223 : i32
    %get3A_1319 = arith.index_cast %get3A_1317 : i32 to index
    %get3A_1320 = arith.index_cast %get3A_1318 : i32 to index
    %get3A_1321 = arith.constant 112 : index
    %get3A_1322 = tpu.vector_load %arg5[%get3A_1319, %get3A_1320, %get3A_1321] {strides = array<i32>} : memref<3x224x128xf32, #tpu.memory_space<vmem>>, vector<1x1x16xf32>,
    %get3A_1323 = vector.shape_cast %get3A_1322 : vector<1x1x16xf32> to vector<16xf32>
    %get3A_1324 = arith.constant 2 : i32
    %get3A_1325 = arith.constant 223 : i32
    %get3A_1326 = arith.index_cast %get3A_1324 : i32 to index
    %get3A_1327 = arith.index_cast %get3A_1325 : i32 to index
    %get3A_1328 = arith.constant 112 : index
    %get3A_1329 = tpu.vector_load %arg5[%get3A_1326, %get3A_1327, %get3A_1328] {strides = array<i32>} : memref<3x224x128xf32, #tpu.memory_space<vmem>>, vector<1x1x16xf32>,
    %get3A_1330 = vector.shape_cast %get3A_1329 : vector<1x1x16xf32> to vector<16xf32>
    %mul3A_1331 = vector.broadcast %select_n3A_775 : f32 to vector<16xf32>
    %mul3A_1332 = arith.mulf %get3A_1330, %mul3A_1331 : vector<16xf32>
    %add3A_1333 = arith.addf %get3A_1323, %mul3A_1332 : vector<16xf32>
    %get3A_1334 = arith.constant 1 : i32
    %get3A_1335 = arith.constant 222 : i32
    %get3A_1336 = arith.index_cast %get3A_1334 : i32 to index
    %get3A_1337 = arith.index_cast %get3A_1335 : i32 to index
    %get3A_1338 = arith.constant 112 : index
    %get3A_1339 = tpu.vector_load %arg5[%get3A_1336, %get3A_1337, %get3A_1338] {strides = array<i32>} : memref<3x224x128xf32, #tpu.memory_space<vmem>>, vector<1x1x16xf32>,
    %get3A_1340 = vector.shape_cast %get3A_1339 : vector<1x1x16xf32> to vector<16xf32>
    %add3A_1341 = arith.addf %add3A_1333, %get3A_1340 : vector<16xf32>
    %get3A_1342 = arith.constant 223 : i32
    %get3A_1343 = arith.index_cast %get3A_1342 : i32 to index
    %get3A_1344 = arith.constant 112 : index
    %get3A_1345 = tpu.vector_load %arg6[%get3A_1343, %get3A_1344] {strides = array<i32>} : memref<224x128xf32, #tpu.memory_space<vmem>>, vector<1x16xf32>,
    %get3A_1346 = vector.shape_cast %get3A_1345 : vector<1x16xf32> to vector<16xf32>
    %mul3A_1347 = vector.broadcast %select_n3A_785 : f32 to vector<16xf32>
    %mul3A_1348 = arith.mulf %add3A_1341, %mul3A_1347 : vector<16xf32>
    %sub3A_1349 = arith.subf %get3A_1346, %mul3A_1348 : vector<16xf32>
    %mul3A_1350 = arith.mulf %sub3A_1349, %sub3A_1349 : vector<16xf32>
    %add3A_1351 = arith.addf %add3A_1316, %mul3A_1350 : vector<16xf32>
    %swap3A = arith.constant 0 : index
    %swap3A_1352 = tpu.vector_load %arg7[%swap3A] {strides = array<i32>} : memref<16xf32, #tpu.memory_space<vmem>>, vector<16xf32>,
    %swap3A_1353 = vector.shape_cast %swap3A_1352 : vector<16xf32> to vector<16xf32>
    %swap3A_1354 = vector.shape_cast %add3A_1351 : vector<16xf32> to vector<16xf32>
    tpu.vector_store %arg7[%swap3A], %swap3A_1354 {strides = array<i32>} : memref<16xf32, #tpu.memory_space<vmem>>, vector<16xf32>,
    "tpu.region"() ({
      %run_scoped3A = tpu.sem_alloc : memref<!tpu.dma_semaphore, #tpu.memory_space<semaphore_mem>>
      %dma_start3A_1355 = arith.constant 0 : i32
      %dma_start3A_1356 = tpu.memref_slice %arg4[%add3A, %dma_start3A_1355] : memref<32x16xf32, #tpu.memory_space<hbm>> -> memref<1x16xf32, #tpu.memory_space<hbm>>
      %dma_start3A_1357 = tpu.memref_squeeze %dma_start3A_1356 : memref<1x16xf32, #tpu.memory_space<hbm>> -> memref<16xf32, #tpu.memory_space<hbm>>
      %dma_start3A_1358 = arith.constant 0 : i32
      %dma_start3A_1359 = tpu.memref_slice %arg4[%add3A, %dma_start3A_1358] : memref<32x16xf32, #tpu.memory_space<hbm>> -> memref<1x16xf32, #tpu.memory_space<hbm>>
      %dma_start3A_1360 = tpu.memref_squeeze %dma_start3A_1359 : memref<1x16xf32, #tpu.memory_space<hbm>> -> memref<16xf32, #tpu.memory_space<hbm>>
      tpu.enqueue_dma source(%arg7 : memref<16xf32, #tpu.memory_space<vmem>>) target(%dma_start3A_1360 : memref<16xf32, #tpu.memory_space<hbm>>) target_semaphore(%run_scoped3A : memref<!tpu.dma_semaphore, #tpu.memory_space<semaphore_mem>>)
      %dma_wait3A_1361 = arith.constant 0 : i32
      %dma_wait3A_1362 = tpu.memref_slice %arg4[%add3A, %dma_wait3A_1361] : memref<32x16xf32, #tpu.memory_space<hbm>> -> memref<1x16xf32, #tpu.memory_space<hbm>>
      %dma_wait3A_1363 = tpu.memref_squeeze %dma_wait3A_1362 : memref<1x16xf32, #tpu.memory_space<hbm>> -> memref<16xf32, #tpu.memory_space<hbm>>
      %dma_wait3A_1364 = arith.constant 0 : i32
      %dma_wait3A_1365 = tpu.memref_slice %arg4[%add3A, %dma_wait3A_1364] : memref<32x16xf32, #tpu.memory_space<hbm>> -> memref<1x16xf32, #tpu.memory_space<hbm>>
      %dma_wait3A_1366 = tpu.memref_squeeze %dma_wait3A_1365 : memref<1x16xf32, #tpu.memory_space<hbm>> -> memref<16xf32, #tpu.memory_space<hbm>>
      tpu.wait_dma2 semaphore(%run_scoped3A : memref<!tpu.dma_semaphore, #tpu.memory_space<semaphore_mem>>) src(%arg7 : memref<16xf32, #tpu.memory_space<vmem>>) dst(%dma_wait3A_1366 : memref<16xf32, #tpu.memory_space<hbm>>)
      tpu.yield
    }) : () -> ()
    return
  }
}

module attributes {stable_mosaic.version = 14 : i64} {
  func.func @_mlp_body(%arg0: i32, %arg1: memref<896x256xf32, #tpu.memory_space<vmem>>, %arg2: memref<256x256xf32, #tpu.memory_space<vmem>>, %arg3: memref<256x256xf32, #tpu.memory_space<vmem>>, %arg4: memref<896x256xf32, #tpu.memory_space<vmem>>) attributes {dimension_semantics = [#tpu.dimension_semantics<arbitrary>], iteration_bounds = array<i64: 9>, scalar_prefetch = 0 : i64, scratch_operands = 0 : i64, tpu.core_type = #tpu.core_type<tc>, window_params = [{transform_indices = @transform_0, window_bounds = array<i64: 896, 256>}, {pipeline_mode = #tpu.pipeline_mode<synchronous>, transform_indices = @transform_1, window_bounds = array<i64: 256, 256>}, {pipeline_mode = #tpu.pipeline_mode<synchronous>, transform_indices = @transform_2, window_bounds = array<i64: 256, 256>}, {transform_indices = @transform_3, window_bounds = array<i64: 896, 256>}]} {
    %get3A = arith.constant 0 : index
    %get3A_0 = arith.constant 0 : index
    %get3A_1 = vector.load %arg1[%get3A, %get3A_0] : memref<896x256xf32, #tpu.memory_space<vmem>>, vector<896x256xf32>
    %convert_element_type3A = arith.truncf %get3A_1 : vector<896x256xf32> to vector<896x256xbf16>
    %get3A_2 = arith.constant 0 : index
    %get3A_3 = arith.constant 0 : index
    %get3A_4 = vector.load %arg2[%get3A_2, %get3A_3] : memref<256x256xf32, #tpu.memory_space<vmem>>, vector<256x256xf32>
    %convert_element_type3A_5 = arith.truncf %get3A_4 : vector<256x256xf32> to vector<256x256xbf16>
    %dot_general3A = arith.constant dense<0.000000e+00> : vector<896x256xf32>
    %dot_general3A_6 = tpu.matmul %convert_element_type3A, %convert_element_type3A_5, %dot_general3A {dimension_numbers = #tpu.dot_dimension_numbers<[1], [0], [0], [1], [0, 0, 1, 1], [], []>, transpose_lhs_hint = false} : vector<896x256xbf16>, vector<256x256xbf16>, vector<896x256xf32> -> vector<896x256xf32>
    %max3A = arith.constant 0.000000e+00 : f32
    %max3A_7 = vector.broadcast %max3A : f32 to vector<896x256xf32>
    %max3A_8 = arith.maximumf %dot_general3A_6, %max3A_7 : vector<896x256xf32>
    %convert_element_type3A_9 = arith.truncf %max3A_8 : vector<896x256xf32> to vector<896x256xbf16>
    %get3A_10 = arith.constant 0 : index
    %get3A_11 = arith.constant 0 : index
    %get3A_12 = vector.load %arg3[%get3A_10, %get3A_11] : memref<256x256xf32, #tpu.memory_space<vmem>>, vector<256x256xf32>
    %convert_element_type3A_13 = arith.truncf %get3A_12 : vector<256x256xf32> to vector<256x256xbf16>
    %dot_general3A_14 = arith.constant dense<0.000000e+00> : vector<896x256xf32>
    %dot_general3A_15 = tpu.matmul %convert_element_type3A_9, %convert_element_type3A_13, %dot_general3A_14 {dimension_numbers = #tpu.dot_dimension_numbers<[1], [0], [0], [1], [0, 0, 1, 1], [], []>, transpose_lhs_hint = false} : vector<896x256xbf16>, vector<256x256xbf16>, vector<896x256xf32> -> vector<896x256xf32>
    %swap3A = arith.constant 0 : index
    %swap3A_16 = arith.constant 0 : index
    %swap3A_17 = vector.load %arg4[%swap3A, %swap3A_16] : memref<896x256xf32, #tpu.memory_space<vmem>>, vector<896x256xf32>
    tpu.vector_store %arg4[%swap3A, %swap3A_16], %dot_general3A_15 {strides = array<i32>} : memref<896x256xf32, #tpu.memory_space<vmem>>, vector<896x256xf32>,
    return
  }
  func.func @transform_0(%arg0: i32) -> (i32, i32) {
    %add3A = arith.constant 47 : i32
    %add3A_0 = arith.addi %arg0, %add3A : i32
    %c0_i32 = arith.constant 0 : i32
    %c0_i32_1 = arith.constant 0 : i32
    return %add3A_0, %c0_i32 : i32, i32
  }
  func.func @transform_1(%arg0: i32) -> (i32, i32) {
    %c0_i32 = arith.constant 0 : i32
    %c0_i32_0 = arith.constant 0 : i32
    %c0_i32_1 = arith.constant 0 : i32
    return %c0_i32, %c0_i32_0 : i32, i32
  }
  func.func @transform_2(%arg0: i32) -> (i32, i32) {
    %c0_i32 = arith.constant 0 : i32
    %c0_i32_0 = arith.constant 0 : i32
    %c0_i32_1 = arith.constant 0 : i32
    return %c0_i32, %c0_i32_0 : i32, i32
  }
  func.func @transform_3(%arg0: i32) -> (i32, i32) {
    %c0_i32 = arith.constant 0 : i32
    %c0_i32_0 = arith.constant 0 : i32
    return %arg0, %c0_i32 : i32, i32
  }
}

module attributes {stable_mosaic.version = 14 : i64} {
  func.func @_tc_body(%arg0: i32, %arg1: memref<7168x256xf32, #tpu.memory_space<vmem>>, %arg2: memref<224x256xf32, #tpu.memory_space<vmem>>, %arg3: memref<224x256xf32, #tpu.memory_space<vmem>>, %arg4: memref<256x256xf32, #tpu.memory_space<vmem>>, %arg5: memref<256x256xf32, #tpu.memory_space<vmem>>, %arg6: memref<1x1xf32, #tpu.memory_space<vmem>>) attributes {dimension_semantics = [#tpu.dimension_semantics<arbitrary>], iteration_bounds = array<i64: 6>, scalar_prefetch = 0 : i64, scratch_operands = 0 : i64, tpu.core_type = #tpu.core_type<tc>, window_params = [{transform_indices = @transform_0, window_bounds = array<i64: 7168, 256>}, {transform_indices = @transform_1, window_bounds = array<i64: 224, 256>}, {transform_indices = @transform_2, window_bounds = array<i64: 224, 256>}, {pipeline_mode = #tpu.pipeline_mode<synchronous>, transform_indices = @transform_3, window_bounds = array<i64: 256, 256>}, {pipeline_mode = #tpu.pipeline_mode<synchronous>, transform_indices = @transform_4, window_bounds = array<i64: 256, 256>}, {pipeline_mode = #tpu.pipeline_mode<synchronous>, transform_indices = @transform_5, window_bounds = array<i64: 1, 1>}]} {
    %gt3A = arith.constant 0 : i32
    %gt3A_0 = arith.cmpi sgt, %arg0, %gt3A : i32
    %jit3A = arith.constant 1.000000e+00 : f32
    %jit3A_1 = arith.constant 0.000000e+00 : f32
    %select_n3A = arith.select %gt3A_0, %jit3A, %jit3A_1 : f32
    %get3A = arith.constant 0 : index
    %get3A_2 = arith.constant 0 : index
    %get3A_3 = vector.load %arg2[%get3A, %get3A_2] : memref<224x256xf32, #tpu.memory_space<vmem>>, vector<224x256xf32>
    %mul3A = vector.broadcast %select_n3A : f32 to vector<224x256xf32>
    %mul3A_4 = arith.mulf %get3A_3, %mul3A : vector<224x256xf32>
    %get3A_5 = arith.constant 0 : index
    %get3A_6 = arith.constant 0 : index
    %get3A_7 = vector.load %arg1[%get3A_5, %get3A_6] : memref<7168x256xf32, #tpu.memory_space<vmem>>, vector<7168x256xf32>
    %get3A_8 = arith.constant 0 : index
    %get3A_9 = arith.constant 0 : index
    %get3A_10 = vector.load %arg3[%get3A_8, %get3A_9] : memref<224x256xf32, #tpu.memory_space<vmem>>, vector<224x256xf32>
    %concatenate3A = tpu.concatenate %mul3A_4, %get3A_7, %get3A_10 in 0 : vector<224x256xf32>, vector<7168x256xf32>, vector<224x256xf32> -> vector<7616x256xf32>
    %convert_element_type3A = arith.truncf %concatenate3A : vector<7616x256xf32> to vector<7616x256xbf16>
    %get3A_11 = arith.constant 0 : index
    %get3A_12 = arith.constant 0 : index
    %get3A_13 = vector.load %arg4[%get3A_11, %get3A_12] : memref<256x256xf32, #tpu.memory_space<vmem>>, vector<256x256xf32>
    %convert_element_type3A_14 = arith.truncf %get3A_13 : vector<256x256xf32> to vector<256x256xbf16>
    %dot_general3A = arith.constant dense<0.000000e+00> : vector<7616x256xf32>
    %dot_general3A_15 = tpu.matmul %convert_element_type3A, %convert_element_type3A_14, %dot_general3A {dimension_numbers = #tpu.dot_dimension_numbers<[1], [0], [0], [1], [0, 0, 1, 1], [], []>, transpose_lhs_hint = false} : vector<7616x256xbf16>, vector<256x256xbf16>, vector<7616x256xf32> -> vector<7616x256xf32>
    %max3A = arith.constant 0.000000e+00 : f32
    %max3A_16 = vector.broadcast %max3A : f32 to vector<7616x256xf32>
    %max3A_17 = arith.maximumf %dot_general3A_15, %max3A_16 : vector<7616x256xf32>
    %convert_element_type3A_18 = arith.truncf %max3A_17 : vector<7616x256xf32> to vector<7616x256xbf16>
    %get3A_19 = arith.constant 0 : index
    %get3A_20 = arith.constant 0 : index
    %get3A_21 = vector.load %arg5[%get3A_19, %get3A_20] : memref<256x256xf32, #tpu.memory_space<vmem>>, vector<256x256xf32>
    %convert_element_type3A_22 = arith.truncf %get3A_21 : vector<256x256xf32> to vector<256x256xbf16>
    %dot_general3A_23 = arith.constant dense<0.000000e+00> : vector<7616x256xf32>
    %dot_general3A_24 = tpu.matmul %convert_element_type3A_18, %convert_element_type3A_22, %dot_general3A_23 {dimension_numbers = #tpu.dot_dimension_numbers<[1], [0], [0], [1], [0, 0, 1, 1], [], []>, transpose_lhs_hint = false} : vector<7616x256xbf16>, vector<256x256xbf16>, vector<7616x256xf32> -> vector<7616x256xf32>
    %reshape3A = vector.shape_cast %dot_general3A_24 : vector<7616x256xf32> to vector<34x224x256xf32>
    %slice3A = vector.extract_strided_slice %reshape3A {offsets = [0, 0, 0], sizes = [32, 224, 256], strides = [1, 1, 1]} : vector<34x224x256xf32> to vector<32x224x256xf32>
    %slice3A_25 = vector.extract_strided_slice %reshape3A {offsets = [1, 0, 0], sizes = [32, 224, 256], strides = [1, 1, 1]} : vector<34x224x256xf32> to vector<32x224x256xf32>
    %slice3A_26 = vector.extract_strided_slice %reshape3A {offsets = [2, 0, 0], sizes = [32, 224, 256], strides = [1, 1, 1]} : vector<34x224x256xf32> to vector<32x224x256xf32>
    %broadcast_in_dim3A = arith.constant 0.000000e+00 : f32
    %broadcast_in_dim3A_27 = vector.broadcast %broadcast_in_dim3A : f32 to vector<32x1x256xf32>
    %slice3A_28 = vector.extract_strided_slice %slice3A_25 {offsets = [0, 0, 0], sizes = [32, 223, 256], strides = [1, 1, 1]} : vector<32x224x256xf32> to vector<32x223x256xf32>
    %concatenate3A_29 = tpu.concatenate %broadcast_in_dim3A_27, %slice3A_28 in 1 : vector<32x1x256xf32>, vector<32x223x256xf32> -> vector<32x224x256xf32>
    %slice3A_30 = vector.extract_strided_slice %slice3A_25 {offsets = [0, 1, 0], sizes = [32, 223, 256], strides = [1, 1, 1]} : vector<32x224x256xf32> to vector<32x223x256xf32>
    %concatenate3A_31 = tpu.concatenate %slice3A_30, %broadcast_in_dim3A_27 in 1 : vector<32x223x256xf32>, vector<32x1x256xf32> -> vector<32x224x256xf32>
    %iota3A = tpu.iota {dimensions = array<i32: 1>} : vector<1x224x1xi32>
    %gt3A_32 = arith.constant 0 : i32
    %gt3A_33 = vector.broadcast %gt3A_32 : i32 to vector<1x224x1xi32>
    %gt3A_34 = arith.cmpi sgt, %iota3A, %gt3A_33 : vector<1x224x1xi32>
    %convert_element_type3A_35 = arith.extui %gt3A_34 : vector<1x224x1xi1> to vector<1x224x1xi32>
    %convert_element_type3A_36 = arith.sitofp %convert_element_type3A_35 : vector<1x224x1xi32> to vector<1x224x1xf32>
    %lt3A = arith.constant 223 : i32
    %lt3A_37 = vector.broadcast %lt3A : i32 to vector<1x224x1xi32>
    %lt3A_38 = arith.cmpi slt, %iota3A, %lt3A_37 : vector<1x224x1xi32>
    %convert_element_type3A_39 = arith.extui %lt3A_38 : vector<1x224x1xi1> to vector<1x224x1xi32>
    %convert_element_type3A_40 = arith.sitofp %convert_element_type3A_39 : vector<1x224x1xi32> to vector<1x224x1xf32>
    %mul3A_41 = arith.constant 32 : i32
    %mul3A_42 = arith.muli %arg0, %mul3A_41 : i32
    %iota3A_43 = tpu.iota {dimensions = array<i32: 0>} : vector<32x1x1xi32>
    %add3A = vector.broadcast %mul3A_42 : i32 to vector<32x1x1xi32>
    %add3A_44 = arith.addi %add3A, %iota3A_43 : vector<32x1x1xi32>
    %gt3A_45 = arith.constant 0 : i32
    %gt3A_46 = vector.broadcast %gt3A_45 : i32 to vector<32x1x1xi32>
    %gt3A_47 = arith.cmpi sgt, %add3A_44, %gt3A_46 : vector<32x1x1xi32>
    %convert_element_type3A_48 = arith.extui %gt3A_47 : vector<32x1x1xi1> to vector<32x1x1xi32>
    %convert_element_type3A_49 = arith.sitofp %convert_element_type3A_48 : vector<32x1x1xi32> to vector<32x1x1xf32>
    %lt3A_50 = arith.constant 223 : i32
    %lt3A_51 = vector.broadcast %lt3A_50 : i32 to vector<32x1x1xi32>
    %lt3A_52 = arith.cmpi slt, %add3A_44, %lt3A_51 : vector<32x1x1xi32>
    %convert_element_type3A_53 = arith.extui %lt3A_52 : vector<32x1x1xi1> to vector<32x1x1xi32>
    %convert_element_type3A_54 = arith.sitofp %convert_element_type3A_53 : vector<32x1x1xi32> to vector<32x1x1xf32>
    %add3A_55 = arith.addf %convert_element_type3A_49, %convert_element_type3A_54 : vector<32x1x1xf32>
    %add3A_56 = vector.broadcast %add3A_55 : vector<32x1x1xf32> to vector<32x224x1xf32>
    %add3A_57 = vector.broadcast %convert_element_type3A_36 : vector<1x224x1xf32> to vector<32x224x1xf32>
    %add3A_58 = arith.addf %add3A_56, %add3A_57 : vector<32x224x1xf32>
    %add3A_59 = vector.broadcast %convert_element_type3A_40 : vector<1x224x1xf32> to vector<32x224x1xf32>
    %add3A_60 = arith.addf %add3A_58, %add3A_59 : vector<32x224x1xf32>
    %div3A = arith.constant 1.000000e+00 : f32
    %div3A_61 = vector.broadcast %div3A : f32 to vector<32x224x1xf32>
    %div3A_62 = arith.divf %div3A_61, %add3A_60 : vector<32x224x1xf32>
    %add3A_63 = arith.addf %slice3A, %slice3A_26 : vector<32x224x256xf32>
    %add3A_64 = arith.addf %add3A_63, %concatenate3A_29 : vector<32x224x256xf32>
    %add3A_65 = arith.addf %add3A_64, %concatenate3A_31 : vector<32x224x256xf32>
    %get3A_66 = arith.constant 0 : index
    %get3A_67 = arith.constant 0 : index
    %get3A_68 = vector.load %arg1[%get3A_66, %get3A_67] : memref<7168x256xf32, #tpu.memory_space<vmem>>, vector<7168x256xf32>
    %reshape3A_69 = vector.shape_cast %get3A_68 : vector<7168x256xf32> to vector<32x224x256xf32>
    %mul3A_70 = vector.broadcast %div3A_62 : vector<32x224x1xf32> to vector<32x224x256xf32>
    %mul3A_71 = arith.mulf %add3A_65, %mul3A_70 : vector<32x224x256xf32>
    %sub3A = arith.subf %reshape3A_69, %mul3A_71 : vector<32x224x256xf32>
    %mul3A_72 = arith.mulf %sub3A, %sub3A : vector<32x224x256xf32>
    %reduce_sum3A = vector.shape_cast %mul3A_72 : vector<32x224x256xf32> to vector<1x32x224x256xf32>
    %reduce_sum3A_73 = arith.constant dense<0.000000e+00> : vector<1xf32>
    %reduce_sum3A_74 = vector.multi_reduction <add>, %reduce_sum3A, %reduce_sum3A_73 [1, 2, 3] : vector<1x32x224x256xf32> to vector<1xf32>
    %reduce_sum3A_75 = vector.shape_cast %reduce_sum3A_74 : vector<1xf32> to vector<1x1x1x1xf32>
    %reduce_sum3A_76 = vector.extract %reduce_sum3A_75[0, 0, 0, 0] : f32 from vector<1x1x1x1xf32>
    %eq3A = arith.constant 0 : i32
    %eq3A_77 = arith.cmpi eq, %arg0, %eq3A : i32
    %convert_element_type3A_78 = arith.extui %eq3A_77 : i1 to i32
    %cond3A = arith.constant 0 : i32
    %cond3A_79 = arith.cmpi ne, %convert_element_type3A_78, %cond3A : i32
    scf.if %cond3A_79 {
      %broadcast_in_dim3A_87 = arith.constant 0.000000e+00 : f32
      %broadcast_in_dim3A_88 = vector.broadcast %broadcast_in_dim3A_87 : f32 to vector<1x1xf32>
      %swap3A_89 = arith.constant 0 : index
      %swap3A_90 = arith.constant 0 : index
      %swap3A_91 = vector.load %arg6[%swap3A_89, %swap3A_90] : memref<1x1xf32, #tpu.memory_space<vmem>>, vector<1x1xf32>
      tpu.vector_store %arg6[%swap3A_89, %swap3A_90], %broadcast_in_dim3A_88 {strides = array<i32>} : memref<1x1xf32, #tpu.memory_space<vmem>>, vector<1x1xf32>,
    } else {
    }
    %get3A_80 = arith.constant 0 : index
    %get3A_81 = arith.constant 0 : index
    %get3A_82 = vector.load %arg6[%get3A_80, %get3A_81] : memref<1x1xf32, #tpu.memory_space<vmem>>, vector<1x1xf32>
    %reshape3A_83 = vector.broadcast %reduce_sum3A_76 : f32 to vector<1x1xf32>
    %add3A_84 = arith.addf %get3A_82, %reshape3A_83 : vector<1x1xf32>
    %swap3A = arith.constant 0 : index
    %swap3A_85 = arith.constant 0 : index
    %swap3A_86 = vector.load %arg6[%swap3A, %swap3A_85] : memref<1x1xf32, #tpu.memory_space<vmem>>, vector<1x1xf32>
    tpu.vector_store %arg6[%swap3A, %swap3A_85], %add3A_84 {strides = array<i32>} : memref<1x1xf32, #tpu.memory_space<vmem>>, vector<1x1xf32>,
    return
  }
  func.func @transform_0(%arg0: i32) -> (i32, i32) {
    %c0_i32 = arith.constant 0 : i32
    %c0_i32_0 = arith.constant 0 : i32
    return %arg0, %c0_i32 : i32, i32
  }
  func.func @transform_1(%arg0: i32) -> (i32, i32) {
    %mul3A = arith.constant 32 : i32
    %mul3A_0 = arith.muli %arg0, %mul3A : i32
    %sub3A = arith.constant 1 : i32
    %sub3A_1 = arith.subi %mul3A_0, %sub3A : i32
    %max3A = arith.constant 0 : i32
    %max3A_2 = arith.maxsi %sub3A_1, %max3A : i32
    %c0_i32 = arith.constant 0 : i32
    %c0_i32_3 = arith.constant 0 : i32
    return %max3A_2, %c0_i32 : i32, i32
  }
  func.func @transform_2(%arg0: i32) -> (i32, i32) {
    %mul3A = arith.constant 32 : i32
    %mul3A_0 = arith.muli %arg0, %mul3A : i32
    %add3A = arith.constant 32 : i32
    %add3A_1 = arith.addi %mul3A_0, %add3A : i32
    %c0_i32 = arith.constant 0 : i32
    %c0_i32_2 = arith.constant 0 : i32
    return %add3A_1, %c0_i32 : i32, i32
  }
  func.func @transform_3(%arg0: i32) -> (i32, i32) {
    %c0_i32 = arith.constant 0 : i32
    %c0_i32_0 = arith.constant 0 : i32
    %c0_i32_1 = arith.constant 0 : i32
    return %c0_i32, %c0_i32_0 : i32, i32
  }
  func.func @transform_4(%arg0: i32) -> (i32, i32) {
    %c0_i32 = arith.constant 0 : i32
    %c0_i32_0 = arith.constant 0 : i32
    %c0_i32_1 = arith.constant 0 : i32
    return %c0_i32, %c0_i32_0 : i32, i32
  }
  func.func @transform_5(%arg0: i32) -> (i32, i32) {
    %c0_i32 = arith.constant 0 : i32
    %c0_i32_0 = arith.constant 0 : i32
    %c0_i32_1 = arith.constant 0 : i32
    return %c0_i32, %c0_i32_0 : i32, i32
  }
}

</mosaic_0001>

<sc_bundles>
// kernel: kernel.5.cloned.1.call-start
scs
__scs_entry_jumppad:
0x0: {  	(pc) =	sbr.rel $0x88, $3  }
0x1: {  	(tag) =	ssettag $0x0;
	lr =	simm.s32 $0x1  }
0x2: {  	[smem:$0x3F9E] =	sst lr;
	_ =	strace $0xD0000000  }
0x3: {  	_ = 	snop  }
0x4: {  	_ = 	snop  }
0x5: {  	_ = 	snop  }
0x6: {  	_ = 	snop  }
0x7: {  	_ = 	snop  }
__scs_overlays_trampoline_lowered:
0x8: {  	[smem:$0x3FAD] =	sst s0  }
0x9: {  	[smem:$0x3FAE] =	sst s1  }
0xa: {  	[smem:$0x3FAF] =	sst s2  }
0xb: {  	[smem:$0x3FB0] =	sst s3  }
0xc: {  	[smem:$0x3FB1] =	sst s4  }
0xd: {  	[smem:$0x3FB2] =	sst s5  }
0xe: {  	[smem:$0x3FB3] =	sst s6  }
0xf: {  	[smem:$0x3FB4] =	sst s7  }
0x10: {  	[smem:$0x3FB5] =	sst s8  }
0x11: {  	[smem:$0x3FB6] =	sst s9;
	s0 =	simm.s32 @!p0 $0x0  }
0x12: {  	s1 =	sld [smem:$0x3F9C];
	s0 =	simm.s32 @p0 $0x1  }
0x13: {  	[smem:$0x3FB7] =	sst s0;
	s0 =	simm.s32 @!p1 $0x0  }
0x14: {  	s2 =	sld [smem:$0x3F9B];
	s0 =	simm.s32 @p1 $0x1  }
0x15: {  	[smem:$0x3FB8] =	sst s0;
	s0 =	simm.s32 @!p2 $0x0  }
0x16: {  	s3 =	sld [smem:$0x3FDB];
	s0 =	simm.s32 @p2 $0x1  }
0x17: {  	s4 =	simm.s32 $0x1BF5;
	[smem:$0x3FBA] =	sst s0  }
0x18: {  	s0 =	sld [smem:$0x3F9D];
	_ =	swait.ge [sflag:s4], $0x0  }
0x19: {  	s7 =	sld [smem:$0x3F9E]  }
0x1a: {  	s8 =	sadd.s32 $0xFFFFE003, lr  }
0x1b: {  	s9 =	sadd.s32 $0xFFFFFEF7, lr;
	s5 =	simm.s32 $0xFFFFFFFF;
	p2 =	slt.u32 s8, $0xFFFFF086  }
0x1c: {  	p1 =	slt.u32 s9, $0xF7A;
	s5 =	simm.s32 @!p2 $0x0  }
0x1d: {  	s5 =	simm.s32 @p1 $0x1;
	p0 =	seq.s32 s7, s2  }
0x1e: {  	s7 =	smul.u32 @!p0 $0xF7A, s2;
	p2 =	seq.s32 @!p0 s5, $0x0  }
0x1f: {  	s9 =	smul.u32 $0xF7A, s1;
	s8 =	simm.s32 @!p0 $0x1BF5;
	p2 =	por !p2, p0  }
0x20: {  	[sflag:s8] =	ssyncset.s32 @!p0 $0xFFFFF086;
	s6 =	sadd.s32 @!p0 s3, s7;
	s7 =	simm.s32 @!p0 $0x108  }
0x21: {  	s3 =	sadd.s32 s3, s9;
	s6 =	sadd.s32 @!p0 $0x88, s6;
	s7 =	simm.s32 @p2 $0x1082  }
0x22: {  	[simem:s7], [sflag:s8] =	dma.local @!p0 [hbm:s6], $0xF7A  }
0x23: {  	s9 =	sor.u32 $0xD0000000, s2;
	s6 =	simm.s32 $0x108;
	_ =	swait.ge @!p0 [sflag:s8], $0x0  }
0x24: {  	s3 =	sadd.s32 $0x88, s3;
	s6 =	simm.s32 @!p1 $0x1082;
	[sflag:s4] =	ssyncset.s32 $0xFFFFF086  }
0x25: {  	[simem:s6], [sflag:s4] =	dma.local [hbm:s3], $0xF7A  }
0x26: {  	[smem:$0x3F9E] =	sst s1;
	(tag) =	ssettag s2;
	_ =	strace s9  }
0x27: {  	s1 =	sld [smem:$0x3FAE]  }
0x28: {  	s2 =	sld [smem:$0x3FAF]  }
0x29: {  	s4 =	sld [smem:$0x3FB1]  }
0x2a: {  	p0 =	seq.s32 s5, $0x0;
	s5 =	sld [smem:$0x3FB2]  }
0x2b: {  	s6 =	sld [smem:$0x3FB3]  }
0x2c: {  	s7 =	sld [smem:$0x3FB4]  }
0x2d: {  	s3 =	simm.s32 $0x108;
	s8 =	sld [smem:$0x3FB5]  }
0x2e: {  	s3 =	simm.s32 @!p0 $0x1082;
	s9 =	sld [smem:$0x3FB6]  }
0x2f: {  	lr =	sadd.s32 s0, s3;
	s0 =	sld [smem:$0x3FAD]  }
0x30: {  	s3 =	sld [smem:$0x3FB0]  }
0x31: {  	[smem:$0x3FB9] =	sst s10  }
0x32: {  	s10 =	sld [smem:$0x3FB7];
	_ =	sdelay $0x3  }
0x33: {  	p0 =	seq.s32 s10, $0x1;
	s10 =	sld [smem:$0x3FB9];
	_ =	sdelay $0x3  }
0x34: {  	[smem:$0x3FB9] =	sst s10  }
0x35: {  	s10 =	sld [smem:$0x3FB8];
	_ =	sdelay $0x3  }
0x36: {  	p1 =	seq.s32 s10, $0x1;
	s10 =	sld [smem:$0x3FB9];
	_ =	sdelay $0x3  }
0x37: {  	[smem:$0x3FB9] =	sst s10  }
0x38: {  	s10 =	sld [smem:$0x3FBA]  }
0x39: {  	_ = 	snop;
	(pc) =	sbr.ind lr, $3  }
0x3a: {  	_ = 	snop  }
0x3b: {  	_ = 	snop  }
0x3c: {  	p2 =	seq.s32 s10, $0x1;
	s10 =	sld [smem:$0x3FB9]  }
0x3d: {  	_ =	shalt  }
0x3e: {  	_ =	shalt  }
0x3f: {  	_ =	shalt  }
0x40: {  	_ =	shalt  }
0x41: {  	_ =	shalt  }
0x42: {  	_ =	shalt  }
0x43: {  	_ =	shalt  }
0x44: {  	_ =	shalt  }
0x45: {  	_ =	shalt  }
0x46: {  	_ =	shalt  }
0x47: {  	_ =	shalt  }
0x48: {  	_ =	shalt  }
0x49: {  	_ =	shalt  }
0x4a: {  	_ =	shalt  }
0x4b: {  	_ =	shalt  }
0x4c: {  	_ =	shalt  }
0x4d: {  	_ =	shalt  }
0x4e: {  	_ =	shalt  }
0x4f: {  	_ =	shalt  }
0x50: {  	_ =	shalt  }
0x51: {  	_ =	shalt  }
0x52: {  	_ =	shalt  }
0x53: {  	_ =	shalt  }
0x54: {  	_ =	shalt  }
0x55: {  	_ =	shalt  }
0x56: {  	_ =	shalt  }
0x57: {  	_ =	shalt  }
0x58: {  	_ =	shalt  }
0x59: {  	_ =	shalt  }
0x5a: {  	_ =	shalt  }
0x5b: {  	_ =	shalt  }
0x5c: {  	_ =	shalt  }
0x5d: {  	_ =	shalt  }
0x5e: {  	_ =	shalt  }
0x5f: {  	_ =	shalt  }
0x60: {  	_ =	shalt  }
0x61: {  	_ =	shalt  }
0x62: {  	_ =	shalt  }
0x63: {  	_ =	shalt  }
0x64: {  	_ =	shalt  }
0x65: {  	_ =	shalt  }
0x66: {  	_ =	shalt  }
0x67: {  	_ =	shalt  }
0x68: {  	_ =	shalt  }
0x69: {  	_ =	shalt  }
0x6a: {  	_ =	shalt  }
0x6b: {  	_ =	shalt  }
0x6c: {  	_ =	shalt  }
0x6d: {  	_ =	shalt  }
0x6e: {  	_ =	shalt  }
0x6f: {  	_ =	shalt  }
0x70: {  	_ =	shalt  }
0x71: {  	_ =	shalt  }
0x72: {  	_ =	shalt  }
0x73: {  	_ =	shalt  }
0x74: {  	_ =	shalt  }
0x75: {  	_ =	shalt  }
0x76: {  	_ =	shalt  }
0x77: {  	_ =	shalt  }
0x78: {  	_ =	shalt  }
0x79: {  	_ =	shalt  }
0x7a: {  	_ =	shalt  }
0x7b: {  	_ =	shalt  }
0x7c: {  	_ =	shalt  }
0x7d: {  	_ =	shalt  }
0x7e: {  	_ =	shalt  }
0x7f: {  	_ =	shalt  }
0x80: {  	_ =	shalt  }
0x81: {  	_ =	shalt  }
0x82: {  	_ =	shalt  }
0x83: {  	_ =	shalt  }
0x84: {  	_ =	shalt  }
0x85: {  	_ =	shalt  }
0x86: {  	_ =	shalt  }
0x87: {  	_ =	shalt  }
.Lfunc_end0:
.L_simem_size_0:
called_computation_lowered:
.L_overlay_start_0:
0x88: {  	s2 =	sld [smem:$0x3FD9]  }
0x89: {  	s3 =	sld [smem:$0x3FFE];
	_ =	sdelay $0x1  }
0x8a: {  	s1 =	srdreg.scid  }
0x8b: {  	s0 =	sand.u32 $0x1, s1  }
0x8c: {  	s17 =	sshll.u32 s0, $0xA;
	s2 =	sadd.s32 s3, s2  }
0x8d: {  	s2 =	sadd.s32 s2, s17  }
0x8e: {  	[smem:$0x3FC5] =	sst s2  }
0x8f: {  	_ = 	snop  }
0x90: {  	s2 =	sld [smem:$0x3FC9];
	(tm) =	ssettm $0x1  }
0x91: {  	s18 =	sld [smem:$0x3FFB];
	_ =	sdelay $0x3  }
0x92: {  	_ =	strace s18  }
0x93: {  	s3 =	sld [smem:$0x3FFC];
	_ =	sdelay $0x3  }
0x94: {  	_ =	strace s3  }
0x95: {  	s3 =	sld [smem:$0x3FFD];
	_ =	sdelay $0x3  }
0x96: {  	_ =	strace s3  }
0x97: {  	_ =	strace $0x8FFFFFFF  }
0x98: {  	s19 =	sld [smem:$0x3FDB];
	_ =	sdelay $0x1  }
0x99: {  	s4 =	simm.s32 $_scs_section_size  }
0x9a: {  	s5 =	simm.s32 $_size__tile_overlayer_lowered;
	s6 =	simm.s32 $_tile_overlayer_lowered  }
0x9b: {  	s22 =	simm.s32 $0x1BFF;
	s21 =	sshll.u32 s6, $0x1;
	s3 =	sadd.s32 s4, s19  }
0x9c: {  	s7 =	simm.s32 $0x0;
	s20 =	sshll.u32 s5, $0x1;
	s5 =	sadd.s32 s21, s3  }
0x9d: {  	[timem:s7], [sflag:s22] =	dma.local [hbm:s5], s20  }
0x9e: {  	_ =	swait.ge [sflag:s22], s20  }
0x9f: {  	s4 =	ssub.s32 $0x0, s20;
	[sflag:s22] =	ssyncset.done $0x0  }
0xa0: {  	[sflag:s22] =	ssyncadd.s32 s4;
	_ =	sdelay $0x1  }
0xa1: {  	s23 =	simm.s32 $0x1B8B  }
0xa2: {  	_ =	swait.ge [sflag:s23], $0x1  }
0xa3: {  	[sflag:s23] =	ssyncset.done $0x0  }
0xa4: {  	s25 =	simm.s32 $0x1B8E;
	s24 =	sld [smem:$0x3FFE];
	[sflag:s23] =	ssyncadd.s32 $0xFFFFFFFF  }
0xa5: {  	s26 =	simm.s32 $execute0_lowered;
	[smem:$0x3FD2] =	sst s25  }
0xa6: {  	s5 =	sshll.u32 s26, $0x1;
	_ =	strace $0x80000046;
	[dreg:$0x1] =	wrdreg $0xFFFFFFFF  }
0xa7: {  	s28 =	simm.s32 $_size_execute0_lowered;
	s3 =	sadd.s32 s3, s5;
	[dreg:$0x0] =	wrdreg $0x0  }
0xa8: {  	s5 =	sshll.u32 s28, $0x1;
	[dreg:$0x2] =	wrdreg s3  }
0xa9: {  	[dreg:$0x3] =	wrdreg s5  }
0xaa: {  	[dreg:$0x4] =	wrdreg $0xC0  }
0xab: {  	_ =	task [dreg:s7], $0x5FFFF  }
0xac: {  	[dreg:$0x1] =	wrdreg $0xFFFFFFFF  }
0xad: {  	[dreg:$0x0] =	wrdreg $0x60  }
0xae: {  	[dreg:$0x2] =	wrdreg s24  }
0xaf: {  	[dreg:$0x3] =	wrdreg s2  }
0xb0: {  	[dreg:$0x4] =	wrdreg $0x9  }
0xb1: {  	_ =	task.clear_ibuf [dreg:s7], $0x5FFFF;
	_ =	strace $0x90000046  }
0xb2: {  	s29 =	simm.s32 $0x9;
	_ =	strace $0x80000048  }
0xb3: {  	_ =	swait.ge [sflag:s29], $0x1  }
0xb4: {  	[sflag:s29] =	ssyncadd.s32 $0xFFFFFFFF  }
0xb5: {  	_ =	strace $0x90000048  }
0xb6: {  	_ =	sfence  }
0xb7: {  	s30 =	sld [smem:$0x0];
	_ =	sdelay $0x2  }
0xb8: {  	s31 =	sshll.u32 s1, $0xD;
	s1 =	sshrl.u32 s1, $0x2  }
0xb9: {  	s3 =	sand.u32 $0x4000, s31;
	s1 =	sadd.s32 s1, s30  }
0xba: {  	s0 =	sor.u32 s3, s0;
	s1 =	sshll.u32 s1, $0x11  }
0xbb: {  	s0 =	sor.u32 s1, s0  }
0xbc: {  	s0 =	sadd.s32 $0x8F2B, s0  }
0xbd: {  	[sflag:s0] =	ssyncadd.remote.s32 $0x1  }
0xbe: {  	_ =	sfence.sel $0xFFFF  }
0xbf: {  	[dreg:$0x0] =	wrdreg $0xFFFFFFFF;
	(pc) =	sbr.abs _section_cstart, $3  }
0xc0: {  	[dreg:$0x1] =	wrdreg $0xFFFFFFFF  }
0xc1: {  	_ =	task.clear_ibuf [dreg:s7], $0x2FFFF;
	_ =	strace $0x9FFFFFFF  }
0xc2: {  	(tm) =	ssettm $0x7FFFFFFF  }
0xc3: {  	_ =	shalt  }
tec
execute0_lowered:
.L_overlay_start_1:
0x0: {  	(tag) =	ssettag $0x1  }
0x1: {  	s3 =	rddreg [dreg:$0x0]  }
0x2: {  	s1 =	srdreg.scid;
	s0 =	stileid.u32  }
0x3: {  	s6 =	rddreg [dreg:$0x1];
	s2 =	simm.s32 $0x0;
	s19 =	simm.f32 $0.0e+00  }
0x4: {  	s20 =	simm.f32 $3.333333430e-01;
	s21 =	simm.f32 $5.000000000e-01;
	s14 =	simm.s32 $0x800  }
0x5: {  	s15 =	simm.s32 $0x7000;
	s16 =	simm.s32 $0xE000;
	s17 =	simm.s32 $0x15000  }
0x6: {  	s18 =	simm.s32 $0x2;
	s4 =	sand.u32 $0x1, s1;
	s1 =	rddreg [dreg:$0x2]  }
0x7: {  	s5 =	sshll.u32 s0, $0x1;
	[smem:$0x7FF] =	sst s2;
	s10 =	sadd.s32 $0x600, s3  }
0x8: {  	s7 =	sor.u32 s4, s5;
	_ =	strace $0x80000047;
	s28 =	ssub.s32 $0x2, s4  }
0x9: {  	s5 =	smul.u32 $0xE000, s7;
	s8 =	smin.u32 s7, $0x1E;
	s9 =	sshll.u32 s7, $0x4  }
0xa: {  	s4 =	sshrl.u32 s28, $0x1;
	p0 =	seq.s32 s7, $0x1F;
	s8 =	smul.u32 $0xE000, s8  }
0xb: {  	s11 =	sadd.s32 s9, s3;
	s12 =	ssub.s32 s28, s4;
	s19 =	simm.s32 @!p0 $0x3F800000  }
0xc: {  	s20 =	simm.s32 @!p0 $0x3E800000;
	s21 =	simm.s32 @!p0 $0x3EAAAAAB;
	s29 =	sshrl.u32 s5, $0x3  }
0xd: {  	s11 =	sadd.s32 $0x3F600, s11;
	s12 =	smax.u32 s12, $0x1;
	v0 =	vmov s19;
	s19 =	simm.s32 $0x1  }
0xe: {  	v29 =	vmov s21;
	v2 =	vmov s20;
	s20 =	simm.s32 $0x1C000;
	s21 =	simm.s32 $0x0;
	s30 =	sshrl.u32 s8, $0x3  }
0xf: {  	s31 =	sadd.s32 s10, s29;
	s13 =	sadd.s32 s6, s29;
	s10 =	sadd.s32 s10, s30  }
0x10: {  	s3 =	sadd.s32 $0x5400, s31;
	s4 =	sadd.s32 $0x7000, s31;
	s6 =	sadd.s32 $0x150000, s13  }
0x11: {  	s7 =	sadd.s32 $0x5480, s31;
	s8 =	sadd.s32 $0x7080, s31;
	s5 =	sadd.s32 $0x8C00, s10  }
0x12: {  	s9 =	sadd.s32 $0x8C80, s10;
	s10 =	sadd.s32 $0x150080, s13;
	s13 =	simm.s32 $0x400  }
.LBB2_1:
0x13: {  	[tilespmem:s2], [sflag:$0x1] =	stream.strided.gather [hbm4b:s3+s13], $0x7000, s14, s13, $0x38;
	[tilespmem:$0x1C080] =	vst v63  }
0x14: {  	_ = 	snop  }
0x15: {  	[tilespmem:s15], [sflag:$0x1] =	stream.strided.gather [hbm4b:s4+s13], $0x7000, s14, s13, $0x38;
	[tilespmem:$0x1C080] =	vst v63  }
0x16: {  	_ = 	snop  }
0x17: {  	[tilespmem:s16], [sflag:$0x1] =	stream.strided.gather [hbm4b:s5+s13], $0x7000, s14, s13, $0x38;
	[tilespmem:$0x1C080] =	vst v63  }
0x18: {  	_ = 	snop  }
0x19: {  	[tilespmem:s17], [sflag:$0x2] =	stream.strided.gather [hbm4b:s6+s13], $0x7000, s14, s13, $0x38;
	[tilespmem:$0x1C080] =	vst v63  }
0x1a: {  	_ =	swait.ge [sflag:s18], $0x7000  }
0x1b: {  	[sflag:s18] =	ssyncset.done $0x0  }
0x1c: {  	[sflag:s18] =	ssyncadd.s32 $0xFFFF9000  }
0x1d: {  	_ =	swait.ge [sflag:s19], $0x7000  }
0x1e: {  	[sflag:s19] =	ssyncset.done $0x0  }
0x1f: {  	[sflag:s19] =	ssyncadd.s32 $0xFFFF9000  }
0x20: {  	_ =	swait.ge [sflag:s19], $0x7000  }
0x21: {  	[sflag:s19] =	ssyncset.done $0x0  }
0x22: {  	[sflag:s19] =	ssyncadd.s32 $0xFFFF9000  }
0x23: {  	_ =	swait.ge [sflag:s19], $0x7000  }
0x24: {  	[sflag:s19] =	ssyncset.done $0x0  }
0x25: {  	[sflag:s19] =	ssyncadd.s32 $0xFFFF9000  }
0x26: {  	v3 =	vld [tilespmem:$0x0]  }
0x27: {  	v4 =	vld [tilespmem:$0xE000]  }
0x28: {  	v5 =	vld [tilespmem:$0x7080]  }
0x29: {  	v6 =	vld [tilespmem:$0x15000]  }
0x2a: {  	v7 =	vld [tilespmem:$0x10]  }
0x2b: {  	v8 =	vld [tilespmem:$0xE010]  }
0x2c: {  	v9 =	vld [tilespmem:$0x7090]  }
0x2d: {  	v10 =	vld [tilespmem:$0x15010]  }
0x2e: {  	v11 =	vld [tilespmem:$0x20]  }
0x2f: {  	v12 =	vld [tilespmem:$0xE020]  }
0x30: {  	v13 =	vld [tilespmem:$0x70A0]  }
0x31: {  	v14 =	vld [tilespmem:$0x15020]  }
0x32: {  	v15 =	vld [tilespmem:$0x30]  }
0x33: {  	v16 =	vld [tilespmem:$0xE030]  }
0x34: {  	v17 =	vld [tilespmem:$0x70B0]  }
0x35: {  	v18 =	vld [tilespmem:$0x15030]  }
0x36: {  	v19 =	vld [tilespmem:$0x40]  }
0x37: {  	v20 =	vld [tilespmem:$0xE040]  }
0x38: {  	v21 =	vld [tilespmem:$0x70C0]  }
0x39: {  	v22 =	vld [tilespmem:$0x15040]  }
0x3a: {  	v23 =	vld [tilespmem:$0x50];
	v4 =	vmul.f32 v4, v0  }
0x3b: {  	v24 =	vld [tilespmem:$0xE050]  }
0x3c: {  	v25 =	vld [tilespmem:$0x15050];
	v3 =	vadd.f32 v4, v3;
	v4 =	vmul.f32 v8, v0  }
0x3d: {  	s22 =	simm.s32 $0x0;
	v26 =	vld [tilespmem:$0x70E0]  }
0x3e: {  	v28 =	vld [tilespmem:s22+$0xE0D0];
	v3 =	vadd.f32 v3, v5;
	v4 =	vadd.f32 v4, v7  }
0x3f: {  	v32 =	vld [tilespmem:s22+$0xB0];
	v5 =	vmul.f32 v12, v0  }
0x40: {  	v36 =	vld [tilespmem:s22+$0x7100];
	v3 =	vmul.f32 v3, v29;
	v4 =	vadd.f32 v4, v9  }
0x41: {  	v37 =	vld [tilespmem:s22+$0xA0];
	v5 =	vadd.f32 v5, v11;
	v9 =	vmul.f32 v16, v0  }
0x42: {  	v8 =	vld [tilespmem:$0x70D0];
	v3 =	vsub.f32 v6, v3;
	v4 =	vmul.f32 v4, v29  }
0x43: {  	v12 =	vld [tilespmem:$0xE060];
	v5 =	vadd.f32 v5, v13;
	v6 =	vadd.f32 v9, v15;
	v9 =	vmul.f32 v20, v0  }
0x44: {  	v7 =	vld [tilespmem:$0x60];
	v15 =	vmul.f32 v3, v3;
	v3 =	vsub.f32 v10, v4  }
0x45: {  	v13 =	vld [tilespmem:$0xE070];
	v4 =	vmul.f32 v5, v29;
	v5 =	vadd.f32 v6, v17;
	v6 =	vadd.f32 v9, v19  }
0x46: {  	v38 =	vld [tilespmem:s22+$0x7000];
	v10 =	vmul.f32 v24, v0;
	v9 =	vmul.f32 v3, v3  }
0x47: {  	v11 =	vld [tilespmem:$0x70];
	v14 =	vsub.f32 v14, v4;
	v5 =	vmul.f32 v5, v29;
	v6 =	vadd.f32 v6, v21  }
0x48: {  	v16 =	vld [tilespmem:$0x15060];
	v12 =	vmul.f32 v12, v0;
	v10 =	vadd.f32 v10, v23;
	v15 =	vadd.f32 v9, v15  }
0x49: {  	v20 =	vld [tilespmem:$0x70F0];
	v14 =	vmul.f32 v14, v14;
	v18 =	vsub.f32 v18, v5;
	v19 =	vmul.f32 v6, v29  }
0x4a: {  	v17 =	vld [tilespmem:$0x15070];
	v7 =	vadd.f32 v12, v7;
	v8 =	vadd.f32 v10, v8;
	v10 =	vmul.f32 v13, v0  }
0x4b: {  	v3 =	vld [tilespmem:s22+$0x7160];
	v12 =	vadd.f32 v14, v15;
	v13 =	vmul.f32 v18, v18;
	v14 =	vsub.f32 v22, v19  }
0x4c: {  	v4 =	vld [tilespmem:s22+$0x7150];
	v8 =	vmul.f32 v8, v29;
	v15 =	vadd.f32 v7, v26;
	v11 =	vadd.f32 v10, v11  }
0x4d: {  	v9 =	vld [tilespmem:s22+$0xF0];
	v13 =	vadd.f32 v13, v12;
	v14 =	vmul.f32 v14, v14  }
0x4e: {  	v5 =	vld [tilespmem:s22+$0x7140];
	v8 =	vsub.f32 v25, v8;
	v15 =	vmul.f32 v15, v29;
	v18 =	vadd.f32 v11, v20  }
0x4f: {  	v6 =	vld [tilespmem:s22+$0xE0];
	v14 =	vadd.f32 v14, v13  }
0x50: {  	v19 =	vld [tilespmem:s22+$0xE0F0];
	v8 =	vmul.f32 v8, v8;
	v15 =	vsub.f32 v16, v15;
	v16 =	vmul.f32 v18, v29  }
0x51: {  	v7 =	vld [tilespmem:s22+$0x7130]  }
0x52: {  	v10 =	vld [tilespmem:s22+$0xD0];
	v8 =	vadd.f32 v8, v14;
	v14 =	vmul.f32 v15, v15;
	v15 =	vsub.f32 v17, v16  }
0x53: {  	v22 =	vld [tilespmem:s22+$0x7110]  }
0x54: {  	v12 =	vld [tilespmem:s22+$0xE0E0];
	v8 =	vadd.f32 v14, v8;
	v14 =	vmul.f32 v15, v15  }
0x55: {  	v11 =	vld [tilespmem:s22+$0x15080]  }
0x56: {  	s23 =	simm.s32 $0x200;
	v13 =	vld [tilespmem:s22+$0x7030];
	v8 =	vadd.f32 v14, v8  }
.LBB2_2:
0x57: {  	p0 =	sne.s32 s23, $0x1BA00;
	v14 =	vld [tilespmem:s22+$0xE080]  }
0x58: {  	v15 =	vld [tilespmem:s22+$0x80]  }
0x59: {  	v16 =	vld [tilespmem:s22+$0xE090]  }
0x5a: {  	v17 =	vld [tilespmem:s22+$0xE0A0]  }
0x5b: {  	v18 =	vld [tilespmem:s22+$0x90]  }
0x5c: {  	v14 =	vmul.f32 v14, v0;
	v20 =	vld [tilespmem:s22+$0xE0B0]  }
0x5d: {  	v19 =	vmul.f32 v19, v0;
	v21 =	vld [tilespmem:s22+$0x7010]  }
0x5e: {  	v14 =	vadd.f32 v14, v15;
	v15 =	vmul.f32 v16, v0;
	v16 =	vld [tilespmem:s22+$0xE0C0]  }
0x5f: {  	v12 =	vmul.f32 v12, v0;
	v9 =	vadd.f32 v19, v9;
	v17 =	vmul.f32 v17, v0;
	v23 =	vld [tilespmem:s22+$0x7020]  }
0x60: {  	v19 =	vmul.f32 v28, v0;
	v14 =	vadd.f32 v14, v38;
	v15 =	vadd.f32 v15, v18;
	v18 =	vld [tilespmem:s22+$0xC0]  }
0x61: {  	v6 =	vadd.f32 v12, v6;
	v17 =	vadd.f32 v17, v37;
	v24 =	vld [tilespmem:s22+$0x7120];
	v20 =	vmul.f32 v20, v0  }
0x62: {  	v12 =	vadd.f32 v14, v36;
	v14 =	vadd.f32 v15, v21;
	v15 =	vld [tilespmem:s22+$0x7040]  }
0x63: {  	v10 =	vadd.f32 v19, v10;
	v21 =	vld [tilespmem:s22+$0x15090];
	v20 =	vadd.f32 v20, v32;
	v16 =	vmul.f32 v16, v0  }
0x64: {  	v12 =	vmul.f32 v12, v2;
	v14 =	vadd.f32 v14, v22;
	v17 =	vadd.f32 v17, v23;
	v19 =	vld [tilespmem:s22+$0x7050]  }
0x65: {  	v22 =	vld [tilespmem:s22+$0x150A0];
	v13 =	vadd.f32 v20, v13;
	v16 =	vadd.f32 v16, v18  }
0x66: {  	v11 =	vsub.f32 v11, v12;
	v12 =	vmul.f32 v14, v2;
	v14 =	vadd.f32 v17, v24;
	v17 =	vld [tilespmem:s22+$0x7060]  }
0x67: {  	v7 =	vadd.f32 v13, v7;
	v13 =	vld [tilespmem:s22+$0x150B0];
	v15 =	vadd.f32 v16, v15  }
0x68: {  	v11 =	vmul.f32 v11, v11;
	v12 =	vsub.f32 v21, v12;
	v14 =	vmul.f32 v14, v2;
	v16 =	vld [tilespmem:s22+$0x7070]  }
0x69: {  	v7 =	vmul.f32 v7, v2;
	v5 =	vadd.f32 v15, v5;
	v15 =	vld [tilespmem:s22+$0x150C0];
	v10 =	vadd.f32 v10, v19  }
0x6a: {  	v8 =	vadd.f32 v11, v8;
	v11 =	vmul.f32 v12, v12;
	v12 =	vsub.f32 v22, v14;
	v14 =	vld [tilespmem:s22+$0x7170]  }
0x6b: {  	v5 =	vmul.f32 v5, v2;
	v4 =	vadd.f32 v10, v4;
	v10 =	vld [tilespmem:s22+$0x150D0];
	v6 =	vadd.f32 v6, v17  }
0x6c: {  	v8 =	vadd.f32 v11, v8;
	v11 =	vmul.f32 v12, v12;
	v7 =	vsub.f32 v13, v7;
	v12 =	vld [tilespmem:s22+$0x150F0]  }
0x6d: {  	v13 =	vmul.f32 v4, v2;
	v6 =	vadd.f32 v6, v3;
	v17 =	vld [tilespmem:s22+$0x150E0];
	s22 =	sshra.s32 s23, $0x2;
	v9 =	vadd.f32 v9, v16  }
0x6e: {  	v3 =	vld [tilespmem:s22+$0x7160];
	v8 =	vadd.f32 v11, v8;
	v7 =	vmul.f32 v7, v7;
	v5 =	vsub.f32 v15, v5  }
0x6f: {  	v4 =	vld [tilespmem:s22+$0x7150];
	v11 =	vmul.f32 v6, v2;
	v6 =	vadd.f32 v9, v14  }
0x70: {  	v9 =	vld [tilespmem:s22+$0xF0];
	v7 =	vadd.f32 v7, v8;
	v8 =	vmul.f32 v5, v5;
	v10 =	vsub.f32 v10, v13  }
0x71: {  	v5 =	vld [tilespmem:s22+$0x7140];
	v13 =	vmul.f32 v6, v2  }
0x72: {  	v6 =	vld [tilespmem:s22+$0xE0];
	v8 =	vadd.f32 v8, v7;
	v10 =	vmul.f32 v10, v10;
	v11 =	vsub.f32 v17, v11  }
0x73: {  	v19 =	vld [tilespmem:s22+$0xE0F0]  }
0x74: {  	v13 =	vsub.f32 v12, v13;
	v7 =	vld [tilespmem:s22+$0x7130];
	v8 =	vadd.f32 v10, v8;
	v11 =	vmul.f32 v11, v11  }
0x75: {  	v10 =	vld [tilespmem:s22+$0xD0]  }
0x76: {  	v14 =	vmul.f32 v13, v13;
	v12 =	vld [tilespmem:s22+$0xE0E0];
	v8 =	vadd.f32 v11, v8  }
0x77: {  	v11 =	vld [tilespmem:s22+$0x15080]  }
0x78: {  	v13 =	vld [tilespmem:s22+$0x7030];
	v8 =	vadd.f32 v14, v8  }
0x79: {  	v28 =	vld [tilespmem:s22+$0xE0D0]  }
.Ltmp0:
0x7a: {  	v22 =	vld [tilespmem:s22+$0x7110];
	(pc) =	sbr.rel @p0 .LBB2_2-.Ltmp0, $4  }
0x7b: {  	v32 =	vld [tilespmem:s22+$0xB0]  }
0x7c: {  	v36 =	vld [tilespmem:s22+$0x7100]  }
0x7d: {  	v37 =	vld [tilespmem:s22+$0xA0]  }
0x7e: {  	s23 =	sadd.s32 $0x200, s23;
	v38 =	vld [tilespmem:s22+$0x7000]  }
0x7f: {  	v1 =	vld [tilespmem:$0x1BFA0];
	_ =	sdelay $0x4  }
0x80: {  	[tilespmem:$0x1FF40] =	vst v1;
	v1 =	vld [tilespmem:$0x1BFB0];
	_ =	sdelay $0x4  }
0x81: {  	[tilespmem:$0x1FF60] =	vst v1;
	v1 =	vld [tilespmem:$0xDF40];
	_ =	sdelay $0x1  }
0x82: {  	v14 =	vld [tilespmem:s22+$0xE080]  }
0x83: {  	v39 =	vld [tilespmem:s22+$0x80]  }
0x84: {  	v40 =	vld [tilespmem:s22+$0xE090]  }
0x85: {  	[tilespmem:$0x1FF50] =	vst v1;
	v1 =	vld [tilespmem:$0x1BFC0]  }
0x86: {  	v41 =	vld [tilespmem:s22+$0xE0A0]  }
0x87: {  	v42 =	vld [tilespmem:s22+$0x90]  }
0x88: {  	v43 =	vld [tilespmem:s22+$0xE0B0]  }
0x89: {  	v44 =	vld [tilespmem:s22+$0x7010]  }
0x8a: {  	[tilespmem:$0x1FFA0] =	vst v1;
	v1 =	vld [tilespmem:$0xDF50]  }
0x8b: {  	v45 =	vld [tilespmem:s22+$0xE0C0]  }
0x8c: {  	v46 =	vld [tilespmem:s22+$0x7020]  }
0x8d: {  	v47 =	vld [tilespmem:s22+$0xC0]  }
0x8e: {  	v48 =	vld [tilespmem:s22+$0x7120]  }
0x8f: {  	[tilespmem:$0x1FF70] =	vst v1;
	v1 =	vld [tilespmem:$0x1BFD0]  }
0x90: {  	v49 =	vld [tilespmem:s22+$0x7040]  }
0x91: {  	v50 =	vld [tilespmem:s22+$0x15090]  }
0x92: {  	v51 =	vld [tilespmem:s22+$0x7050]  }
0x93: {  	v52 =	vld [tilespmem:s22+$0x150A0]  }
0x94: {  	[tilespmem:$0x1FFD0] =	vst v1;
	v1 =	vld [tilespmem:$0x6FE0]  }
0x95: {  	v53 =	vld [tilespmem:s22+$0x7060]  }
0x96: {  	v54 =	vld [tilespmem:s22+$0x150B0]  }
0x97: {  	v55 =	vld [tilespmem:s22+$0x7070]  }
0x98: {  	v56 =	vld [tilespmem:s22+$0x150C0]  }
0x99: {  	[tilespmem:$0x1FF80] =	vst v1;
	v1 =	vld [tilespmem:$0xDF60]  }
0x9a: {  	v57 =	vld [tilespmem:s22+$0x7170]  }
0x9b: {  	v58 =	vld [tilespmem:s22+$0x150D0]  }
0x9c: {  	v59 =	vld [tilespmem:s22+$0x150F0]  }
0x9d: {  	v60 =	vld [tilespmem:s22+$0x150E0]  }
0x9e: {  	[tilespmem:$0x1FFB0] =	vst v1;
	v1 =	vld [tilespmem:$0x1BFE0]  }
0x9f: {  	v61 =	vld [tilespmem:$0x6F80]  }
0xa0: {  	v62 =	vld [tilespmem:$0x14F80]  }
0xa1: {  	v63 =	vld [tilespmem:$0xDF00]  }
0xa2: {  	v27 =	vld [tilespmem:$0x1BF80]  }
0xa3: {  	[tilespmem:$0x1FFF0] =	vst v1;
	v1 =	vld [tilespmem:$0x6FF0]  }
0xa4: {  	v17 =	vld [tilespmem:$0x6F90]  }
0xa5: {  	v15 =	vld [tilespmem:$0x14F90]  }
0xa6: {  	v21 =	vld [tilespmem:$0xDF10]  }
0xa7: {  	v30 =	vld [tilespmem:$0x1BF90]  }
0xa8: {  	[tilespmem:$0x1FFC0] =	vst v1;
	v1 =	vld [tilespmem:$0x14FF0]  }
0xa9: {  	v20 =	vld [tilespmem:$0x6FA0]  }
0xaa: {  	v16 =	vld [tilespmem:$0x14FA0]  }
0xab: {  	v24 =	vld [tilespmem:$0xDF20]  }
0xac: {  	v25 =	vld [tilespmem:$0x6FB0]  }
0xad: {  	[tilespmem:$0x1FF90] =	vst v1;
	v1 =	vld [tilespmem:$0xDF70]  }
0xae: {  	v18 =	vld [tilespmem:$0x14FB0]  }
0xaf: {  	v35 =	vld [tilespmem:$0xDF30]  }
0xb0: {  	v33 =	vld [tilespmem:$0x6FC0]  }
0xb1: {  	v23 =	vld [tilespmem:$0x14FC0]  }
0xb2: {  	v31 =	vld [tilespmem:$0x6FD0];
	[tilespmem:$0x1FFE0] =	vst v1;
	v1 =	vmul.f32 v14, v0  }
0xb3: {  	v26 =	vld [tilespmem:$0x14FD0];
	v12 =	vmul.f32 v12, v0  }
0xb4: {  	v34 =	vld [tilespmem:$0x14FE0];
	s31 =	simm.s32 $0x0;
	v19 =	vmul.f32 v19, v0;
	v1 =	vadd.f32 v1, v39  }
0xb5: {  	v6 =	vadd.f32 v12, v6;
	v14 =	vld [tilespmem:$0x1BFF0];
	[tilespmem:s31], [sflag:$0x1] =	stream.strided.gather [hbm4b:s7+s13], $0x7000, s14, s13, $0x38;
	v39 =	vmul.f32 v40, v0  }
0xb6: {  	v9 =	vadd.f32 v19, v9;
	v43 =	vmul.f32 v43, v0;
	v1 =	vadd.f32 v1, v38  }
0xb7: {  	v6 =	vadd.f32 v6, v53;
	[tilespmem:s15], [sflag:$0x1] =	stream.strided.gather [hbm4b:s8+s13], $0x7000, s14, s13, $0x38;
	v38 =	vadd.f32 v39, v42;
	v42 =	vmul.f32 v41, v0;
	[tilespmem:$0x1C080] =	vst v63  }
0xb8: {  	v19 =	vadd.f32 v43, v32;
	v1 =	vadd.f32 v1, v36  }
0xb9: {  	[tilespmem:s16], [sflag:$0x1] =	stream.strided.gather [hbm4b:s9+s13], $0x7000, s14, s13, $0x38;
	v37 =	vadd.f32 v42, v37;
	v38 =	vadd.f32 v38, v44;
	[tilespmem:$0x1C080] =	vst v63  }
0xba: {  	v3 =	vadd.f32 v6, v3;
	v13 =	vadd.f32 v19, v13;
	v1 =	vmul.f32 v1, v2  }
0xbb: {  	[tilespmem:s17], [sflag:$0x2] =	stream.strided.gather [hbm4b:s10+s13], $0x7000, s14, s13, $0x38;
	v22 =	vadd.f32 v38, v22;
	v46 =	vadd.f32 v37, v46;
	[tilespmem:$0x1C080] =	vst v63  }
0xbc: {  	_ =	swait.ge [sflag:s18], $0x7000;
	v1 =	vsub.f32 v11, v1;
	v11 =	vmul.f32 v28, v0;
	v28 =	vmul.f32 v45, v0  }
0xbd: {  	v7 =	vadd.f32 v13, v7;
	[sflag:s18] =	ssyncset.done $0x0;
	v19 =	vadd.f32 v46, v48;
	v22 =	vmul.f32 v22, v2  }
0xbe: {  	[sflag:s18] =	ssyncadd.s32 $0xFFFF9000;
	v10 =	vadd.f32 v11, v10;
	v11 =	vadd.f32 v28, v47  }
0xbf: {  	_ =	swait.ge [sflag:s19], $0x7000;
	v1 =	vmul.f32 v1, v1;
	v13 =	vsub.f32 v50, v22;
	v19 =	vmul.f32 v19, v2  }
0xc0: {  	v6 =	vadd.f32 v9, v55;
	v7 =	vmul.f32 v7, v2;
	[sflag:s19] =	ssyncset.done $0x0;
	v11 =	vadd.f32 v11, v49  }
0xc1: {  	[sflag:s19] =	ssyncadd.s32 $0xFFFF9000;
	v1 =	vadd.f32 v1, v8;
	v8 =	vsub.f32 v52, v19;
	v13 =	vmul.f32 v13, v13  }
0xc2: {  	_ =	swait.ge [sflag:s19], $0x7000;
	v10 =	vadd.f32 v10, v51;
	v5 =	vadd.f32 v11, v5  }
0xc3: {  	v9 =	vmul.f32 v62, v0;
	v7 =	vsub.f32 v54, v7;
	[sflag:s19] =	ssyncset.done $0x0;
	v1 =	vadd.f32 v13, v1  }
0xc4: {  	[sflag:s19] =	ssyncadd.s32 $0xFFFF9000;
	v8 =	vmul.f32 v8, v8;
	v4 =	vadd.f32 v10, v4;
	v5 =	vmul.f32 v5, v2  }
0xc5: {  	v6 =	vadd.f32 v6, v57;
	v3 =	vmul.f32 v3, v2;
	v7 =	vmul.f32 v7, v7;
	_ =	swait.ge [sflag:s19], $0x7000  }
0xc6: {  	v57 =	vld [tilespmem:$0x1FF50];
	v1 =	vadd.f32 v8, v1;
	v4 =	vmul.f32 v4, v2;
	v5 =	vsub.f32 v56, v5  }
0xc7: {  	v9 =	vadd.f32 v9, v61;
	v3 =	vsub.f32 v60, v3;
	v60 =	vld [tilespmem:$0x1FF70]  }
0xc8: {  	[sflag:s19] =	ssyncset.done $0x0;
	v61 =	vld [tilespmem:$0x1FF80];
	v1 =	vadd.f32 v7, v1;
	v4 =	vsub.f32 v58, v4;
	v5 =	vmul.f32 v5, v5  }
0xc9: {  	v6 =	vmul.f32 v6, v2;
	v28 =	vld [tilespmem:$0x1FFA0];
	[sflag:s19] =	ssyncadd.s32 $0xFFFF9000  }
0xca: {  	v9 =	vadd.f32 v9, v63;
	v8 =	vld [tilespmem:$0x0];
	v4 =	vmul.f32 v4, v4;
	v1 =	vadd.f32 v5, v1  }
0xcb: {  	v3 =	vmul.f32 v3, v3;
	v10 =	vld [tilespmem:$0xE000];
	v5 =	vmul.f32 v15, v0  }
0xcc: {  	v6 =	vsub.f32 v59, v6;
	v9 =	vmul.f32 v9, v29;
	v11 =	vld [tilespmem:$0x15000];
	v1 =	vadd.f32 v4, v1  }
0xcd: {  	v12 =	vld [tilespmem:$0x10];
	v4 =	vadd.f32 v5, v17;
	v5 =	vmul.f32 v16, v0  }
0xce: {  	v13 =	vld [tilespmem:$0xE010];
	v1 =	vadd.f32 v3, v1;
	v3 =	vmul.f32 v6, v6;
	v6 =	vsub.f32 v27, v9  }
0xcf: {  	v19 =	vld [tilespmem:$0x70A0];
	v4 =	vadd.f32 v4, v21;
	v5 =	vadd.f32 v5, v20  }
0xd0: {  	v1 =	vadd.f32 v3, v1;
	v3 =	vmul.f32 v6, v6;
	v6 =	vmul.f32 v23, v0;
	v23 =	vld [tilespmem:$0x1FF40]  }
0xd1: {  	v22 =	vld [tilespmem:$0xE030];
	v5 =	vadd.f32 v5, v24;
	v4 =	vmul.f32 v4, v29  }
0xd2: {  	v59 =	vld [tilespmem:$0x15030]  }
0xd3: {  	v62 =	vld [tilespmem:$0xE040];
	v4 =	vsub.f32 v30, v4;
	v5 =	vmul.f32 v5, v29  }
0xd4: {  	v63 =	vld [tilespmem:$0x15050];
	v17 =	vmul.f32 v18, v0  }
0xd5: {  	v7 =	vld [tilespmem:$0x7080];
	v1 =	vadd.f32 v3, v1;
	v4 =	vmul.f32 v4, v4;
	v5 =	vsub.f32 v23, v5  }
0xd6: {  	v15 =	vld [tilespmem:$0x7090];
	v17 =	vadd.f32 v17, v25  }
0xd7: {  	v1 =	vadd.f32 v4, v1;
	v4 =	vmul.f32 v5, v5;
	v5 =	vld [tilespmem:$0x1FF60]  }
0xd8: {  	v16 =	vld [tilespmem:$0x15010];
	v17 =	vadd.f32 v17, v35  }
0xd9: {  	v18 =	vld [tilespmem:$0x20];
	v3 =	vadd.f32 v6, v33;
	v6 =	vmul.f32 v26, v0  }
0xda: {  	v9 =	vld [tilespmem:$0xE020];
	v17 =	vmul.f32 v17, v29  }
0xdb: {  	v20 =	vld [tilespmem:$0x15020];
	v3 =	vadd.f32 v3, v57;
	v6 =	vadd.f32 v6, v31  }
0xdc: {  	v30 =	vld [tilespmem:$0x1FFD0];
	v5 =	vsub.f32 v5, v17  }
0xdd: {  	v21 =	vld [tilespmem:$0x30];
	v6 =	vadd.f32 v6, v60;
	v3 =	vmul.f32 v3, v29  }
0xde: {  	v1 =	vadd.f32 v4, v1;
	v4 =	vmul.f32 v5, v5;
	v5 =	vld [tilespmem:$0x1FF90]  }
0xdf: {  	v3 =	vsub.f32 v28, v3;
	v6 =	vmul.f32 v6, v29;
	v28 =	vld [tilespmem:$0x1FFB0]  }
0xe0: {  	v58 =	vmul.f32 v34, v0;
	v1 =	vadd.f32 v4, v1;
	v4 =	vld [tilespmem:$0x1FFC0]  }
0xe1: {  	v27 =	vld [tilespmem:$0x70C0];
	v3 =	vmul.f32 v3, v3;
	v6 =	vsub.f32 v30, v6  }
0xe2: {  	v24 =	vadd.f32 v58, v61;
	v31 =	vld [tilespmem:$0x1FFE0]  }
0xe3: {  	v1 =	vadd.f32 v3, v1;
	v3 =	vmul.f32 v6, v6;
	v6 =	vld [tilespmem:$0x1FFF0];
	v5 =	vmul.f32 v5, v0  }
0xe4: {  	v23 =	vld [tilespmem:$0x70B0];
	v24 =	vadd.f32 v24, v28  }
0xe5: {  	v30 =	vld [tilespmem:$0xE050];
	v4 =	vadd.f32 v5, v4;
	v5 =	vmul.f32 v10, v0  }
0xe6: {  	v17 =	vld [tilespmem:$0x40];
	v24 =	vmul.f32 v24, v29  }
0xe7: {  	v28 =	vld [tilespmem:$0x15040];
	v4 =	vadd.f32 v4, v31;
	v5 =	vadd.f32 v5, v8  }
0xe8: {  	v10 =	vld [tilespmem:$0x50];
	v8 =	vmul.f32 v13, v0;
	v6 =	vsub.f32 v6, v24  }
0xe9: {  	v1 =	vadd.f32 v3, v1;
	v13 =	vld [tilespmem:$0x70D0];
	v5 =	vadd.f32 v5, v7;
	v4 =	vmul.f32 v4, v29  }
0xea: {  	v7 =	vadd.f32 v8, v12;
	v8 =	vld [tilespmem:$0x60];
	v3 =	vmul.f32 v6, v6;
	v6 =	vmul.f32 v9, v0  }
0xeb: {  	v9 =	vld [tilespmem:$0xE060];
	v4 =	vsub.f32 v14, v4  }
0xec: {  	v12 =	vld [tilespmem:$0x70E0];
	v5 =	vmul.f32 v5, v29;
	v1 =	vadd.f32 v3, v1;
	v3 =	vadd.f32 v6, v18  }
0xed: {  	v7 =	vadd.f32 v7, v15;
	v6 =	vmul.f32 v22, v0;
	v14 =	vld [tilespmem:$0x15060];
	v15 =	vmul.f32 v62, v0  }
0xee: {  	v18 =	vld [tilespmem:$0xE070];
	v4 =	vmul.f32 v4, v4;
	v5 =	vsub.f32 v11, v5;
	v3 =	vadd.f32 v3, v19  }
0xef: {  	v7 =	vmul.f32 v7, v29;
	v11 =	vld [tilespmem:$0x70];
	v6 =	vadd.f32 v6, v21;
	v15 =	vadd.f32 v15, v17  }
0xf0: {  	v19 =	vld [tilespmem:$0x15070];
	v17 =	vmul.f32 v30, v0;
	v9 =	vmul.f32 v9, v0;
	v1 =	vadd.f32 v4, v1  }
0xf1: {  	s22 =	simm.s32 $0x0;
	v4 =	vmul.f32 v5, v5;
	v5 =	vsub.f32 v16, v7;
	v16 =	vld [tilespmem:$0x70F0];
	v6 =	vadd.f32 v6, v23  }
0xf2: {  	v7 =	vmul.f32 v3, v29;
	v3 =	vld [tilespmem:s22+$0x7160];
	v15 =	vadd.f32 v15, v27;
	v10 =	vadd.f32 v17, v10  }
0xf3: {  	v8 =	vadd.f32 v9, v8;
	v9 =	vld [tilespmem:s22+$0xE0F0];
	v1 =	vadd.f32 v4, v1  }
0xf4: {  	v5 =	vmul.f32 v5, v5;
	v7 =	vsub.f32 v20, v7;
	v20 =	vmul.f32 v6, v29;
	v4 =	vld [tilespmem:s22+$0x7150]  }
0xf5: {  	v18 =	vmul.f32 v18, v0;
	v6 =	vld [tilespmem:s22+$0xF0];
	v15 =	vmul.f32 v15, v29;
	v13 =	vadd.f32 v10, v13  }
0xf6: {  	v10 =	vld [tilespmem:s22+$0xE0];
	v1 =	vadd.f32 v5, v1;
	v7 =	vmul.f32 v7, v7;
	v17 =	vsub.f32 v59, v20  }
0xf7: {  	v8 =	vadd.f32 v8, v12;
	v11 =	vadd.f32 v18, v11;
	v12 =	vld [tilespmem:s22+$0xD0];
	v13 =	vmul.f32 v13, v29  }
0xf8: {  	v5 =	vld [tilespmem:s22+$0x7140];
	v15 =	vsub.f32 v28, v15;
	v1 =	vadd.f32 v7, v1;
	v17 =	vmul.f32 v17, v17  }
0xf9: {  	v20 =	vld [tilespmem:s22+$0x7000];
	v8 =	vmul.f32 v8, v29;
	v13 =	vsub.f32 v63, v13  }
0xfa: {  	v7 =	vld [tilespmem:s22+$0x7130];
	v15 =	vmul.f32 v15, v15;
	v1 =	vadd.f32 v17, v1;
	v17 =	vadd.f32 v11, v16  }
0xfb: {  	v8 =	vsub.f32 v14, v8;
	v16 =	vld [tilespmem:s22+$0xE0E0]  }
0xfc: {  	v11 =	vld [tilespmem:s22+$0x15080];
	v1 =	vadd.f32 v15, v1;
	v15 =	vmul.f32 v13, v13;
	v14 =	vmul.f32 v17, v29  }
0xfd: {  	v13 =	vld [tilespmem:s22+$0x7030]  }
0xfe: {  	v8 =	vmul.f32 v8, v8;
	v17 =	vld [tilespmem:s22+$0xE0D0];
	v1 =	vadd.f32 v15, v1;
	v18 =	vsub.f32 v19, v14  }
0xff: {  	v14 =	vld [tilespmem:s22+$0x7110]  }
0x100: {  	v15 =	vld [tilespmem:s22+$0xB0];
	v1 =	vadd.f32 v8, v1;
	v8 =	vmul.f32 v18, v18  }
0x101: {  	v19 =	vld [tilespmem:s22+$0xA0]  }
0x102: {  	s23 =	simm.s32 $0x200;
	v18 =	vld [tilespmem:s22+$0x7100];
	v8 =	vadd.f32 v8, v1  }
.LBB2_4:
0x103: {  	p0 =	sne.s32 s23, $0x1BA00;
	v1 =	vld [tilespmem:s22+$0xE080]  }
0x104: {  	v21 =	vld [tilespmem:s22+$0x80]  }
0x105: {  	v22 =	vld [tilespmem:s22+$0xE090]  }
0x106: {  	v23 =	vld [tilespmem:s22+$0xE0A0]  }
0x107: {  	v24 =	vld [tilespmem:s22+$0x90]  }
0x108: {  	v1 =	vmul.f32 v1, v0;
	v25 =	vld [tilespmem:s22+$0xE0B0]  }
0x109: {  	v9 =	vmul.f32 v9, v0;
	v26 =	vld [tilespmem:s22+$0x7010]  }
0x10a: {  	v1 =	vadd.f32 v1, v21;
	v21 =	vmul.f32 v22, v0;
	v22 =	vld [tilespmem:s22+$0xE0C0]  }
0x10b: {  	v16 =	vmul.f32 v16, v0;
	v6 =	vadd.f32 v9, v6;
	v23 =	vmul.f32 v23, v0;
	v27 =	vld [tilespmem:s22+$0x7020]  }
0x10c: {  	v17 =	vmul.f32 v17, v0;
	v1 =	vadd.f32 v1, v20;
	v9 =	vadd.f32 v21, v24;
	v20 =	vld [tilespmem:s22+$0xC0]  }
0x10d: {  	v10 =	vadd.f32 v16, v10;
	v19 =	vadd.f32 v23, v19;
	v21 =	vld [tilespmem:s22+$0x7120];
	v23 =	vmul.f32 v25, v0  }
0x10e: {  	v1 =	vadd.f32 v1, v18;
	v9 =	vadd.f32 v9, v26;
	v16 =	vld [tilespmem:s22+$0x7040]  }
0x10f: {  	v12 =	vadd.f32 v17, v12;
	v18 =	vld [tilespmem:s22+$0x15090];
	v15 =	vadd.f32 v23, v15;
	v22 =	vmul.f32 v22, v0  }
0x110: {  	v1 =	vmul.f32 v1, v2;
	v9 =	vadd.f32 v9, v14;
	v14 =	vadd.f32 v19, v27;
	v17 =	vld [tilespmem:s22+$0x7050]  }
0x111: {  	v19 =	vld [tilespmem:s22+$0x150A0];
	v13 =	vadd.f32 v15, v13;
	v15 =	vadd.f32 v22, v20  }
0x112: {  	v1 =	vsub.f32 v11, v1;
	v9 =	vmul.f32 v9, v2;
	v11 =	vadd.f32 v14, v21;
	v14 =	vld [tilespmem:s22+$0x7060]  }
0x113: {  	v7 =	vadd.f32 v13, v7;
	v13 =	vld [tilespmem:s22+$0x150B0];
	v15 =	vadd.f32 v15, v16  }
0x114: {  	v1 =	vmul.f32 v1, v1;
	v9 =	vsub.f32 v18, v9;
	v11 =	vmul.f32 v11, v2;
	v16 =	vld [tilespmem:s22+$0x7070]  }
0x115: {  	v7 =	vmul.f32 v7, v2;
	v5 =	vadd.f32 v15, v5;
	v15 =	vld [tilespmem:s22+$0x150C0];
	v12 =	vadd.f32 v12, v17  }
0x116: {  	v1 =	vadd.f32 v1, v8;
	v8 =	vmul.f32 v9, v9;
	v9 =	vsub.f32 v19, v11;
	v11 =	vld [tilespmem:s22+$0x7170]  }
0x117: {  	v5 =	vmul.f32 v5, v2;
	v4 =	vadd.f32 v12, v4;
	v12 =	vld [tilespmem:s22+$0x150D0];
	v10 =	vadd.f32 v10, v14  }
0x118: {  	v1 =	vadd.f32 v8, v1;
	v8 =	vmul.f32 v9, v9;
	v7 =	vsub.f32 v13, v7;
	v13 =	vld [tilespmem:s22+$0x150F0]  }
0x119: {  	v9 =	vmul.f32 v4, v2;
	v10 =	vadd.f32 v10, v3;
	v14 =	vld [tilespmem:s22+$0x150E0];
	s22 =	sshra.s32 s23, $0x2;
	v6 =	vadd.f32 v6, v16  }
0x11a: {  	v3 =	vld [tilespmem:s22+$0x7160];
	v1 =	vadd.f32 v8, v1;
	v7 =	vmul.f32 v7, v7;
	v5 =	vsub.f32 v15, v5  }
0x11b: {  	v4 =	vld [tilespmem:s22+$0x7150];
	v8 =	vmul.f32 v10, v2;
	v10 =	vadd.f32 v6, v11  }
0x11c: {  	v6 =	vld [tilespmem:s22+$0xF0];
	v1 =	vadd.f32 v7, v1;
	v7 =	vmul.f32 v5, v5;
	v9 =	vsub.f32 v12, v9  }
0x11d: {  	v5 =	vld [tilespmem:s22+$0x7140];
	v11 =	vmul.f32 v10, v2  }
0x11e: {  	v10 =	vld [tilespmem:s22+$0xE0];
	v1 =	vadd.f32 v7, v1;
	v12 =	vmul.f32 v9, v9;
	v8 =	vsub.f32 v14, v8  }
0x11f: {  	v9 =	vld [tilespmem:s22+$0xE0F0]  }
0x120: {  	v11 =	vsub.f32 v13, v11;
	v7 =	vld [tilespmem:s22+$0x7130];
	v1 =	vadd.f32 v12, v1;
	v8 =	vmul.f32 v8, v8  }
0x121: {  	v12 =	vld [tilespmem:s22+$0xD0]  }
0x122: {  	v16 =	vld [tilespmem:s22+$0xE0E0];
	v1 =	vadd.f32 v8, v1;
	v8 =	vmul.f32 v11, v11  }
0x123: {  	v11 =	vld [tilespmem:s22+$0x15080]  }
0x124: {  	v13 =	vld [tilespmem:s22+$0x7030];
	v8 =	vadd.f32 v8, v1  }
0x125: {  	v17 =	vld [tilespmem:s22+$0xE0D0]  }
.Ltmp1:
0x126: {  	v14 =	vld [tilespmem:s22+$0x7110];
	(pc) =	sbr.rel @p0 .LBB2_4-.Ltmp1, $4  }
0x127: {  	v15 =	vld [tilespmem:s22+$0xB0]  }
0x128: {  	v18 =	vld [tilespmem:s22+$0x7100]  }
0x129: {  	v19 =	vld [tilespmem:s22+$0xA0]  }
0x12a: {  	s23 =	sadd.s32 $0x200, s23;
	v20 =	vld [tilespmem:s22+$0x7000]  }
0x12b: {  	v1 =	vld [tilespmem:s22+$0xE080]  }
0x12c: {  	v21 =	vld [tilespmem:s22+$0x80]  }
0x12d: {  	v22 =	vld [tilespmem:s22+$0xE090]  }
0x12e: {  	v23 =	vld [tilespmem:s22+$0xE0A0]  }
0x12f: {  	v24 =	vld [tilespmem:s22+$0x90]  }
0x130: {  	v25 =	vld [tilespmem:s22+$0xE0B0]  }
0x131: {  	v26 =	vld [tilespmem:s22+$0x7010]  }
0x132: {  	v27 =	vld [tilespmem:s22+$0xE0C0]  }
0x133: {  	v28 =	vld [tilespmem:s22+$0x7020]  }
0x134: {  	v30 =	vld [tilespmem:s22+$0xC0]  }
0x135: {  	v31 =	vld [tilespmem:s22+$0x7120]  }
0x136: {  	v32 =	vld [tilespmem:s22+$0x7040]  }
0x137: {  	v33 =	vld [tilespmem:s22+$0x15090]  }
0x138: {  	v34 =	vld [tilespmem:s22+$0x7050]  }
0x139: {  	v35 =	vld [tilespmem:s22+$0x150A0]  }
0x13a: {  	v36 =	vld [tilespmem:s22+$0x7060]  }
0x13b: {  	v37 =	vld [tilespmem:s22+$0x150B0]  }
0x13c: {  	v38 =	vld [tilespmem:s22+$0x7070]  }
0x13d: {  	v39 =	vld [tilespmem:s22+$0x150C0]  }
0x13e: {  	v40 =	vld [tilespmem:s22+$0x150D0];
	v16 =	vmul.f32 v16, v0;
	v1 =	vmul.f32 v1, v0  }
0x13f: {  	v42 =	vld [tilespmem:s22+$0x150E0];
	v45 =	vmul.f32 v17, v0;
	v9 =	vmul.f32 v9, v0  }
0x140: {  	v44 =	vld [tilespmem:$0x6F80];
	v10 =	vadd.f32 v16, v10;
	v62 =	vmul.f32 v22, v0;
	v1 =	vadd.f32 v1, v21  }
0x141: {  	v46 =	vld [tilespmem:$0x14F80];
	v12 =	vadd.f32 v45, v12;
	v6 =	vadd.f32 v9, v6;
	v23 =	vmul.f32 v23, v0  }
0x142: {  	v48 =	vld [tilespmem:$0xDF00];
	v63 =	vadd.f32 v62, v24;
	v1 =	vadd.f32 v1, v20  }
0x143: {  	v50 =	vld [tilespmem:$0x1BF80];
	v41 =	vmul.f32 v25, v0;
	v12 =	vadd.f32 v12, v34;
	v19 =	vadd.f32 v23, v19  }
0x144: {  	v52 =	vld [tilespmem:$0x6F90];
	v43 =	vadd.f32 v63, v26;
	v1 =	vadd.f32 v1, v18  }
0x145: {  	v54 =	vld [tilespmem:$0x14F90];
	v47 =	vmul.f32 v27, v0;
	v10 =	vadd.f32 v10, v36;
	v15 =	vadd.f32 v41, v15  }
0x146: {  	v55 =	vld [tilespmem:$0xDF10];
	v49 =	vadd.f32 v19, v28;
	v14 =	vadd.f32 v43, v14;
	v1 =	vmul.f32 v1, v2  }
0x147: {  	v57 =	vld [tilespmem:$0x1BF90];
	v23 =	vadd.f32 v47, v30;
	v13 =	vadd.f32 v15, v13  }
0x148: {  	v59 =	vld [tilespmem:$0x6FA0];
	v53 =	vadd.f32 v49, v31;
	v51 =	vmul.f32 v14, v2;
	v1 =	vsub.f32 v11, v1  }
0x149: {  	v60 =	vld [tilespmem:$0x14FA0];
	v23 =	vadd.f32 v23, v32;
	v7 =	vadd.f32 v13, v7  }
0x14a: {  	v61 =	vld [tilespmem:$0xDF20];
	v56 =	vmul.f32 v53, v2;
	v11 =	vsub.f32 v33, v51;
	v1 =	vmul.f32 v1, v1  }
0x14b: {  	v45 =	vld [tilespmem:$0xDF50];
	v3 =	vadd.f32 v10, v3;
	v5 =	vadd.f32 v23, v5;
	v7 =	vmul.f32 v7, v2  }
0x14c: {  	v22 =	vld [tilespmem:s22+$0x7170];
	v13 =	vsub.f32 v35, v56;
	v58 =	vmul.f32 v11, v11;
	v1 =	vadd.f32 v1, v8  }
0x14d: {  	v34 =	vld [tilespmem:$0x1BFB0];
	v4 =	vadd.f32 v12, v4;
	v3 =	vmul.f32 v3, v2;
	v5 =	vmul.f32 v5, v2  }
0x14e: {  	v36 =	vld [tilespmem:$0x14FC0];
	v7 =	vsub.f32 v37, v7;
	v13 =	vmul.f32 v13, v13;
	v1 =	vadd.f32 v58, v1  }
0x14f: {  	v6 =	vadd.f32 v6, v38;
	v21 =	vld [tilespmem:s22+$0x150F0];
	v4 =	vmul.f32 v4, v2;
	v3 =	vsub.f32 v42, v3  }
0x150: {  	v42 =	vld [tilespmem:$0x14FD0];
	v5 =	vsub.f32 v39, v5;
	v7 =	vmul.f32 v7, v7;
	v1 =	vadd.f32 v13, v1  }
0x151: {  	v16 =	vmul.f32 v54, v0;
	v26 =	vld [tilespmem:$0x14FB0];
	v32 =	vmul.f32 v46, v0;
	v6 =	vadd.f32 v6, v22  }
0x152: {  	v4 =	vsub.f32 v40, v4;
	v40 =	vld [tilespmem:$0x6FD0];
	v5 =	vmul.f32 v5, v5;
	v1 =	vadd.f32 v7, v1  }
0x153: {  	v38 =	vmul.f32 v60, v0;
	v63 =	vld [tilespmem:$0x6FB0];
	v6 =	vmul.f32 v6, v2;
	v13 =	vadd.f32 v32, v44  }
0x154: {  	v46 =	vld [tilespmem:$0x14FE0];
	v4 =	vmul.f32 v4, v4;
	v14 =	vadd.f32 v16, v52;
	v1 =	vadd.f32 v5, v1  }
0x155: {  	v49 =	vld [tilespmem:$0x6FE0];
	v3 =	vmul.f32 v3, v3;
	v52 =	vmul.f32 v42, v0;
	v13 =	vadd.f32 v13, v48  }
0x156: {  	v6 =	vsub.f32 v21, v6;
	v41 =	vmul.f32 v26, v0;
	v35 =	vld [tilespmem:$0x6FC0];
	v1 =	vadd.f32 v4, v1  }
0x157: {  	v33 =	vld [tilespmem:$0xDF30];
	v14 =	vadd.f32 v14, v55;
	v55 =	vadd.f32 v52, v40;
	v13 =	vmul.f32 v13, v29  }
0x158: {  	v37 =	vld [tilespmem:$0xDF40];
	v6 =	vmul.f32 v6, v6;
	v1 =	vadd.f32 v3, v1;
	v3 =	vadd.f32 v38, v59  }
0x159: {  	v62 =	vld [tilespmem:$0x1BFA0];
	v44 =	vmul.f32 v14, v29;
	v5 =	vmul.f32 v36, v0;
	v43 =	vsub.f32 v50, v13  }
0x15a: {  	v8 =	vmul.f32 v46, v0;
	v4 =	vadd.f32 v41, v63;
	v50 =	vld [tilespmem:$0x14FF0];
	v3 =	vadd.f32 v3, v61  }
0x15b: {  	v53 =	vld [tilespmem:$0xDF60];
	v48 =	vsub.f32 v57, v44;
	v5 =	vadd.f32 v5, v35;
	v47 =	vmul.f32 v43, v43  }
0x15c: {  	v39 =	vld [tilespmem:$0x1BFC0];
	v4 =	vadd.f32 v4, v33;
	v1 =	vadd.f32 v6, v1;
	v3 =	vmul.f32 v3, v29  }
0x15d: {  	v54 =	vld [tilespmem:$0x6FF0];
	v8 =	vadd.f32 v8, v49;
	v51 =	vmul.f32 v48, v48;
	v5 =	vadd.f32 v5, v37  }
0x15e: {  	v56 =	vld [tilespmem:$0x1BFD0];
	v4 =	vmul.f32 v4, v29;
	v1 =	vadd.f32 v47, v1;
	v3 =	vsub.f32 v62, v3  }
0x15f: {  	v57 =	vld [tilespmem:$0xDF70];
	v5 =	vmul.f32 v5, v29;
	v6 =	vadd.f32 v55, v45;
	v58 =	vmul.f32 v50, v0  }
0x160: {  	v60 =	vld [tilespmem:$0x1BFE0];
	v4 =	vsub.f32 v34, v4;
	v1 =	vadd.f32 v51, v1;
	v3 =	vmul.f32 v3, v3  }
0x161: {  	v8 =	vadd.f32 v8, v53;
	v59 =	vsub.f32 v39, v5;
	v6 =	vmul.f32 v6, v29  }
0x162: {  	v61 =	vadd.f32 v58, v54;
	v1 =	vadd.f32 v3, v1;
	v3 =	vmul.f32 v4, v4  }
0x163: {  	v8 =	vmul.f32 v8, v29;
	v62 =	vld [tilespmem:$0x1BFF0];
	v6 =	vsub.f32 v56, v6  }
0x164: {  	v7 =	vadd.f32 v61, v57;
	v1 =	vadd.f32 v3, v1;
	v3 =	vmul.f32 v59, v59  }
0x165: {  	v5 =	vsub.f32 v60, v8  }
0x166: {  	v63 =	vmul.f32 v7, v29;
	v1 =	vadd.f32 v3, v1;
	v3 =	vmul.f32 v6, v6;
	_ =	sdelay $0x1  }
0x167: {  	v4 =	vsub.f32 v62, v63;
	v1 =	vadd.f32 v3, v1;
	v3 =	vmul.f32 v5, v5;
	_ =	sdelay $0x1  }
0x168: {  	v1 =	vadd.f32 v3, v1;
	v3 =	vmul.f32 v4, v4;
	_ =	sdelay $0x1  }
0x169: {  	s21 =	sadd.s32 $0x1, s21;
	v1 =	vadd.f32 v3, v1  }
0x16a: {  	p0 =	sne.s32 s21, s12  }
.Ltmp2:
0x16b: {  	[tilespmem:$0x1C000] =	vst v1;
	(pc) =	sbr.rel @p0 .LBB2_1-.Ltmp2, $4  }
0x16c: {  	[hbm4b:s11+s2] =	stream.linear.scatter [tilespmem:s20], [sflag:$0x2], $0x80, $0x38;
	[tilespmem:$0x1C080] =	vst v63  }
0x16d: {  	_ =	swait.ge [sflag:s18], $0x80  }
0x16e: {  	[sflag:s18] =	ssyncset.done $0x0  }
0x16f: {  	[sflag:s18] =	ssyncadd.s32 $0xFFFFFF80  }
0x170: {  	_ =	sfence.sel $0x180000  }
0x171: {  	[bflag:$0x0] =	sbarrier.arrive $0xFFFF  }
0x172: {  	p0 =	sne.s32 s0, $0x0;
	_ =	strace $0x90000047  }
0x173: {  	s0 =	sadd.s32 @!p0 $0x100000, s1;
	[bflag:$0x2] =	sbarrier.arrive $0xFFFF  }
0x174: {  	[sflag:s0] =	ssyncadd.tile.s32 @!p0 $0x1;
	_ =	shalt  }
.Lfunc_end2:
_tile_overlayer_lowered:
.L_overlay_start_2:
0x175: {  	(tag) =	ssettag $0x2  }
0x176: {  	s0 =	rddreg [dreg:$0x0];
	s2 =	stileid.u32  }
0x177: {  	s1 =	rddreg [dreg:$0x1];
	p0 =	sne.s32 s2, $0x0  }
0x178: {  	s3 =	rddreg [dreg:$0x2];
	[bflag:$0x3] =	sbarrier.arrive $0xFFFF;
	s2 =	simm.s32 @!p0 $0x1C02  }
0x179: {  	[timem:s3], [sflag:s2] =	dma.local @!p0 [hbm:s0], s1  }
0x17a: {  	s0 =	simm.s32 @!p0 $0x2  }
0x17b: {  	_ =	swait.ge @!p0 [sflag:s0], s1  }
0x17c: {  	s1 =	ssub.s32 @!p0 $0x0, s1;
	[sflag:s0] =	ssyncset.done @!p0 $0x0  }
0x17d: {  	[sflag:s0] =	ssyncadd.s32 @!p0 s1  }
0x17e: {  	[bflag:$0x3] =	sbarrier.arrive $0xFFFF  }
0x17f: {  	_ =	shalt  }

</sc_bundles>
